<compile_context>
chip_gen: v7x
topology: tpu7x:2x2x1
jax: 0.10.2.dev20260603
libtpu: 0.0.44.dev20260713+nightly
codegen_flags: <defaults>
</compile_context>

<pallas_src>
import jax
import jax.numpy as jnp
from jax import lax
from jax.experimental import pallas as pl
from jax.experimental.pallas import tpu as pltpu
from jax.experimental.pallas import tpu_sc as plsc

_NC = 2
_NS = 16
_NW = _NC * _NS
_CH = 128


def _make_seg_sum(n_pad, d, n0, n1, n1_last, with_counts):
    t0 = _NS * n0
    rpt = n_pad // _NS
    ncp = rpt // _CH
    dd = d + 16 if with_counts else d
    mesh = plsc.VectorSubcoreMesh(core_axis_name="c", subcore_axis_name="s")

    outs = jax.ShapeDtypeStruct((_NC, n_pad, dd), jnp.float32)
    scratch = [
        pltpu.VMEM((n0, _CH), jnp.int32),
        pltpu.VMEM((n0, _CH), jnp.int32),
        pltpu.VMEM((_CH, d // 2), jnp.int32),
        pltpu.VMEM((_CH, d // 2), jnp.int32),
        pltpu.VMEM((_CH, dd), jnp.float32),
        pltpu.VMEM((_CH, dd), jnp.float32),
        pltpu.VMEM_SHARED((n_pad, dd), jnp.float32),
        pltpu.SemaphoreType.DMA,
        pltpu.SemaphoreType.DMA,
        pltpu.SemaphoreType.DMA,
        pltpu.SemaphoreType.DMA,
    ]

    def load_idx(idx_hbm, c, s, src_v, dst_v):
        @pl.when(c == 0)
        def _():
            off = s * n0
            pltpu.sync_copy(idx_hbm.at[0, pl.ds(off, n0)], src_v)
            pltpu.sync_copy(idx_hbm.at[1, pl.ds(off, n0)], dst_v)

        @pl.when((c == 1) & (s < _NS - 1))
        def _():
            off = t0 + s * n1
            pltpu.sync_copy(idx_hbm.at[0, pl.ds(off, n1)],
                            src_v.at[pl.ds(0, n1)])
            pltpu.sync_copy(idx_hbm.at[1, pl.ds(off, n1)],
                            dst_v.at[pl.ds(0, n1)])

        @pl.when((c == 1) & (s == _NS - 1))
        def _():
            off = t0 + (_NS - 1) * n1
            pltpu.sync_copy(idx_hbm.at[0, pl.ds(off, n1_last)],
                            src_v.at[pl.ds(0, n1_last)])
            pltpu.sync_copy(idx_hbm.at[1, pl.ds(off, n1_last)],
                            dst_v.at[pl.ds(0, n1_last)])

    def pipeline(rows_hbm, src_v, dst_v, bfA, bfB, bufA, bufB, acc_sh,
                 gsA, gsB, ssA, ssB, nch, per_chunk):
        pltpu.async_copy(rows_hbm.at[src_v.at[0]], bfA, gsA)
        pltpu.async_copy(rows_hbm.at[src_v.at[1]], bfB, gsB)

        def convert(bf, buf):
            @plsc.parallel_loop(0, _CH, unroll=4)
            def crow(i):
                for g in range(d // 32):
                    vi = bf[i, pl.ds(16 * g, 16)]
                    lo = lax.bitcast_convert_type(
                        lax.shift_left(vi, 16), jnp.float32)
                    hi = lax.bitcast_convert_type(
                        lax.bitwise_and(vi, jnp.int32(-65536)), jnp.float32)
                    buf[i, pl.ds(16 * g, 16)] = lo
                    buf[i, pl.ds(d // 2 + 16 * g, 16)] = hi

        def half(j, bf, buf, gs, ss):
            pltpu.make_async_copy(rows_hbm.at[src_v.at[j]], bf, gs).wait()
            convert(bf, buf)

            @pl.when(j + 2 < nch)
            def _():
                pltpu.async_copy(rows_hbm.at[src_v.at[j + 2]], bf, gs)

            dsc = pltpu.async_copy(buf, acc_sh.at[dst_v.at[j]], ss, add=True)
            per_chunk(j)
            dsc.wait()

        def step(t, carry):
            half(2 * t, bfA, bufA, gsA, ssA)
            half(2 * t + 1, bfB, bufB, gsB, ssB)
            return carry
        lax.fori_loop(0, nch // 2, step, 0)

        @pl.when(nch % 2 == 1)
        def _():
            half(nch - 1, bfA, bufA, gsA, ssA)

    def body(rows_hbm, idx_hbm, out_hbm,
             src_v, dst_v, bfA, bfB, bufA, bufB, acc_sh,
             gsA, gsB, ssA, ssB):
        zero16 = jnp.zeros((16,), jnp.float32)
        one16 = jnp.ones((16,), jnp.float32)
        c = lax.axis_index("c")
        s = lax.axis_index("s")
        nch = jnp.where(c == 0, n0, jnp.where(s < _NS - 1, n1, n1_last))
        load_idx(idx_hbm, c, s, src_v, dst_v)

        def zrow(i, carry):
            for cc in range(dd // 16):
                bufA[i, pl.ds(cc * 16, 16)] = zero16
            return carry
        lax.fori_loop(0, _CH, zrow, 0)

        r0 = s * rpt
        for i in range(ncp):
            pltpu.sync_copy(bufA, acc_sh.at[pl.ds(r0 + i * _CH, _CH)])

        if with_counts:
            def orow(i, carry):
                bufA[i, pl.ds(d, 16)] = one16
                bufB[i, pl.ds(d, 16)] = one16
                return carry
            lax.fori_loop(0, _CH, orow, 0)
        plsc.subcore_barrier()

        pipeline(rows_hbm, src_v, dst_v, bfA, bfB, bufA, bufB, acc_sh,
                 gsA, gsB, ssA, ssB, nch, lambda j: None)
        plsc.subcore_barrier()

        for i in range(ncp):
            sl = pl.ds(r0 + i * _CH, _CH)
            pltpu.sync_copy(acc_sh.at[sl], bufA)
            pltpu.sync_copy(bufA, out_hbm.at[c, sl])

    return pl.kernel(
        body, mesh=mesh, out_type=outs, scratch_types=scratch,
        compiler_params=pltpu.CompilerParams(use_tc_tiling_on_sc=False))


def _pack_bf16_pairs(xf):
    k = xf.shape[1] // 2
    one = jnp.uint32(1)
    half = jnp.uint32(0x7FFF)
    sixteen = jnp.uint32(16)
    ul = lax.bitcast_convert_type(xf[:, :k], jnp.uint32)
    ur = lax.bitcast_convert_type(xf[:, k:], jnp.uint32)
    tl = lax.shift_right_logical(
        ul + half + (lax.shift_right_logical(ul, sixteen) & one), sixteen)
    tr = lax.shift_right_logical(
        ur + half + (lax.shift_right_logical(ur, sixteen) & one), sixteen)
    return lax.bitcast_convert_type(
        tl | lax.shift_left(tr, sixteen), jnp.int32)


def _k1(x_ref, w_ref, o_ref):
    o_ref[...] = _pack_bf16_pairs(
        jnp.dot(x_ref[...], w_ref[...], preferred_element_type=jnp.float32))


def _k3(p_ref, x_ref, w1root_ref, b1_ref, w2rel_ref, h_ref, hr_ref):
    n = x_ref.shape[0]
    k = w1root_ref.shape[1]
    agg = p_ref[0, :n, :k] + p_ref[1, :n, :k]
    cnt = p_ref[0, :n, k:k + 1] + p_ref[1, :n, k:k + 1]
    inv = 1.0 / jnp.maximum(cnt, 1.0)
    root = jnp.dot(x_ref[...], w1root_ref[...],
                   preferred_element_type=jnp.float32)
    h = jnp.maximum(agg * inv + b1_ref[...][None, :] + root, 0.0)
    h_ref[...] = h
    hr_ref[...] = _pack_bf16_pairs(
        jnp.dot(h, w2rel_ref[...], preferred_element_type=jnp.float32))


def _k5(p_ref, c_ref, h_ref, w2root_ref, b2_ref, wl_ref, bl_ref, o_ref):
    n = h_ref.shape[0]
    k = h_ref.shape[1]
    agg = p_ref[0, :n, :] + p_ref[1, :n, :]
    cnt = c_ref[0, :n, k:k + 1] + c_ref[1, :n, k:k + 1]
    inv = 1.0 / jnp.maximum(cnt, 1.0)
    root = jnp.dot(h_ref[...], w2root_ref[...],
                   preferred_element_type=jnp.float32)
    h2 = jnp.maximum(agg * inv + b2_ref[...][None, :] + root, 0.0)
    o_ref[...] = jnp.dot(h2, wl_ref[...],
                         preferred_element_type=jnp.float32) + bl_ref[0]


def kernel(x, edge_index, W1_rel, b1, W1_root, W2_rel, b2, W2_root, Wl, bl):
    n, d_in = x.shape
    h1 = W1_rel.shape[1]
    h2 = W2_rel.shape[1]
    e = edge_index.shape[1]

    if e % _CH:
        pad = -e % _CH
        edge_index = jnp.concatenate(
            [edge_index,
             jnp.stack([jnp.zeros((pad,), jnp.int32),
                        jnp.full((pad,), n, jnp.int32)])], axis=1)
    t_ch = edge_index.shape[1] // _CH
    idx3 = edge_index.reshape(2, t_ch, _CH)
    n0 = max(1, (int(t_ch * 0.527) // _NS))
    t1 = t_ch - _NS * n0
    n1 = -(-t1 // _NS)
    n1_last = t1 - (_NS - 1) * n1
    n_pad = -(-(n + 1) // (_NS * _CH)) * (_NS * _CH)

    xr = pl.pallas_call(
        _k1, out_shape=jax.ShapeDtypeStruct((n, h1 // 2), jnp.int32))(
            x, W1_rel)

    p1 = _make_seg_sum(n_pad, h1, n0, n1, n1_last, True)(xr, idx3)

    h, hr = pl.pallas_call(
        _k3,
        out_shape=[jax.ShapeDtypeStruct((n, h1), jnp.float32),
                   jax.ShapeDtypeStruct((n, h2 // 2), jnp.int32)],
    )(p1, x, W1_root, b1, W2_rel)

    p2 = _make_seg_sum(n_pad, h2, n0, n1, n1_last, False)(hr, idx3)

    out = pl.pallas_call(
        _k5,
        out_shape=jax.ShapeDtypeStruct((n, 1), jnp.float32),
    )(p2, p1, h, W2_root, b2, Wl, bl)
    return out

# --- scband reference (transcript-rebuilt; emitter-appended) ---
"""Pipeline reference for scband-fae-graph-conv-77653008712167 (READ-ONLY COPY).

The authoritative reference and input builder live on the scoring server;
editing this copy changes nothing except your own understanding.
"""

import jax, jax.numpy as jnp
import numpy as np

N_NODES = 10000
N_EDGES = 320000
D_IN = 128
H1 = 64
H2 = 32


def setup_inputs(seed: int = 0) -> dict:
    key = jax.random.key(seed)
    ks = jax.random.split(key, 12)
    x = jax.random.normal(ks[0], (N_NODES, D_IN), dtype=jnp.float32)
    edge_index = jax.random.randint(ks[1], (2, N_EDGES), 0, N_NODES, dtype=jnp.int32)
    # GraphConv layer 1: lin_rel (with bias) applied to aggregated neighbors, lin_root (no bias) applied to self
    W1_rel = jax.random.normal(ks[2], (D_IN, H1), dtype=jnp.float32) / np.sqrt(D_IN)
    b1 = jnp.zeros((H1,), dtype=jnp.float32)
    W1_root = jax.random.normal(ks[3], (D_IN, H1), dtype=jnp.float32) / np.sqrt(D_IN)
    # GraphConv layer 2
    W2_rel = jax.random.normal(ks[4], (H1, H2), dtype=jnp.float32) / np.sqrt(H1)
    b2 = jnp.zeros((H2,), dtype=jnp.float32)
    W2_root = jax.random.normal(ks[5], (H1, H2), dtype=jnp.float32) / np.sqrt(H1)
    # final Linear(32, 1)
    Wl = jax.random.normal(ks[6], (H2, 1), dtype=jnp.float32) / np.sqrt(H2)
    bl = jnp.zeros((1,), dtype=jnp.float32)
    return {"x": x, "edge_index": edge_index, "W1_rel": W1_rel, "b1": b1, "W1_root": W1_root,
            "W2_rel": W2_rel, "b2": b2, "W2_root": W2_root, "Wl": Wl, "bl": bl}


def _graph_conv_mean(x, edge_index, W_rel, b, W_root):
    # PyG GraphConv with aggr='mean': out = lin_rel(mean_{j->i} x_j) + lin_root(x_i)
    src = edge_index[0]
    dst = edge_index[1]
    n = x.shape[0]
    msgs = jnp.take(x, src, axis=0)
    sums = jax.ops.segment_sum(msgs, dst, num_segments=n)
    cnt = jax.ops.segment_sum(jnp.ones((edge_index.shape[1],), dtype=x.dtype), dst, num_segments=n)
    mean = sums / jnp.clip(cnt, 1.0)[:, None]
    return mean @ W_rel + b + x @ W_root


def reference(x, edge_index, W1_rel, b1, W1_root, W2_rel, b2, W2_root, Wl, bl):
    h = jax.nn.relu(_graph_conv_mean(x, edge_index, W1_rel, b1, W1_root))
    h = jax.nn.relu(_graph_conv_mean(h, edge_index, W2_rel, b2, W2_root))
    out = h @ Wl + bl
    return out

if __name__ == "__main__":
    import jax
    _d = setup_inputs()
    print(jax.jit(kernel)(*tuple(_d.values())))

</pallas_src>

<mosaic_0001>
#map = affine_map<(d0, d1) -> (0, 0)>
#map1 = affine_map<(d0, d1) -> (0, 0, 0)>
module attributes {stable_mosaic.version = 14 : i64} {
  func.func @body(%arg0: i32, %arg1: i32, %arg2: memref<10000x32xi32, #tpu.memory_space<hbm>>, %arg3: memref<2x2500x128xi32, #tpu.memory_space<hbm>>, %arg4: memref<2x10240x80xf32, #tpu.memory_space<hbm>>, %arg5: memref<82x128xi32, #tpu.memory_space<vmem>>, %arg6: memref<82x128xi32, #tpu.memory_space<vmem>>, %arg7: memref<128x32xi32, #tpu.memory_space<vmem>>, %arg8: memref<128x32xi32, #tpu.memory_space<vmem>>, %arg9: memref<128x80xf32, #tpu.memory_space<vmem>>, %arg10: memref<128x80xf32, #tpu.memory_space<vmem>>, %arg11: memref<10240x80xf32, #tpu.memory_space<vmem_shared>>, %arg12: memref<!tpu.dma_semaphore, #tpu.memory_space<semaphore_mem>>, %arg13: memref<!tpu.dma_semaphore, #tpu.memory_space<semaphore_mem>>, %arg14: memref<!tpu.dma_semaphore, #tpu.memory_space<semaphore_mem>>, %arg15: memref<!tpu.dma_semaphore, #tpu.memory_space<semaphore_mem>>) attributes {dimension_semantics = [#tpu.dimension_semantics<core_parallel>, #tpu.dimension_semantics<subcore_parallel>], iteration_bounds = array<i64: 2, 16>, scalar_prefetch = 0 : i64, scratch_operands = 11 : i64, tpu.core_type = #tpu.core_type<sc_vector_subcore>, window_params = [{transform_indices = #map}, {transform_indices = #map1}, {transform_indices = #map1}]} {
    %broadcast_in_dim3A = arith.constant 0.000000e+00 : f32
    %broadcast_in_dim3A_0 = vector.broadcast %broadcast_in_dim3A : f32 to vector<16xf32>
    %broadcast_in_dim3A_1 = arith.constant 1.000000e+00 : f32
    %broadcast_in_dim3A_2 = vector.broadcast %broadcast_in_dim3A_1 : f32 to vector<16xf32>
    %eq3A = arith.constant 0 : i32
    %eq3A_3 = arith.cmpi eq, %arg0, %eq3A : i32
    %lt3A = arith.constant 15 : i32
    %lt3A_4 = arith.cmpi slt, %arg1, %lt3A : i32
    %jit3A = arith.constant 75 : i32
    %jit3A_5 = arith.constant 63 : i32
    %select_n3A = arith.select %lt3A_4, %jit3A, %jit3A_5 : i32
    %jit3A_6 = arith.constant 82 : i32
    %select_n3A_7 = arith.select %eq3A_3, %jit3A_6, %select_n3A : i32
    %eq3A_8 = arith.constant 0 : i32
    %eq3A_9 = arith.cmpi eq, %arg0, %eq3A_8 : i32
    %convert_element_type3A = arith.extui %eq3A_9 : i1 to i32
    %cond3A = arith.constant 0 : i32
    %cond3A_10 = arith.cmpi ne, %convert_element_type3A, %cond3A : i32
    scf.if %cond3A_10 {
      %mul3A_120 = arith.constant 82 : i32
      %mul3A_121 = arith.muli %arg1, %mul3A_120 : i32
      %run_scoped3A = arith.constant 0 : i32
      "tpu.region"() ({
        %run_scoped3A_123 = tpu.sem_alloc : memref<!tpu.dma_semaphore, #tpu.memory_space<semaphore_mem>>
        %dma_start3A_124 = arith.constant 0 : i32
        %dma_start3A_125 = tpu.memref_slice %arg3[%run_scoped3A, %mul3A_121, %dma_start3A_124] : memref<2x2500x128xi32, #tpu.memory_space<hbm>> -> memref<1x82x128xi32, #tpu.memory_space<hbm>>
        %dma_start3A_126 = tpu.memref_squeeze %dma_start3A_125 : memref<1x82x128xi32, #tpu.memory_space<hbm>> -> memref<82x128xi32, #tpu.memory_space<hbm>>
        %dma_start3A_127 = arith.constant 0 : i32
        %dma_start3A_128 = tpu.memref_slice %arg3[%run_scoped3A, %mul3A_121, %dma_start3A_127] : memref<2x2500x128xi32, #tpu.memory_space<hbm>> -> memref<1x82x128xi32, #tpu.memory_space<hbm>>
        %dma_start3A_129 = tpu.memref_squeeze %dma_start3A_128 : memref<1x82x128xi32, #tpu.memory_space<hbm>> -> memref<82x128xi32, #tpu.memory_space<hbm>>
        tpu.enqueue_dma source(%dma_start3A_129 : memref<82x128xi32, #tpu.memory_space<hbm>>) target(%arg5 : memref<82x128xi32, #tpu.memory_space<vmem>>) target_semaphore(%run_scoped3A_123 : memref<!tpu.dma_semaphore, #tpu.memory_space<semaphore_mem>>)
        %dma_wait3A = arith.constant 0 : i32
        %dma_wait3A_130 = tpu.memref_slice %arg3[%run_scoped3A, %mul3A_121, %dma_wait3A] : memref<2x2500x128xi32, #tpu.memory_space<hbm>> -> memref<1x82x128xi32, #tpu.memory_space<hbm>>
        %dma_wait3A_131 = tpu.memref_squeeze %dma_wait3A_130 : memref<1x82x128xi32, #tpu.memory_space<hbm>> -> memref<82x128xi32, #tpu.memory_space<hbm>>
        %dma_wait3A_132 = arith.constant 0 : i32
        %dma_wait3A_133 = tpu.memref_slice %arg3[%run_scoped3A, %mul3A_121, %dma_wait3A_132] : memref<2x2500x128xi32, #tpu.memory_space<hbm>> -> memref<1x82x128xi32, #tpu.memory_space<hbm>>
        %dma_wait3A_134 = tpu.memref_squeeze %dma_wait3A_133 : memref<1x82x128xi32, #tpu.memory_space<hbm>> -> memref<82x128xi32, #tpu.memory_space<hbm>>
        tpu.wait_dma2 semaphore(%run_scoped3A_123 : memref<!tpu.dma_semaphore, #tpu.memory_space<semaphore_mem>>) src(%dma_wait3A_134 : memref<82x128xi32, #tpu.memory_space<hbm>>) dst(%arg5 : memref<82x128xi32, #tpu.memory_space<vmem>>)
        tpu.yield
      }) : () -> ()
      %run_scoped3A_122 = arith.constant 1 : i32
      "tpu.region"() ({
        %run_scoped3A_123 = tpu.sem_alloc : memref<!tpu.dma_semaphore, #tpu.memory_space<semaphore_mem>>
        %dma_start3A_124 = arith.constant 0 : i32
        %dma_start3A_125 = tpu.memref_slice %arg3[%run_scoped3A_122, %mul3A_121, %dma_start3A_124] : memref<2x2500x128xi32, #tpu.memory_space<hbm>> -> memref<1x82x128xi32, #tpu.memory_space<hbm>>
        %dma_start3A_126 = tpu.memref_squeeze %dma_start3A_125 : memref<1x82x128xi32, #tpu.memory_space<hbm>> -> memref<82x128xi32, #tpu.memory_space<hbm>>
        %dma_start3A_127 = arith.constant 0 : i32
        %dma_start3A_128 = tpu.memref_slice %arg3[%run_scoped3A_122, %mul3A_121, %dma_start3A_127] : memref<2x2500x128xi32, #tpu.memory_space<hbm>> -> memref<1x82x128xi32, #tpu.memory_space<hbm>>
        %dma_start3A_129 = tpu.memref_squeeze %dma_start3A_128 : memref<1x82x128xi32, #tpu.memory_space<hbm>> -> memref<82x128xi32, #tpu.memory_space<hbm>>
        tpu.enqueue_dma source(%dma_start3A_129 : memref<82x128xi32, #tpu.memory_space<hbm>>) target(%arg6 : memref<82x128xi32, #tpu.memory_space<vmem>>) target_semaphore(%run_scoped3A_123 : memref<!tpu.dma_semaphore, #tpu.memory_space<semaphore_mem>>)
        %dma_wait3A = arith.constant 0 : i32
        %dma_wait3A_130 = tpu.memref_slice %arg3[%run_scoped3A_122, %mul3A_121, %dma_wait3A] : memref<2x2500x128xi32, #tpu.memory_space<hbm>> -> memref<1x82x128xi32, #tpu.memory_space<hbm>>
        %dma_wait3A_131 = tpu.memref_squeeze %dma_wait3A_130 : memref<1x82x128xi32, #tpu.memory_space<hbm>> -> memref<82x128xi32, #tpu.memory_space<hbm>>
        %dma_wait3A_132 = arith.constant 0 : i32
        %dma_wait3A_133 = tpu.memref_slice %arg3[%run_scoped3A_122, %mul3A_121, %dma_wait3A_132] : memref<2x2500x128xi32, #tpu.memory_space<hbm>> -> memref<1x82x128xi32, #tpu.memory_space<hbm>>
        %dma_wait3A_134 = tpu.memref_squeeze %dma_wait3A_133 : memref<1x82x128xi32, #tpu.memory_space<hbm>> -> memref<82x128xi32, #tpu.memory_space<hbm>>
        tpu.wait_dma2 semaphore(%run_scoped3A_123 : memref<!tpu.dma_semaphore, #tpu.memory_space<semaphore_mem>>) src(%dma_wait3A_134 : memref<82x128xi32, #tpu.memory_space<hbm>>) dst(%arg6 : memref<82x128xi32, #tpu.memory_space<vmem>>)
        tpu.yield
      }) : () -> ()
    } else {
    }
    %eq3A_11 = arith.constant 1 : i32
    %eq3A_12 = arith.cmpi eq, %arg0, %eq3A_11 : i32
    %lt3A_13 = arith.constant 15 : i32
    %lt3A_14 = arith.cmpi slt, %arg1, %lt3A_13 : i32
    %and3A = arith.andi %eq3A_12, %lt3A_14 : i1
    %convert_element_type3A_15 = arith.extui %and3A : i1 to i32
    %cond3A_16 = arith.constant 0 : i32
    %cond3A_17 = arith.cmpi ne, %convert_element_type3A_15, %cond3A_16 : i32
    scf.if %cond3A_17 {
      %mul3A_120 = arith.constant 75 : i32
      %mul3A_121 = arith.muli %arg1, %mul3A_120 : i32
      %add3A_122 = arith.constant 1312 : i32
      %add3A_123 = arith.addi %add3A_122, %mul3A_121 : i32
      %run_scoped3A = arith.constant 0 : i32
      "tpu.region"() ({
        %run_scoped3A_125 = tpu.sem_alloc : memref<!tpu.dma_semaphore, #tpu.memory_space<semaphore_mem>>
        %dma_start3A_126 = arith.constant 0 : i32
        %dma_start3A_127 = arith.constant 0 : i32
        %dma_start3A_128 = tpu.memref_slice %arg5[%dma_start3A_126, %dma_start3A_127] : memref<82x128xi32, #tpu.memory_space<vmem>> -> memref<75x128xi32, #tpu.memory_space<vmem>>
        %dma_start3A_129 = arith.constant 0 : i32
        %dma_start3A_130 = tpu.memref_slice %arg3[%run_scoped3A, %add3A_123, %dma_start3A_129] : memref<2x2500x128xi32, #tpu.memory_space<hbm>> -> memref<1x75x128xi32, #tpu.memory_space<hbm>>
        %dma_start3A_131 = tpu.memref_squeeze %dma_start3A_130 : memref<1x75x128xi32, #tpu.memory_space<hbm>> -> memref<75x128xi32, #tpu.memory_space<hbm>>
        %dma_start3A_132 = arith.constant 0 : i32
        %dma_start3A_133 = arith.constant 0 : i32
        %dma_start3A_134 = tpu.memref_slice %arg5[%dma_start3A_132, %dma_start3A_133] : memref<82x128xi32, #tpu.memory_space<vmem>> -> memref<75x128xi32, #tpu.memory_space<vmem>>
        %dma_start3A_135 = arith.constant 0 : i32
        %dma_start3A_136 = tpu.memref_slice %arg3[%run_scoped3A, %add3A_123, %dma_start3A_135] : memref<2x2500x128xi32, #tpu.memory_space<hbm>> -> memref<1x75x128xi32, #tpu.memory_space<hbm>>
        %dma_start3A_137 = tpu.memref_squeeze %dma_start3A_136 : memref<1x75x128xi32, #tpu.memory_space<hbm>> -> memref<75x128xi32, #tpu.memory_space<hbm>>
        tpu.enqueue_dma source(%dma_start3A_137 : memref<75x128xi32, #tpu.memory_space<hbm>>) target(%dma_start3A_134 : memref<75x128xi32, #tpu.memory_space<vmem>>) target_semaphore(%run_scoped3A_125 : memref<!tpu.dma_semaphore, #tpu.memory_space<semaphore_mem>>)
        %dma_wait3A = arith.constant 0 : i32
        %dma_wait3A_138 = arith.constant 0 : i32
        %dma_wait3A_139 = tpu.memref_slice %arg5[%dma_wait3A, %dma_wait3A_138] : memref<82x128xi32, #tpu.memory_space<vmem>> -> memref<75x128xi32, #tpu.memory_space<vmem>>
        %dma_wait3A_140 = arith.constant 0 : i32
        %dma_wait3A_141 = tpu.memref_slice %arg3[%run_scoped3A, %add3A_123, %dma_wait3A_140] : memref<2x2500x128xi32, #tpu.memory_space<hbm>> -> memref<1x75x128xi32, #tpu.memory_space<hbm>>
        %dma_wait3A_142 = tpu.memref_squeeze %dma_wait3A_141 : memref<1x75x128xi32, #tpu.memory_space<hbm>> -> memref<75x128xi32, #tpu.memory_space<hbm>>
        %dma_wait3A_143 = arith.constant 0 : i32
        %dma_wait3A_144 = arith.constant 0 : i32
        %dma_wait3A_145 = tpu.memref_slice %arg5[%dma_wait3A_143, %dma_wait3A_144] : memref<82x128xi32, #tpu.memory_space<vmem>> -> memref<75x128xi32, #tpu.memory_space<vmem>>
        %dma_wait3A_146 = arith.constant 0 : i32
        %dma_wait3A_147 = tpu.memref_slice %arg3[%run_scoped3A, %add3A_123, %dma_wait3A_146] : memref<2x2500x128xi32, #tpu.memory_space<hbm>> -> memref<1x75x128xi32, #tpu.memory_space<hbm>>
        %dma_wait3A_148 = tpu.memref_squeeze %dma_wait3A_147 : memref<1x75x128xi32, #tpu.memory_space<hbm>> -> memref<75x128xi32, #tpu.memory_space<hbm>>
        tpu.wait_dma2 semaphore(%run_scoped3A_125 : memref<!tpu.dma_semaphore, #tpu.memory_space<semaphore_mem>>) src(%dma_wait3A_148 : memref<75x128xi32, #tpu.memory_space<hbm>>) dst(%dma_wait3A_145 : memref<75x128xi32, #tpu.memory_space<vmem>>)
        tpu.yield
      }) : () -> ()
      %run_scoped3A_124 = arith.constant 1 : i32
      "tpu.region"() ({
        %run_scoped3A_125 = tpu.sem_alloc : memref<!tpu.dma_semaphore, #tpu.memory_space<semaphore_mem>>
        %dma_start3A_126 = arith.constant 0 : i32
        %dma_start3A_127 = arith.constant 0 : i32
        %dma_start3A_128 = tpu.memref_slice %arg6[%dma_start3A_126, %dma_start3A_127] : memref<82x128xi32, #tpu.memory_space<vmem>> -> memref<75x128xi32, #tpu.memory_space<vmem>>
        %dma_start3A_129 = arith.constant 0 : i32
        %dma_start3A_130 = tpu.memref_slice %arg3[%run_scoped3A_124, %add3A_123, %dma_start3A_129] : memref<2x2500x128xi32, #tpu.memory_space<hbm>> -> memref<1x75x128xi32, #tpu.memory_space<hbm>>
        %dma_start3A_131 = tpu.memref_squeeze %dma_start3A_130 : memref<1x75x128xi32, #tpu.memory_space<hbm>> -> memref<75x128xi32, #tpu.memory_space<hbm>>
        %dma_start3A_132 = arith.constant 0 : i32
        %dma_start3A_133 = arith.constant 0 : i32
        %dma_start3A_134 = tpu.memref_slice %arg6[%dma_start3A_132, %dma_start3A_133] : memref<82x128xi32, #tpu.memory_space<vmem>> -> memref<75x128xi32, #tpu.memory_space<vmem>>
        %dma_start3A_135 = arith.constant 0 : i32
        %dma_start3A_136 = tpu.memref_slice %arg3[%run_scoped3A_124, %add3A_123, %dma_start3A_135] : memref<2x2500x128xi32, #tpu.memory_space<hbm>> -> memref<1x75x128xi32, #tpu.memory_space<hbm>>
        %dma_start3A_137 = tpu.memref_squeeze %dma_start3A_136 : memref<1x75x128xi32, #tpu.memory_space<hbm>> -> memref<75x128xi32, #tpu.memory_space<hbm>>
        tpu.enqueue_dma source(%dma_start3A_137 : memref<75x128xi32, #tpu.memory_space<hbm>>) target(%dma_start3A_134 : memref<75x128xi32, #tpu.memory_space<vmem>>) target_semaphore(%run_scoped3A_125 : memref<!tpu.dma_semaphore, #tpu.memory_space<semaphore_mem>>)
        %dma_wait3A = arith.constant 0 : i32
        %dma_wait3A_138 = arith.constant 0 : i32
        %dma_wait3A_139 = tpu.memref_slice %arg6[%dma_wait3A, %dma_wait3A_138] : memref<82x128xi32, #tpu.memory_space<vmem>> -> memref<75x128xi32, #tpu.memory_space<vmem>>
        %dma_wait3A_140 = arith.constant 0 : i32
        %dma_wait3A_141 = tpu.memref_slice %arg3[%run_scoped3A_124, %add3A_123, %dma_wait3A_140] : memref<2x2500x128xi32, #tpu.memory_space<hbm>> -> memref<1x75x128xi32, #tpu.memory_space<hbm>>
        %dma_wait3A_142 = tpu.memref_squeeze %dma_wait3A_141 : memref<1x75x128xi32, #tpu.memory_space<hbm>> -> memref<75x128xi32, #tpu.memory_space<hbm>>
        %dma_wait3A_143 = arith.constant 0 : i32
        %dma_wait3A_144 = arith.constant 0 : i32
        %dma_wait3A_145 = tpu.memref_slice %arg6[%dma_wait3A_143, %dma_wait3A_144] : memref<82x128xi32, #tpu.memory_space<vmem>> -> memref<75x128xi32, #tpu.memory_space<vmem>>
        %dma_wait3A_146 = arith.constant 0 : i32
        %dma_wait3A_147 = tpu.memref_slice %arg3[%run_scoped3A_124, %add3A_123, %dma_wait3A_146] : memref<2x2500x128xi32, #tpu.memory_space<hbm>> -> memref<1x75x128xi32, #tpu.memory_space<hbm>>
        %dma_wait3A_148 = tpu.memref_squeeze %dma_wait3A_147 : memref<1x75x128xi32, #tpu.memory_space<hbm>> -> memref<75x128xi32, #tpu.memory_space<hbm>>
        tpu.wait_dma2 semaphore(%run_scoped3A_125 : memref<!tpu.dma_semaphore, #tpu.memory_space<semaphore_mem>>) src(%dma_wait3A_148 : memref<75x128xi32, #tpu.memory_space<hbm>>) dst(%dma_wait3A_145 : memref<75x128xi32, #tpu.memory_space<vmem>>)
        tpu.yield
      }) : () -> ()
    } else {
    }
    %eq3A_18 = arith.constant 1 : i32
    %eq3A_19 = arith.cmpi eq, %arg0, %eq3A_18 : i32
    %eq3A_20 = arith.constant 15 : i32
    %eq3A_21 = arith.cmpi eq, %arg1, %eq3A_20 : i32
    %and3A_22 = arith.andi %eq3A_19, %eq3A_21 : i1
    %convert_element_type3A_23 = arith.extui %and3A_22 : i1 to i32
    %cond3A_24 = arith.constant 0 : i32
    %cond3A_25 = arith.cmpi ne, %convert_element_type3A_23, %cond3A_24 : i32
    scf.if %cond3A_25 {
      %run_scoped3A = arith.constant 0 : i32
      "tpu.region"() ({
        %run_scoped3A_121 = tpu.sem_alloc : memref<!tpu.dma_semaphore, #tpu.memory_space<semaphore_mem>>
        %dma_start3A_122 = arith.constant 0 : i32
        %dma_start3A_123 = arith.constant 0 : i32
        %dma_start3A_124 = tpu.memref_slice %arg5[%dma_start3A_122, %dma_start3A_123] : memref<82x128xi32, #tpu.memory_space<vmem>> -> memref<63x128xi32, #tpu.memory_space<vmem>>
        %dma_start3A_125 = arith.constant 2437 : i32
        %dma_start3A_126 = arith.constant 0 : i32
        %dma_start3A_127 = tpu.memref_slice %arg3[%run_scoped3A, %dma_start3A_125, %dma_start3A_126] : memref<2x2500x128xi32, #tpu.memory_space<hbm>> -> memref<1x63x128xi32, #tpu.memory_space<hbm>>
        %dma_start3A_128 = tpu.memref_squeeze %dma_start3A_127 : memref<1x63x128xi32, #tpu.memory_space<hbm>> -> memref<63x128xi32, #tpu.memory_space<hbm>>
        %dma_start3A_129 = arith.constant 0 : i32
        %dma_start3A_130 = arith.constant 0 : i32
        %dma_start3A_131 = tpu.memref_slice %arg5[%dma_start3A_129, %dma_start3A_130] : memref<82x128xi32, #tpu.memory_space<vmem>> -> memref<63x128xi32, #tpu.memory_space<vmem>>
        %dma_start3A_132 = arith.constant 2437 : i32
        %dma_start3A_133 = arith.constant 0 : i32
        %dma_start3A_134 = tpu.memref_slice %arg3[%run_scoped3A, %dma_start3A_132, %dma_start3A_133] : memref<2x2500x128xi32, #tpu.memory_space<hbm>> -> memref<1x63x128xi32, #tpu.memory_space<hbm>>
        %dma_start3A_135 = tpu.memref_squeeze %dma_start3A_134 : memref<1x63x128xi32, #tpu.memory_space<hbm>> -> memref<63x128xi32, #tpu.memory_space<hbm>>
        tpu.enqueue_dma source(%dma_start3A_135 : memref<63x128xi32, #tpu.memory_space<hbm>>) target(%dma_start3A_131 : memref<63x128xi32, #tpu.memory_space<vmem>>) target_semaphore(%run_scoped3A_121 : memref<!tpu.dma_semaphore, #tpu.memory_space<semaphore_mem>>)
        %dma_wait3A = arith.constant 0 : i32
        %dma_wait3A_136 = arith.constant 0 : i32
        %dma_wait3A_137 = tpu.memref_slice %arg5[%dma_wait3A, %dma_wait3A_136] : memref<82x128xi32, #tpu.memory_space<vmem>> -> memref<63x128xi32, #tpu.memory_space<vmem>>
        %dma_wait3A_138 = arith.constant 2437 : i32
        %dma_wait3A_139 = arith.constant 0 : i32
        %dma_wait3A_140 = tpu.memref_slice %arg3[%run_scoped3A, %dma_wait3A_138, %dma_wait3A_139] : memref<2x2500x128xi32, #tpu.memory_space<hbm>> -> memref<1x63x128xi32, #tpu.memory_space<hbm>>
        %dma_wait3A_141 = tpu.memref_squeeze %dma_wait3A_140 : memref<1x63x128xi32, #tpu.memory_space<hbm>> -> memref<63x128xi32, #tpu.memory_space<hbm>>
        %dma_wait3A_142 = arith.constant 0 : i32
        %dma_wait3A_143 = arith.constant 0 : i32
        %dma_wait3A_144 = tpu.memref_slice %arg5[%dma_wait3A_142, %dma_wait3A_143] : memref<82x128xi32, #tpu.memory_space<vmem>> -> memref<63x128xi32, #tpu.memory_space<vmem>>
        %dma_wait3A_145 = arith.constant 2437 : i32
        %dma_wait3A_146 = arith.constant 0 : i32
        %dma_wait3A_147 = tpu.memref_slice %arg3[%run_scoped3A, %dma_wait3A_145, %dma_wait3A_146] : memref<2x2500x128xi32, #tpu.memory_space<hbm>> -> memref<1x63x128xi32, #tpu.memory_space<hbm>>
        %dma_wait3A_148 = tpu.memref_squeeze %dma_wait3A_147 : memref<1x63x128xi32, #tpu.memory_space<hbm>> -> memref<63x128xi32, #tpu.memory_space<hbm>>
        tpu.wait_dma2 semaphore(%run_scoped3A_121 : memref<!tpu.dma_semaphore, #tpu.memory_space<semaphore_mem>>) src(%dma_wait3A_148 : memref<63x128xi32, #tpu.memory_space<hbm>>) dst(%dma_wait3A_144 : memref<63x128xi32, #tpu.memory_space<vmem>>)
        tpu.yield
      }) : () -> ()
      %run_scoped3A_120 = arith.constant 1 : i32
      "tpu.region"() ({
        %run_scoped3A_121 = tpu.sem_alloc : memref<!tpu.dma_semaphore, #tpu.memory_space<semaphore_mem>>
        %dma_start3A_122 = arith.constant 0 : i32
        %dma_start3A_123 = arith.constant 0 : i32
        %dma_start3A_124 = tpu.memref_slice %arg6[%dma_start3A_122, %dma_start3A_123] : memref<82x128xi32, #tpu.memory_space<vmem>> -> memref<63x128xi32, #tpu.memory_space<vmem>>
        %dma_start3A_125 = arith.constant 2437 : i32
        %dma_start3A_126 = arith.constant 0 : i32
        %dma_start3A_127 = tpu.memref_slice %arg3[%run_scoped3A_120, %dma_start3A_125, %dma_start3A_126] : memref<2x2500x128xi32, #tpu.memory_space<hbm>> -> memref<1x63x128xi32, #tpu.memory_space<hbm>>
        %dma_start3A_128 = tpu.memref_squeeze %dma_start3A_127 : memref<1x63x128xi32, #tpu.memory_space<hbm>> -> memref<63x128xi32, #tpu.memory_space<hbm>>
        %dma_start3A_129 = arith.constant 0 : i32
        %dma_start3A_130 = arith.constant 0 : i32
        %dma_start3A_131 = tpu.memref_slice %arg6[%dma_start3A_129, %dma_start3A_130] : memref<82x128xi32, #tpu.memory_space<vmem>> -> memref<63x128xi32, #tpu.memory_space<vmem>>
        %dma_start3A_132 = arith.constant 2437 : i32
        %dma_start3A_133 = arith.constant 0 : i32
        %dma_start3A_134 = tpu.memref_slice %arg3[%run_scoped3A_120, %dma_start3A_132, %dma_start3A_133] : memref<2x2500x128xi32, #tpu.memory_space<hbm>> -> memref<1x63x128xi32, #tpu.memory_space<hbm>>
        %dma_start3A_135 = tpu.memref_squeeze %dma_start3A_134 : memref<1x63x128xi32, #tpu.memory_space<hbm>> -> memref<63x128xi32, #tpu.memory_space<hbm>>
        tpu.enqueue_dma source(%dma_start3A_135 : memref<63x128xi32, #tpu.memory_space<hbm>>) target(%dma_start3A_131 : memref<63x128xi32, #tpu.memory_space<vmem>>) target_semaphore(%run_scoped3A_121 : memref<!tpu.dma_semaphore, #tpu.memory_space<semaphore_mem>>)
        %dma_wait3A = arith.constant 0 : i32
        %dma_wait3A_136 = arith.constant 0 : i32
        %dma_wait3A_137 = tpu.memref_slice %arg6[%dma_wait3A, %dma_wait3A_136] : memref<82x128xi32, #tpu.memory_space<vmem>> -> memref<63x128xi32, #tpu.memory_space<vmem>>
        %dma_wait3A_138 = arith.constant 2437 : i32
        %dma_wait3A_139 = arith.constant 0 : i32
        %dma_wait3A_140 = tpu.memref_slice %arg3[%run_scoped3A_120, %dma_wait3A_138, %dma_wait3A_139] : memref<2x2500x128xi32, #tpu.memory_space<hbm>> -> memref<1x63x128xi32, #tpu.memory_space<hbm>>
        %dma_wait3A_141 = tpu.memref_squeeze %dma_wait3A_140 : memref<1x63x128xi32, #tpu.memory_space<hbm>> -> memref<63x128xi32, #tpu.memory_space<hbm>>
        %dma_wait3A_142 = arith.constant 0 : i32
        %dma_wait3A_143 = arith.constant 0 : i32
        %dma_wait3A_144 = tpu.memref_slice %arg6[%dma_wait3A_142, %dma_wait3A_143] : memref<82x128xi32, #tpu.memory_space<vmem>> -> memref<63x128xi32, #tpu.memory_space<vmem>>
        %dma_wait3A_145 = arith.constant 2437 : i32
        %dma_wait3A_146 = arith.constant 0 : i32
        %dma_wait3A_147 = tpu.memref_slice %arg3[%run_scoped3A_120, %dma_wait3A_145, %dma_wait3A_146] : memref<2x2500x128xi32, #tpu.memory_space<hbm>> -> memref<1x63x128xi32, #tpu.memory_space<hbm>>
        %dma_wait3A_148 = tpu.memref_squeeze %dma_wait3A_147 : memref<1x63x128xi32, #tpu.memory_space<hbm>> -> memref<63x128xi32, #tpu.memory_space<hbm>>
        tpu.wait_dma2 semaphore(%run_scoped3A_121 : memref<!tpu.dma_semaphore, #tpu.memory_space<semaphore_mem>>) src(%dma_wait3A_148 : memref<63x128xi32, #tpu.memory_space<hbm>>) dst(%dma_wait3A_144 : memref<63x128xi32, #tpu.memory_space<vmem>>)
        tpu.yield
      }) : () -> ()
    } else {
    }
    %scan3A = arith.constant 0 : i32
    %scan3A_26 = arith.constant 0 : i32
    %scan3A_27 = arith.constant 128 : i32
    %scan3A_28 = arith.addi %scan3A_26, %scan3A_27 : i32
    %scan3A_29 = arith.constant 1 : i32
    scf.for %scan3A_120 = %scan3A_26 to %scan3A_28 step %scan3A_29  : i32 {
      %swap3A = arith.index_cast %scan3A_120 : i32 to index
      %swap3A_121 = arith.constant 0 : index
      %swap3A_122 = tpu.vector_load %arg9[%swap3A, %swap3A_121] {strides = array<i32>} : memref<128x80xf32, #tpu.memory_space<vmem>>, vector<1x16xf32>,
      %swap3A_123 = vector.shape_cast %swap3A_122 : vector<1x16xf32> to vector<16xf32>
      %swap3A_124 = vector.shape_cast %broadcast_in_dim3A_0 : vector<16xf32> to vector<1x16xf32>
      tpu.vector_store %arg9[%swap3A, %swap3A_121], %swap3A_124 {strides = array<i32>} : memref<128x80xf32, #tpu.memory_space<vmem>>, vector<1x16xf32>,
      %swap3A_125 = arith.index_cast %scan3A_120 : i32 to index
      %swap3A_126 = arith.constant 16 : index
      %swap3A_127 = tpu.vector_load %arg9[%swap3A_125, %swap3A_126] {strides = array<i32>} : memref<128x80xf32, #tpu.memory_space<vmem>>, vector<1x16xf32>,
      %swap3A_128 = vector.shape_cast %swap3A_127 : vector<1x16xf32> to vector<16xf32>
      %swap3A_129 = vector.shape_cast %broadcast_in_dim3A_0 : vector<16xf32> to vector<1x16xf32>
      tpu.vector_store %arg9[%swap3A_125, %swap3A_126], %swap3A_129 {strides = array<i32>} : memref<128x80xf32, #tpu.memory_space<vmem>>, vector<1x16xf32>,
      %swap3A_130 = arith.index_cast %scan3A_120 : i32 to index
      %swap3A_131 = arith.constant 32 : index
      %swap3A_132 = tpu.vector_load %arg9[%swap3A_130, %swap3A_131] {strides = array<i32>} : memref<128x80xf32, #tpu.memory_space<vmem>>, vector<1x16xf32>,
      %swap3A_133 = vector.shape_cast %swap3A_132 : vector<1x16xf32> to vector<16xf32>
      %swap3A_134 = vector.shape_cast %broadcast_in_dim3A_0 : vector<16xf32> to vector<1x16xf32>
      tpu.vector_store %arg9[%swap3A_130, %swap3A_131], %swap3A_134 {strides = array<i32>} : memref<128x80xf32, #tpu.memory_space<vmem>>, vector<1x16xf32>,
      %swap3A_135 = arith.index_cast %scan3A_120 : i32 to index
      %swap3A_136 = arith.constant 48 : index
      %swap3A_137 = tpu.vector_load %arg9[%swap3A_135, %swap3A_136] {strides = array<i32>} : memref<128x80xf32, #tpu.memory_space<vmem>>, vector<1x16xf32>,
      %swap3A_138 = vector.shape_cast %swap3A_137 : vector<1x16xf32> to vector<16xf32>
      %swap3A_139 = vector.shape_cast %broadcast_in_dim3A_0 : vector<16xf32> to vector<1x16xf32>
      tpu.vector_store %arg9[%swap3A_135, %swap3A_136], %swap3A_139 {strides = array<i32>} : memref<128x80xf32, #tpu.memory_space<vmem>>, vector<1x16xf32>,
      %swap3A_140 = arith.index_cast %scan3A_120 : i32 to index
      %swap3A_141 = arith.constant 64 : index
      %swap3A_142 = tpu.vector_load %arg9[%swap3A_140, %swap3A_141] {strides = array<i32>} : memref<128x80xf32, #tpu.memory_space<vmem>>, vector<1x16xf32>,
      %swap3A_143 = vector.shape_cast %swap3A_142 : vector<1x16xf32> to vector<16xf32>
      %swap3A_144 = vector.shape_cast %broadcast_in_dim3A_0 : vector<16xf32> to vector<1x16xf32>
      tpu.vector_store %arg9[%swap3A_140, %swap3A_141], %swap3A_144 {strides = array<i32>} : memref<128x80xf32, #tpu.memory_space<vmem>>, vector<1x16xf32>,
    }
    %scan3A_30 = arith.constant 128 : i32
    %mul3A = arith.constant 640 : i32
    %mul3A_31 = arith.muli %arg1, %mul3A : i32
    %add3A = arith.constant 0 : i32
    %add3A_32 = arith.addi %mul3A_31, %add3A : i32
    "tpu.region"() ({
      %run_scoped3A = tpu.sem_alloc : memref<!tpu.dma_semaphore, #tpu.memory_space<semaphore_mem>>
      %dma_start3A_120 = arith.constant 0 : i32
      %dma_start3A_121 = tpu.memref_slice %arg11[%add3A_32, %dma_start3A_120] : memref<10240x80xf32, #tpu.memory_space<vmem_shared>> -> memref<128x80xf32, #tpu.memory_space<vmem_shared>>
      %dma_start3A_122 = arith.constant 0 : i32
      %dma_start3A_123 = tpu.memref_slice %arg11[%add3A_32, %dma_start3A_122] : memref<10240x80xf32, #tpu.memory_space<vmem_shared>> -> memref<128x80xf32, #tpu.memory_space<vmem_shared>>
      tpu.enqueue_dma source(%arg9 : memref<128x80xf32, #tpu.memory_space<vmem>>) target(%dma_start3A_123 : memref<128x80xf32, #tpu.memory_space<vmem_shared>>) target_semaphore(%run_scoped3A : memref<!tpu.dma_semaphore, #tpu.memory_space<semaphore_mem>>)
      %dma_wait3A = arith.constant 0 : i32
      %dma_wait3A_124 = tpu.memref_slice %arg11[%add3A_32, %dma_wait3A] : memref<10240x80xf32, #tpu.memory_space<vmem_shared>> -> memref<128x80xf32, #tpu.memory_space<vmem_shared>>
      %dma_wait3A_125 = arith.constant 0 : i32
      %dma_wait3A_126 = tpu.memref_slice %arg11[%add3A_32, %dma_wait3A_125] : memref<10240x80xf32, #tpu.memory_space<vmem_shared>> -> memref<128x80xf32, #tpu.memory_space<vmem_shared>>
      tpu.wait_dma2 semaphore(%run_scoped3A : memref<!tpu.dma_semaphore, #tpu.memory_space<semaphore_mem>>) src(%arg9 : memref<128x80xf32, #tpu.memory_space<vmem>>) dst(%dma_wait3A_126 : memref<128x80xf32, #tpu.memory_space<vmem_shared>>)
      tpu.yield
    }) : () -> ()
    %add3A_33 = arith.constant 128 : i32
    %add3A_34 = arith.addi %mul3A_31, %add3A_33 : i32
    "tpu.region"() ({
      %run_scoped3A = tpu.sem_alloc : memref<!tpu.dma_semaphore, #tpu.memory_space<semaphore_mem>>
      %dma_start3A_120 = arith.constant 0 : i32
      %dma_start3A_121 = tpu.memref_slice %arg11[%add3A_34, %dma_start3A_120] : memref<10240x80xf32, #tpu.memory_space<vmem_shared>> -> memref<128x80xf32, #tpu.memory_space<vmem_shared>>
      %dma_start3A_122 = arith.constant 0 : i32
      %dma_start3A_123 = tpu.memref_slice %arg11[%add3A_34, %dma_start3A_122] : memref<10240x80xf32, #tpu.memory_space<vmem_shared>> -> memref<128x80xf32, #tpu.memory_space<vmem_shared>>
      tpu.enqueue_dma source(%arg9 : memref<128x80xf32, #tpu.memory_space<vmem>>) target(%dma_start3A_123 : memref<128x80xf32, #tpu.memory_space<vmem_shared>>) target_semaphore(%run_scoped3A : memref<!tpu.dma_semaphore, #tpu.memory_space<semaphore_mem>>)
      %dma_wait3A = arith.constant 0 : i32
      %dma_wait3A_124 = tpu.memref_slice %arg11[%add3A_34, %dma_wait3A] : memref<10240x80xf32, #tpu.memory_space<vmem_shared>> -> memref<128x80xf32, #tpu.memory_space<vmem_shared>>
      %dma_wait3A_125 = arith.constant 0 : i32
      %dma_wait3A_126 = tpu.memref_slice %arg11[%add3A_34, %dma_wait3A_125] : memref<10240x80xf32, #tpu.memory_space<vmem_shared>> -> memref<128x80xf32, #tpu.memory_space<vmem_shared>>
      tpu.wait_dma2 semaphore(%run_scoped3A : memref<!tpu.dma_semaphore, #tpu.memory_space<semaphore_mem>>) src(%arg9 : memref<128x80xf32, #tpu.memory_space<vmem>>) dst(%dma_wait3A_126 : memref<128x80xf32, #tpu.memory_space<vmem_shared>>)
      tpu.yield
    }) : () -> ()
    %add3A_35 = arith.constant 256 : i32
    %add3A_36 = arith.addi %mul3A_31, %add3A_35 : i32
    "tpu.region"() ({
      %run_scoped3A = tpu.sem_alloc : memref<!tpu.dma_semaphore, #tpu.memory_space<semaphore_mem>>
      %dma_start3A_120 = arith.constant 0 : i32
      %dma_start3A_121 = tpu.memref_slice %arg11[%add3A_36, %dma_start3A_120] : memref<10240x80xf32, #tpu.memory_space<vmem_shared>> -> memref<128x80xf32, #tpu.memory_space<vmem_shared>>
      %dma_start3A_122 = arith.constant 0 : i32
      %dma_start3A_123 = tpu.memref_slice %arg11[%add3A_36, %dma_start3A_122] : memref<10240x80xf32, #tpu.memory_space<vmem_shared>> -> memref<128x80xf32, #tpu.memory_space<vmem_shared>>
      tpu.enqueue_dma source(%arg9 : memref<128x80xf32, #tpu.memory_space<vmem>>) target(%dma_start3A_123 : memref<128x80xf32, #tpu.memory_space<vmem_shared>>) target_semaphore(%run_scoped3A : memref<!tpu.dma_semaphore, #tpu.memory_space<semaphore_mem>>)
      %dma_wait3A = arith.constant 0 : i32
      %dma_wait3A_124 = tpu.memref_slice %arg11[%add3A_36, %dma_wait3A] : memref<10240x80xf32, #tpu.memory_space<vmem_shared>> -> memref<128x80xf32, #tpu.memory_space<vmem_shared>>
      %dma_wait3A_125 = arith.constant 0 : i32
      %dma_wait3A_126 = tpu.memref_slice %arg11[%add3A_36, %dma_wait3A_125] : memref<10240x80xf32, #tpu.memory_space<vmem_shared>> -> memref<128x80xf32, #tpu.memory_space<vmem_shared>>
      tpu.wait_dma2 semaphore(%run_scoped3A : memref<!tpu.dma_semaphore, #tpu.memory_space<semaphore_mem>>) src(%arg9 : memref<128x80xf32, #tpu.memory_space<vmem>>) dst(%dma_wait3A_126 : memref<128x80xf32, #tpu.memory_space<vmem_shared>>)
      tpu.yield
    }) : () -> ()
    %add3A_37 = arith.constant 384 : i32
    %add3A_38 = arith.addi %mul3A_31, %add3A_37 : i32
    "tpu.region"() ({
      %run_scoped3A = tpu.sem_alloc : memref<!tpu.dma_semaphore, #tpu.memory_space<semaphore_mem>>
      %dma_start3A_120 = arith.constant 0 : i32
      %dma_start3A_121 = tpu.memref_slice %arg11[%add3A_38, %dma_start3A_120] : memref<10240x80xf32, #tpu.memory_space<vmem_shared>> -> memref<128x80xf32, #tpu.memory_space<vmem_shared>>
      %dma_start3A_122 = arith.constant 0 : i32
      %dma_start3A_123 = tpu.memref_slice %arg11[%add3A_38, %dma_start3A_122] : memref<10240x80xf32, #tpu.memory_space<vmem_shared>> -> memref<128x80xf32, #tpu.memory_space<vmem_shared>>
      tpu.enqueue_dma source(%arg9 : memref<128x80xf32, #tpu.memory_space<vmem>>) target(%dma_start3A_123 : memref<128x80xf32, #tpu.memory_space<vmem_shared>>) target_semaphore(%run_scoped3A : memref<!tpu.dma_semaphore, #tpu.memory_space<semaphore_mem>>)
      %dma_wait3A = arith.constant 0 : i32
      %dma_wait3A_124 = tpu.memref_slice %arg11[%add3A_38, %dma_wait3A] : memref<10240x80xf32, #tpu.memory_space<vmem_shared>> -> memref<128x80xf32, #tpu.memory_space<vmem_shared>>
      %dma_wait3A_125 = arith.constant 0 : i32
      %dma_wait3A_126 = tpu.memref_slice %arg11[%add3A_38, %dma_wait3A_125] : memref<10240x80xf32, #tpu.memory_space<vmem_shared>> -> memref<128x80xf32, #tpu.memory_space<vmem_shared>>
      tpu.wait_dma2 semaphore(%run_scoped3A : memref<!tpu.dma_semaphore, #tpu.memory_space<semaphore_mem>>) src(%arg9 : memref<128x80xf32, #tpu.memory_space<vmem>>) dst(%dma_wait3A_126 : memref<128x80xf32, #tpu.memory_space<vmem_shared>>)
      tpu.yield
    }) : () -> ()
    %add3A_39 = arith.constant 512 : i32
    %add3A_40 = arith.addi %mul3A_31, %add3A_39 : i32
    "tpu.region"() ({
      %run_scoped3A = tpu.sem_alloc : memref<!tpu.dma_semaphore, #tpu.memory_space<semaphore_mem>>
      %dma_start3A_120 = arith.constant 0 : i32
      %dma_start3A_121 = tpu.memref_slice %arg11[%add3A_40, %dma_start3A_120] : memref<10240x80xf32, #tpu.memory_space<vmem_shared>> -> memref<128x80xf32, #tpu.memory_space<vmem_shared>>
      %dma_start3A_122 = arith.constant 0 : i32
      %dma_start3A_123 = tpu.memref_slice %arg11[%add3A_40, %dma_start3A_122] : memref<10240x80xf32, #tpu.memory_space<vmem_shared>> -> memref<128x80xf32, #tpu.memory_space<vmem_shared>>
      tpu.enqueue_dma source(%arg9 : memref<128x80xf32, #tpu.memory_space<vmem>>) target(%dma_start3A_123 : memref<128x80xf32, #tpu.memory_space<vmem_shared>>) target_semaphore(%run_scoped3A : memref<!tpu.dma_semaphore, #tpu.memory_space<semaphore_mem>>)
      %dma_wait3A = arith.constant 0 : i32
      %dma_wait3A_124 = tpu.memref_slice %arg11[%add3A_40, %dma_wait3A] : memref<10240x80xf32, #tpu.memory_space<vmem_shared>> -> memref<128x80xf32, #tpu.memory_space<vmem_shared>>
      %dma_wait3A_125 = arith.constant 0 : i32
      %dma_wait3A_126 = tpu.memref_slice %arg11[%add3A_40, %dma_wait3A_125] : memref<10240x80xf32, #tpu.memory_space<vmem_shared>> -> memref<128x80xf32, #tpu.memory_space<vmem_shared>>
      tpu.wait_dma2 semaphore(%run_scoped3A : memref<!tpu.dma_semaphore, #tpu.memory_space<semaphore_mem>>) src(%arg9 : memref<128x80xf32, #tpu.memory_space<vmem>>) dst(%dma_wait3A_126 : memref<128x80xf32, #tpu.memory_space<vmem_shared>>)
      tpu.yield
    }) : () -> ()
    %scan3A_41 = arith.constant 0 : i32
    %scan3A_42 = arith.constant 0 : i32
    %scan3A_43 = arith.constant 128 : i32
    %scan3A_44 = arith.addi %scan3A_42, %scan3A_43 : i32
    %scan3A_45 = arith.constant 1 : i32
    scf.for %scan3A_120 = %scan3A_42 to %scan3A_44 step %scan3A_45  : i32 {
      %swap3A = arith.index_cast %scan3A_120 : i32 to index
      %swap3A_121 = arith.constant 64 : index
      %swap3A_122 = tpu.vector_load %arg9[%swap3A, %swap3A_121] {strides = array<i32>} : memref<128x80xf32, #tpu.memory_space<vmem>>, vector<1x16xf32>,
      %swap3A_123 = vector.shape_cast %swap3A_122 : vector<1x16xf32> to vector<16xf32>
      %swap3A_124 = vector.shape_cast %broadcast_in_dim3A_2 : vector<16xf32> to vector<1x16xf32>
      tpu.vector_store %arg9[%swap3A, %swap3A_121], %swap3A_124 {strides = array<i32>} : memref<128x80xf32, #tpu.memory_space<vmem>>, vector<1x16xf32>,
      %swap3A_125 = arith.index_cast %scan3A_120 : i32 to index
      %swap3A_126 = arith.constant 64 : index
      %swap3A_127 = tpu.vector_load %arg10[%swap3A_125, %swap3A_126] {strides = array<i32>} : memref<128x80xf32, #tpu.memory_space<vmem>>, vector<1x16xf32>,
      %swap3A_128 = vector.shape_cast %swap3A_127 : vector<1x16xf32> to vector<16xf32>
      %swap3A_129 = vector.shape_cast %broadcast_in_dim3A_2 : vector<16xf32> to vector<1x16xf32>
      tpu.vector_store %arg10[%swap3A_125, %swap3A_126], %swap3A_129 {strides = array<i32>} : memref<128x80xf32, #tpu.memory_space<vmem>>, vector<1x16xf32>,
    }
    %scan3A_46 = arith.constant 128 : i32
    %barrier3A = arith.constant 0 : index
    tpu.barrier barrier_id(%barrier3A)
    %dma_start3A = arith.constant 0 : i32
    %dma_start3A_47 = arith.constant 0 : i32
    %dma_start3A_48 = tpu.memref_slice %arg5[%dma_start3A, %dma_start3A_47] : memref<82x128xi32, #tpu.memory_space<vmem>> -> memref<1x128xi32, #tpu.memory_space<vmem>>
    %dma_start3A_49 = tpu.memref_squeeze %dma_start3A_48 : memref<1x128xi32, #tpu.memory_space<vmem>> -> memref<128xi32, #tpu.memory_space<vmem>>
    %dma_start3A_50 = arith.constant 0 : i32
    %dma_start3A_51 = arith.constant 0 : i32
    %dma_start3A_52 = tpu.memref_slice %arg2[%dma_start3A_50, %dma_start3A_51] : memref<10000x32xi32, #tpu.memory_space<hbm>> -> memref<10000x32xi32, #tpu.memory_space<hbm>>
    tpu.enqueue_indirect_dma source(%dma_start3A_52 : memref<10000x32xi32, #tpu.memory_space<hbm>>) target(%arg7 : memref<128x32xi32, #tpu.memory_space<vmem>>) offsets(%dma_start3A_49 : memref<128xi32, #tpu.memory_space<vmem>>) semaphore(%arg12 : memref<!tpu.dma_semaphore, #tpu.memory_space<semaphore_mem>>)
    %dma_start3A_53 = arith.constant 1 : i32
    %dma_start3A_54 = arith.constant 0 : i32
    %dma_start3A_55 = tpu.memref_slice %arg5[%dma_start3A_53, %dma_start3A_54] : memref<82x128xi32, #tpu.memory_space<vmem>> -> memref<1x128xi32, #tpu.memory_space<vmem>>
    %dma_start3A_56 = tpu.memref_squeeze %dma_start3A_55 : memref<1x128xi32, #tpu.memory_space<vmem>> -> memref<128xi32, #tpu.memory_space<vmem>>
    %dma_start3A_57 = arith.constant 0 : i32
    %dma_start3A_58 = arith.constant 0 : i32
    %dma_start3A_59 = tpu.memref_slice %arg2[%dma_start3A_57, %dma_start3A_58] : memref<10000x32xi32, #tpu.memory_space<hbm>> -> memref<10000x32xi32, #tpu.memory_space<hbm>>
    tpu.enqueue_indirect_dma source(%dma_start3A_59 : memref<10000x32xi32, #tpu.memory_space<hbm>>) target(%arg8 : memref<128x32xi32, #tpu.memory_space<vmem>>) offsets(%dma_start3A_56 : memref<128xi32, #tpu.memory_space<vmem>>) semaphore(%arg13 : memref<!tpu.dma_semaphore, #tpu.memory_space<semaphore_mem>>)
    %jit3A_60 = arith.constant 2 : i32
    %div3A = arith.divsi %select_n3A_7, %jit3A_60 : i32
    %sign3A = arith.constant 0 : i32
    %sign3A_61 = arith.cmpi sgt, %select_n3A_7, %sign3A : i32
    %sign3A_62 = arith.extui %sign3A_61 : i1 to i32
    %sign3A_63 = arith.constant 0 : i32
    %sign3A_64 = arith.cmpi slt, %select_n3A_7, %sign3A_63 : i32
    %sign3A_65 = arith.extui %sign3A_64 : i1 to i32
    %sign3A_66 = arith.subi %sign3A_62, %sign3A_65 : i32
    %sign3A_67 = arith.constant 0 : i32
    %sign3A_68 = arith.cmpi sgt, %jit3A_60, %sign3A_67 : i32
    %sign3A_69 = arith.extui %sign3A_68 : i1 to i32
    %sign3A_70 = arith.constant 0 : i32
    %sign3A_71 = arith.cmpi slt, %jit3A_60, %sign3A_70 : i32
    %sign3A_72 = arith.extui %sign3A_71 : i1 to i32
    %sign3A_73 = arith.subi %sign3A_69, %sign3A_72 : i32
    %ne3A = arith.cmpi ne, %sign3A_66, %sign3A_73 : i32
    %rem3A = arith.remsi %select_n3A_7, %jit3A_60 : i32
    %ne3A_74 = arith.constant 0 : i32
    %ne3A_75 = arith.cmpi ne, %rem3A, %ne3A_74 : i32
    %and3A_76 = arith.andi %ne3A, %ne3A_75 : i1
    %sub3A = arith.constant 1 : i32
    %sub3A_77 = arith.subi %div3A, %sub3A : i32
    %select_n3A_78 = arith.select %and3A_76, %sub3A_77, %div3A : i32
    %while3A = arith.constant 0 : i32
    %while3A_79 = arith.constant 0 : i32
    %while3A_80 = arith.subi %select_n3A_78, %while3A_79 : i32
    %while3A_81 = arith.addi %while3A_79, %while3A_80 : i32
    %while3A_82 = arith.constant 1 : i32
    %while3A_83 = arith.divsi %while3A_80, %while3A_82 : i32
    %while3A_84 = arith.muli %while3A_83, %while3A_82 : i32
    %while3A_85 = arith.addi %while3A_79, %while3A_84 : i32
    %while3A_86 = arith.constant 1 : i32
    scf.for %while3A_120 = %while3A_79 to %while3A_85 step %while3A_86  : i32 {
      %mul3A_121 = arith.constant 2 : i32
      %mul3A_122 = arith.muli %mul3A_121, %while3A_120 : i32
      %dma_wait3A = arith.constant 0 : i32
      %dma_wait3A_123 = tpu.memref_slice %arg5[%mul3A_122, %dma_wait3A] : memref<82x128xi32, #tpu.memory_space<vmem>> -> memref<1x128xi32, #tpu.memory_space<vmem>>
      %dma_wait3A_124 = tpu.memref_squeeze %dma_wait3A_123 : memref<1x128xi32, #tpu.memory_space<vmem>> -> memref<128xi32, #tpu.memory_space<vmem>>
      %dma_wait3A_125 = arith.constant 0 : i32
      %dma_wait3A_126 = arith.constant 0 : i32
      %dma_wait3A_127 = tpu.memref_slice %arg2[%dma_wait3A_125, %dma_wait3A_126] : memref<10000x32xi32, #tpu.memory_space<hbm>> -> memref<10000x32xi32, #tpu.memory_space<hbm>>
      tpu.wait_indirect_dma semaphore(%arg12 : memref<!tpu.dma_semaphore, #tpu.memory_space<semaphore_mem>>) src(%dma_wait3A_127 : memref<10000x32xi32, #tpu.memory_space<hbm>>) dst(%arg7 : memref<128x32xi32, #tpu.memory_space<vmem>>)
      %parallel_loop3A = arith.constant 0 : i32
      %parallel_loop3A_128 = arith.constant 128 : i32
      %parallel_loop3A_129 = arith.constant 1 : i32
      scf.for %parallel_loop3A_179 = %parallel_loop3A to %parallel_loop3A_128 step %parallel_loop3A_129  : i32 {
        %parallel_loop3A_180 = arith.index_cast %parallel_loop3A_179 : i32 to index
        %parallel_loop3A_181 = arith.constant 0 : index
        %parallel_loop3A_182 = tpu.vector_load %arg7[%parallel_loop3A_180, %parallel_loop3A_181] {strides = array<i32>} : memref<128x32xi32, #tpu.memory_space<vmem>>, vector<1x16xi32>,
        %parallel_loop3A_183 = vector.shape_cast %parallel_loop3A_182 : vector<1x16xi32> to vector<16xi32>
        %parallel_loop3A_184 = arith.constant 16 : i32
        %parallel_loop3A_185 = vector.broadcast %parallel_loop3A_184 : i32 to vector<16xi32>
        %parallel_loop3A_186 = arith.shli %parallel_loop3A_183, %parallel_loop3A_185 : vector<16xi32>
        %parallel_loop3A_187 = tpu.bitcast %parallel_loop3A_186 : vector<16xi32> -> vector<16xf32>
        %parallel_loop3A_188 = arith.constant -65536 : i32
        %parallel_loop3A_189 = vector.broadcast %parallel_loop3A_188 : i32 to vector<16xi32>
        %parallel_loop3A_190 = arith.andi %parallel_loop3A_183, %parallel_loop3A_189 : vector<16xi32>
        %parallel_loop3A_191 = tpu.bitcast %parallel_loop3A_190 : vector<16xi32> -> vector<16xf32>
        %parallel_loop3A_192 = arith.index_cast %parallel_loop3A_179 : i32 to index
        %parallel_loop3A_193 = arith.constant 0 : index
        %parallel_loop3A_194 = tpu.vector_load %arg9[%parallel_loop3A_192, %parallel_loop3A_193] {strides = array<i32>} : memref<128x80xf32, #tpu.memory_space<vmem>>, vector<1x16xf32>,
        %parallel_loop3A_195 = vector.shape_cast %parallel_loop3A_194 : vector<1x16xf32> to vector<16xf32>
        %parallel_loop3A_196 = vector.shape_cast %parallel_loop3A_187 : vector<16xf32> to vector<1x16xf32>
        tpu.vector_store %arg9[%parallel_loop3A_192, %parallel_loop3A_193], %parallel_loop3A_196 {strides = array<i32>} : memref<128x80xf32, #tpu.memory_space<vmem>>, vector<1x16xf32>,
        %parallel_loop3A_197 = arith.index_cast %parallel_loop3A_179 : i32 to index
        %parallel_loop3A_198 = arith.constant 32 : index
        %parallel_loop3A_199 = tpu.vector_load %arg9[%parallel_loop3A_197, %parallel_loop3A_198] {strides = array<i32>} : memref<128x80xf32, #tpu.memory_space<vmem>>, vector<1x16xf32>,
        %parallel_loop3A_200 = vector.shape_cast %parallel_loop3A_199 : vector<1x16xf32> to vector<16xf32>
        %parallel_loop3A_201 = vector.shape_cast %parallel_loop3A_191 : vector<16xf32> to vector<1x16xf32>
        tpu.vector_store %arg9[%parallel_loop3A_197, %parallel_loop3A_198], %parallel_loop3A_201 {strides = array<i32>} : memref<128x80xf32, #tpu.memory_space<vmem>>, vector<1x16xf32>,
        %parallel_loop3A_202 = arith.index_cast %parallel_loop3A_179 : i32 to index
        %parallel_loop3A_203 = arith.constant 16 : index
        %parallel_loop3A_204 = tpu.vector_load %arg7[%parallel_loop3A_202, %parallel_loop3A_203] {strides = array<i32>} : memref<128x32xi32, #tpu.memory_space<vmem>>, vector<1x16xi32>,
        %parallel_loop3A_205 = vector.shape_cast %parallel_loop3A_204 : vector<1x16xi32> to vector<16xi32>
        %parallel_loop3A_206 = arith.constant 16 : i32
        %parallel_loop3A_207 = vector.broadcast %parallel_loop3A_206 : i32 to vector<16xi32>
        %parallel_loop3A_208 = arith.shli %parallel_loop3A_205, %parallel_loop3A_207 : vector<16xi32>
        %parallel_loop3A_209 = tpu.bitcast %parallel_loop3A_208 : vector<16xi32> -> vector<16xf32>
        %parallel_loop3A_210 = arith.constant -65536 : i32
        %parallel_loop3A_211 = vector.broadcast %parallel_loop3A_210 : i32 to vector<16xi32>
        %parallel_loop3A_212 = arith.andi %parallel_loop3A_205, %parallel_loop3A_211 : vector<16xi32>
        %parallel_loop3A_213 = tpu.bitcast %parallel_loop3A_212 : vector<16xi32> -> vector<16xf32>
        %parallel_loop3A_214 = arith.index_cast %parallel_loop3A_179 : i32 to index
        %parallel_loop3A_215 = arith.constant 16 : index
        %parallel_loop3A_216 = tpu.vector_load %arg9[%parallel_loop3A_214, %parallel_loop3A_215] {strides = array<i32>} : memref<128x80xf32, #tpu.memory_space<vmem>>, vector<1x16xf32>,
        %parallel_loop3A_217 = vector.shape_cast %parallel_loop3A_216 : vector<1x16xf32> to vector<16xf32>
        %parallel_loop3A_218 = vector.shape_cast %parallel_loop3A_209 : vector<16xf32> to vector<1x16xf32>
        tpu.vector_store %arg9[%parallel_loop3A_214, %parallel_loop3A_215], %parallel_loop3A_218 {strides = array<i32>} : memref<128x80xf32, #tpu.memory_space<vmem>>, vector<1x16xf32>,
        %parallel_loop3A_219 = arith.index_cast %parallel_loop3A_179 : i32 to index
        %parallel_loop3A_220 = arith.constant 48 : index
        %parallel_loop3A_221 = tpu.vector_load %arg9[%parallel_loop3A_219, %parallel_loop3A_220] {strides = array<i32>} : memref<128x80xf32, #tpu.memory_space<vmem>>, vector<1x16xf32>,
        %parallel_loop3A_222 = vector.shape_cast %parallel_loop3A_221 : vector<1x16xf32> to vector<16xf32>
        %parallel_loop3A_223 = vector.shape_cast %parallel_loop3A_213 : vector<16xf32> to vector<1x16xf32>
        tpu.vector_store %arg9[%parallel_loop3A_219, %parallel_loop3A_220], %parallel_loop3A_223 {strides = array<i32>} : memref<128x80xf32, #tpu.memory_space<vmem>>, vector<1x16xf32>,
      } {sc.loop_unroll_factor = 4 : i64, sc.parallel_access}
      %add3A_130 = arith.constant 2 : i32
      %add3A_131 = arith.addi %mul3A_122, %add3A_130 : i32
      %lt3A_132 = arith.cmpi slt, %add3A_131, %select_n3A_7 : i32
      %convert_element_type3A_133 = arith.extui %lt3A_132 : i1 to i32
      %cond3A_134 = arith.constant 0 : i32
      %cond3A_135 = arith.cmpi ne, %convert_element_type3A_133, %cond3A_134 : i32
      scf.if %cond3A_135 {
        %add3A_179 = arith.constant 2 : i32
        %add3A_180 = arith.addi %mul3A_122, %add3A_179 : i32
        %dma_start3A_181 = arith.constant 0 : i32
        %dma_start3A_182 = tpu.memref_slice %arg5[%add3A_180, %dma_start3A_181] : memref<82x128xi32, #tpu.memory_space<vmem>> -> memref<1x128xi32, #tpu.memory_space<vmem>>
        %dma_start3A_183 = tpu.memref_squeeze %dma_start3A_182 : memref<1x128xi32, #tpu.memory_space<vmem>> -> memref<128xi32, #tpu.memory_space<vmem>>
        %dma_start3A_184 = arith.constant 0 : i32
        %dma_start3A_185 = arith.constant 0 : i32
        %dma_start3A_186 = tpu.memref_slice %arg2[%dma_start3A_184, %dma_start3A_185] : memref<10000x32xi32, #tpu.memory_space<hbm>> -> memref<10000x32xi32, #tpu.memory_space<hbm>>
        tpu.enqueue_indirect_dma source(%dma_start3A_186 : memref<10000x32xi32, #tpu.memory_space<hbm>>) target(%arg7 : memref<128x32xi32, #tpu.memory_space<vmem>>) offsets(%dma_start3A_183 : memref<128xi32, #tpu.memory_space<vmem>>) semaphore(%arg12 : memref<!tpu.dma_semaphore, #tpu.memory_space<semaphore_mem>>)
      } else {
      }
      %dma_start3A_136 = arith.constant 0 : i32
      %dma_start3A_137 = tpu.memref_slice %arg6[%mul3A_122, %dma_start3A_136] : memref<82x128xi32, #tpu.memory_space<vmem>> -> memref<1x128xi32, #tpu.memory_space<vmem>>
      %dma_start3A_138 = tpu.memref_squeeze %dma_start3A_137 : memref<1x128xi32, #tpu.memory_space<vmem>> -> memref<128xi32, #tpu.memory_space<vmem>>
      %dma_start3A_139 = arith.constant 0 : i32
      %dma_start3A_140 = arith.constant 0 : i32
      %dma_start3A_141 = tpu.memref_slice %arg11[%dma_start3A_139, %dma_start3A_140] : memref<10240x80xf32, #tpu.memory_space<vmem_shared>> -> memref<10240x80xf32, #tpu.memory_space<vmem_shared>>
      tpu.enqueue_indirect_dma source(%arg9 : memref<128x80xf32, #tpu.memory_space<vmem>>) target(%dma_start3A_141 : memref<10240x80xf32, #tpu.memory_space<vmem_shared>>) offsets(%dma_start3A_138 : memref<128xi32, #tpu.memory_space<vmem>>) semaphore(%arg14 : memref<!tpu.dma_semaphore, #tpu.memory_space<semaphore_mem>>) {add = true}
      %dma_wait3A_142 = arith.constant 0 : i32
      %dma_wait3A_143 = tpu.memref_slice %arg6[%mul3A_122, %dma_wait3A_142] : memref<82x128xi32, #tpu.memory_space<vmem>> -> memref<1x128xi32, #tpu.memory_space<vmem>>
      %dma_wait3A_144 = tpu.memref_squeeze %dma_wait3A_143 : memref<1x128xi32, #tpu.memory_space<vmem>> -> memref<128xi32, #tpu.memory_space<vmem>>
      %dma_wait3A_145 = arith.constant 0 : i32
      %dma_wait3A_146 = arith.constant 0 : i32
      %dma_wait3A_147 = tpu.memref_slice %arg11[%dma_wait3A_145, %dma_wait3A_146] : memref<10240x80xf32, #tpu.memory_space<vmem_shared>> -> memref<10240x80xf32, #tpu.memory_space<vmem_shared>>
      tpu.wait_indirect_dma semaphore(%arg14 : memref<!tpu.dma_semaphore, #tpu.memory_space<semaphore_mem>>) src(%arg9 : memref<128x80xf32, #tpu.memory_space<vmem>>) dst(%dma_wait3A_147 : memref<10240x80xf32, #tpu.memory_space<vmem_shared>>)
      %mul3A_148 = arith.constant 2 : i32
      %mul3A_149 = arith.muli %mul3A_148, %while3A_120 : i32
      %add3A_150 = arith.constant 1 : i32
      %add3A_151 = arith.addi %mul3A_149, %add3A_150 : i32
      %dma_wait3A_152 = arith.constant 0 : i32
      %dma_wait3A_153 = tpu.memref_slice %arg5[%add3A_151, %dma_wait3A_152] : memref<82x128xi32, #tpu.memory_space<vmem>> -> memref<1x128xi32, #tpu.memory_space<vmem>>
      %dma_wait3A_154 = tpu.memref_squeeze %dma_wait3A_153 : memref<1x128xi32, #tpu.memory_space<vmem>> -> memref<128xi32, #tpu.memory_space<vmem>>
      %dma_wait3A_155 = arith.constant 0 : i32
      %dma_wait3A_156 = arith.constant 0 : i32
      %dma_wait3A_157 = tpu.memref_slice %arg2[%dma_wait3A_155, %dma_wait3A_156] : memref<10000x32xi32, #tpu.memory_space<hbm>> -> memref<10000x32xi32, #tpu.memory_space<hbm>>
      tpu.wait_indirect_dma semaphore(%arg13 : memref<!tpu.dma_semaphore, #tpu.memory_space<semaphore_mem>>) src(%dma_wait3A_157 : memref<10000x32xi32, #tpu.memory_space<hbm>>) dst(%arg8 : memref<128x32xi32, #tpu.memory_space<vmem>>)
      %parallel_loop3A_158 = arith.constant 0 : i32
      %parallel_loop3A_159 = arith.constant 128 : i32
      %parallel_loop3A_160 = arith.constant 1 : i32
      scf.for %parallel_loop3A_179 = %parallel_loop3A_158 to %parallel_loop3A_159 step %parallel_loop3A_160  : i32 {
        %parallel_loop3A_180 = arith.index_cast %parallel_loop3A_179 : i32 to index
        %parallel_loop3A_181 = arith.constant 0 : index
        %parallel_loop3A_182 = tpu.vector_load %arg8[%parallel_loop3A_180, %parallel_loop3A_181] {strides = array<i32>} : memref<128x32xi32, #tpu.memory_space<vmem>>, vector<1x16xi32>,
        %parallel_loop3A_183 = vector.shape_cast %parallel_loop3A_182 : vector<1x16xi32> to vector<16xi32>
        %parallel_loop3A_184 = arith.constant 16 : i32
        %parallel_loop3A_185 = vector.broadcast %parallel_loop3A_184 : i32 to vector<16xi32>
        %parallel_loop3A_186 = arith.shli %parallel_loop3A_183, %parallel_loop3A_185 : vector<16xi32>
        %parallel_loop3A_187 = tpu.bitcast %parallel_loop3A_186 : vector<16xi32> -> vector<16xf32>
        %parallel_loop3A_188 = arith.constant -65536 : i32
        %parallel_loop3A_189 = vector.broadcast %parallel_loop3A_188 : i32 to vector<16xi32>
        %parallel_loop3A_190 = arith.andi %parallel_loop3A_183, %parallel_loop3A_189 : vector<16xi32>
        %parallel_loop3A_191 = tpu.bitcast %parallel_loop3A_190 : vector<16xi32> -> vector<16xf32>
        %parallel_loop3A_192 = arith.index_cast %parallel_loop3A_179 : i32 to index
        %parallel_loop3A_193 = arith.constant 0 : index
        %parallel_loop3A_194 = tpu.vector_load %arg10[%parallel_loop3A_192, %parallel_loop3A_193] {strides = array<i32>} : memref<128x80xf32, #tpu.memory_space<vmem>>, vector<1x16xf32>,
        %parallel_loop3A_195 = vector.shape_cast %parallel_loop3A_194 : vector<1x16xf32> to vector<16xf32>
        %parallel_loop3A_196 = vector.shape_cast %parallel_loop3A_187 : vector<16xf32> to vector<1x16xf32>
        tpu.vector_store %arg10[%parallel_loop3A_192, %parallel_loop3A_193], %parallel_loop3A_196 {strides = array<i32>} : memref<128x80xf32, #tpu.memory_space<vmem>>, vector<1x16xf32>,
        %parallel_loop3A_197 = arith.index_cast %parallel_loop3A_179 : i32 to index
        %parallel_loop3A_198 = arith.constant 32 : index
        %parallel_loop3A_199 = tpu.vector_load %arg10[%parallel_loop3A_197, %parallel_loop3A_198] {strides = array<i32>} : memref<128x80xf32, #tpu.memory_space<vmem>>, vector<1x16xf32>,
        %parallel_loop3A_200 = vector.shape_cast %parallel_loop3A_199 : vector<1x16xf32> to vector<16xf32>
        %parallel_loop3A_201 = vector.shape_cast %parallel_loop3A_191 : vector<16xf32> to vector<1x16xf32>
        tpu.vector_store %arg10[%parallel_loop3A_197, %parallel_loop3A_198], %parallel_loop3A_201 {strides = array<i32>} : memref<128x80xf32, #tpu.memory_space<vmem>>, vector<1x16xf32>,
        %parallel_loop3A_202 = arith.index_cast %parallel_loop3A_179 : i32 to index
        %parallel_loop3A_203 = arith.constant 16 : index
        %parallel_loop3A_204 = tpu.vector_load %arg8[%parallel_loop3A_202, %parallel_loop3A_203] {strides = array<i32>} : memref<128x32xi32, #tpu.memory_space<vmem>>, vector<1x16xi32>,
        %parallel_loop3A_205 = vector.shape_cast %parallel_loop3A_204 : vector<1x16xi32> to vector<16xi32>
        %parallel_loop3A_206 = arith.constant 16 : i32
        %parallel_loop3A_207 = vector.broadcast %parallel_loop3A_206 : i32 to vector<16xi32>
        %parallel_loop3A_208 = arith.shli %parallel_loop3A_205, %parallel_loop3A_207 : vector<16xi32>
        %parallel_loop3A_209 = tpu.bitcast %parallel_loop3A_208 : vector<16xi32> -> vector<16xf32>
        %parallel_loop3A_210 = arith.constant -65536 : i32
        %parallel_loop3A_211 = vector.broadcast %parallel_loop3A_210 : i32 to vector<16xi32>
        %parallel_loop3A_212 = arith.andi %parallel_loop3A_205, %parallel_loop3A_211 : vector<16xi32>
        %parallel_loop3A_213 = tpu.bitcast %parallel_loop3A_212 : vector<16xi32> -> vector<16xf32>
        %parallel_loop3A_214 = arith.index_cast %parallel_loop3A_179 : i32 to index
        %parallel_loop3A_215 = arith.constant 16 : index
        %parallel_loop3A_216 = tpu.vector_load %arg10[%parallel_loop3A_214, %parallel_loop3A_215] {strides = array<i32>} : memref<128x80xf32, #tpu.memory_space<vmem>>, vector<1x16xf32>,
        %parallel_loop3A_217 = vector.shape_cast %parallel_loop3A_216 : vector<1x16xf32> to vector<16xf32>
        %parallel_loop3A_218 = vector.shape_cast %parallel_loop3A_209 : vector<16xf32> to vector<1x16xf32>
        tpu.vector_store %arg10[%parallel_loop3A_214, %parallel_loop3A_215], %parallel_loop3A_218 {strides = array<i32>} : memref<128x80xf32, #tpu.memory_space<vmem>>, vector<1x16xf32>,
        %parallel_loop3A_219 = arith.index_cast %parallel_loop3A_179 : i32 to index
        %parallel_loop3A_220 = arith.constant 48 : index
        %parallel_loop3A_221 = tpu.vector_load %arg10[%parallel_loop3A_219, %parallel_loop3A_220] {strides = array<i32>} : memref<128x80xf32, #tpu.memory_space<vmem>>, vector<1x16xf32>,
        %parallel_loop3A_222 = vector.shape_cast %parallel_loop3A_221 : vector<1x16xf32> to vector<16xf32>
        %parallel_loop3A_223 = vector.shape_cast %parallel_loop3A_213 : vector<16xf32> to vector<1x16xf32>
        tpu.vector_store %arg10[%parallel_loop3A_219, %parallel_loop3A_220], %parallel_loop3A_223 {strides = array<i32>} : memref<128x80xf32, #tpu.memory_space<vmem>>, vector<1x16xf32>,
      } {sc.loop_unroll_factor = 4 : i64, sc.parallel_access}
      %add3A_161 = arith.constant 2 : i32
      %add3A_162 = arith.addi %add3A_151, %add3A_161 : i32
      %lt3A_163 = arith.cmpi slt, %add3A_162, %select_n3A_7 : i32
      %convert_element_type3A_164 = arith.extui %lt3A_163 : i1 to i32
      %cond3A_165 = arith.constant 0 : i32
      %cond3A_166 = arith.cmpi ne, %convert_element_type3A_164, %cond3A_165 : i32
      scf.if %cond3A_166 {
        %add3A_179 = arith.constant 2 : i32
        %add3A_180 = arith.addi %add3A_151, %add3A_179 : i32
        %dma_start3A_181 = arith.constant 0 : i32
        %dma_start3A_182 = tpu.memref_slice %arg5[%add3A_180, %dma_start3A_181] : memref<82x128xi32, #tpu.memory_space<vmem>> -> memref<1x128xi32, #tpu.memory_space<vmem>>
        %dma_start3A_183 = tpu.memref_squeeze %dma_start3A_182 : memref<1x128xi32, #tpu.memory_space<vmem>> -> memref<128xi32, #tpu.memory_space<vmem>>
        %dma_start3A_184 = arith.constant 0 : i32
        %dma_start3A_185 = arith.constant 0 : i32
        %dma_start3A_186 = tpu.memref_slice %arg2[%dma_start3A_184, %dma_start3A_185] : memref<10000x32xi32, #tpu.memory_space<hbm>> -> memref<10000x32xi32, #tpu.memory_space<hbm>>
        tpu.enqueue_indirect_dma source(%dma_start3A_186 : memref<10000x32xi32, #tpu.memory_space<hbm>>) target(%arg8 : memref<128x32xi32, #tpu.memory_space<vmem>>) offsets(%dma_start3A_183 : memref<128xi32, #tpu.memory_space<vmem>>) semaphore(%arg13 : memref<!tpu.dma_semaphore, #tpu.memory_space<semaphore_mem>>)
      } else {
      }
      %dma_start3A_167 = arith.constant 0 : i32
      %dma_start3A_168 = tpu.memref_slice %arg6[%add3A_151, %dma_start3A_167] : memref<82x128xi32, #tpu.memory_space<vmem>> -> memref<1x128xi32, #tpu.memory_space<vmem>>
      %dma_start3A_169 = tpu.memref_squeeze %dma_start3A_168 : memref<1x128xi32, #tpu.memory_space<vmem>> -> memref<128xi32, #tpu.memory_space<vmem>>
      %dma_start3A_170 = arith.constant 0 : i32
      %dma_start3A_171 = arith.constant 0 : i32
      %dma_start3A_172 = tpu.memref_slice %arg11[%dma_start3A_170, %dma_start3A_171] : memref<10240x80xf32, #tpu.memory_space<vmem_shared>> -> memref<10240x80xf32, #tpu.memory_space<vmem_shared>>
      tpu.enqueue_indirect_dma source(%arg10 : memref<128x80xf32, #tpu.memory_space<vmem>>) target(%dma_start3A_172 : memref<10240x80xf32, #tpu.memory_space<vmem_shared>>) offsets(%dma_start3A_169 : memref<128xi32, #tpu.memory_space<vmem>>) semaphore(%arg15 : memref<!tpu.dma_semaphore, #tpu.memory_space<semaphore_mem>>) {add = true}
      %dma_wait3A_173 = arith.constant 0 : i32
      %dma_wait3A_174 = tpu.memref_slice %arg6[%add3A_151, %dma_wait3A_173] : memref<82x128xi32, #tpu.memory_space<vmem>> -> memref<1x128xi32, #tpu.memory_space<vmem>>
      %dma_wait3A_175 = tpu.memref_squeeze %dma_wait3A_174 : memref<1x128xi32, #tpu.memory_space<vmem>> -> memref<128xi32, #tpu.memory_space<vmem>>
      %dma_wait3A_176 = arith.constant 0 : i32
      %dma_wait3A_177 = arith.constant 0 : i32
      %dma_wait3A_178 = tpu.memref_slice %arg11[%dma_wait3A_176, %dma_wait3A_177] : memref<10240x80xf32, #tpu.memory_space<vmem_shared>> -> memref<10240x80xf32, #tpu.memory_space<vmem_shared>>
      tpu.wait_indirect_dma semaphore(%arg15 : memref<!tpu.dma_semaphore, #tpu.memory_space<semaphore_mem>>) src(%arg10 : memref<128x80xf32, #tpu.memory_space<vmem>>) dst(%dma_wait3A_178 : memref<10240x80xf32, #tpu.memory_space<vmem_shared>>)
    }
    %while3A_87 = arith.constant 1 : i32
    scf.for %while3A_120 = %while3A_85 to %while3A_81 step %while3A_87  : i32 {
      %mul3A_121 = arith.constant 2 : i32
      %mul3A_122 = arith.muli %mul3A_121, %while3A_120 : i32
      %dma_wait3A = arith.constant 0 : i32
      %dma_wait3A_123 = tpu.memref_slice %arg5[%mul3A_122, %dma_wait3A] : memref<82x128xi32, #tpu.memory_space<vmem>> -> memref<1x128xi32, #tpu.memory_space<vmem>>
      %dma_wait3A_124 = tpu.memref_squeeze %dma_wait3A_123 : memref<1x128xi32, #tpu.memory_space<vmem>> -> memref<128xi32, #tpu.memory_space<vmem>>
      %dma_wait3A_125 = arith.constant 0 : i32
      %dma_wait3A_126 = arith.constant 0 : i32
      %dma_wait3A_127 = tpu.memref_slice %arg2[%dma_wait3A_125, %dma_wait3A_126] : memref<10000x32xi32, #tpu.memory_space<hbm>> -> memref<10000x32xi32, #tpu.memory_space<hbm>>
      tpu.wait_indirect_dma semaphore(%arg12 : memref<!tpu.dma_semaphore, #tpu.memory_space<semaphore_mem>>) src(%dma_wait3A_127 : memref<10000x32xi32, #tpu.memory_space<hbm>>) dst(%arg7 : memref<128x32xi32, #tpu.memory_space<vmem>>)
      %parallel_loop3A = arith.constant 0 : i32
      %parallel_loop3A_128 = arith.constant 128 : i32
      %parallel_loop3A_129 = arith.constant 1 : i32
      scf.for %parallel_loop3A_179 = %parallel_loop3A to %parallel_loop3A_128 step %parallel_loop3A_129  : i32 {
        %parallel_loop3A_180 = arith.index_cast %parallel_loop3A_179 : i32 to index
        %parallel_loop3A_181 = arith.constant 0 : index
        %parallel_loop3A_182 = tpu.vector_load %arg7[%parallel_loop3A_180, %parallel_loop3A_181] {strides = array<i32>} : memref<128x32xi32, #tpu.memory_space<vmem>>, vector<1x16xi32>,
        %parallel_loop3A_183 = vector.shape_cast %parallel_loop3A_182 : vector<1x16xi32> to vector<16xi32>
        %parallel_loop3A_184 = arith.constant 16 : i32
        %parallel_loop3A_185 = vector.broadcast %parallel_loop3A_184 : i32 to vector<16xi32>
        %parallel_loop3A_186 = arith.shli %parallel_loop3A_183, %parallel_loop3A_185 : vector<16xi32>
        %parallel_loop3A_187 = tpu.bitcast %parallel_loop3A_186 : vector<16xi32> -> vector<16xf32>
        %parallel_loop3A_188 = arith.constant -65536 : i32
        %parallel_loop3A_189 = vector.broadcast %parallel_loop3A_188 : i32 to vector<16xi32>
        %parallel_loop3A_190 = arith.andi %parallel_loop3A_183, %parallel_loop3A_189 : vector<16xi32>
        %parallel_loop3A_191 = tpu.bitcast %parallel_loop3A_190 : vector<16xi32> -> vector<16xf32>
        %parallel_loop3A_192 = arith.index_cast %parallel_loop3A_179 : i32 to index
        %parallel_loop3A_193 = arith.constant 0 : index
        %parallel_loop3A_194 = tpu.vector_load %arg9[%parallel_loop3A_192, %parallel_loop3A_193] {strides = array<i32>} : memref<128x80xf32, #tpu.memory_space<vmem>>, vector<1x16xf32>,
        %parallel_loop3A_195 = vector.shape_cast %parallel_loop3A_194 : vector<1x16xf32> to vector<16xf32>
        %parallel_loop3A_196 = vector.shape_cast %parallel_loop3A_187 : vector<16xf32> to vector<1x16xf32>
        tpu.vector_store %arg9[%parallel_loop3A_192, %parallel_loop3A_193], %parallel_loop3A_196 {strides = array<i32>} : memref<128x80xf32, #tpu.memory_space<vmem>>, vector<1x16xf32>,
        %parallel_loop3A_197 = arith.index_cast %parallel_loop3A_179 : i32 to index
        %parallel_loop3A_198 = arith.constant 32 : index
        %parallel_loop3A_199 = tpu.vector_load %arg9[%parallel_loop3A_197, %parallel_loop3A_198] {strides = array<i32>} : memref<128x80xf32, #tpu.memory_space<vmem>>, vector<1x16xf32>,
        %parallel_loop3A_200 = vector.shape_cast %parallel_loop3A_199 : vector<1x16xf32> to vector<16xf32>
        %parallel_loop3A_201 = vector.shape_cast %parallel_loop3A_191 : vector<16xf32> to vector<1x16xf32>
        tpu.vector_store %arg9[%parallel_loop3A_197, %parallel_loop3A_198], %parallel_loop3A_201 {strides = array<i32>} : memref<128x80xf32, #tpu.memory_space<vmem>>, vector<1x16xf32>,
        %parallel_loop3A_202 = arith.index_cast %parallel_loop3A_179 : i32 to index
        %parallel_loop3A_203 = arith.constant 16 : index
        %parallel_loop3A_204 = tpu.vector_load %arg7[%parallel_loop3A_202, %parallel_loop3A_203] {strides = array<i32>} : memref<128x32xi32, #tpu.memory_space<vmem>>, vector<1x16xi32>,
        %parallel_loop3A_205 = vector.shape_cast %parallel_loop3A_204 : vector<1x16xi32> to vector<16xi32>
        %parallel_loop3A_206 = arith.constant 16 : i32
        %parallel_loop3A_207 = vector.broadcast %parallel_loop3A_206 : i32 to vector<16xi32>
        %parallel_loop3A_208 = arith.shli %parallel_loop3A_205, %parallel_loop3A_207 : vector<16xi32>
        %parallel_loop3A_209 = tpu.bitcast %parallel_loop3A_208 : vector<16xi32> -> vector<16xf32>
        %parallel_loop3A_210 = arith.constant -65536 : i32
        %parallel_loop3A_211 = vector.broadcast %parallel_loop3A_210 : i32 to vector<16xi32>
        %parallel_loop3A_212 = arith.andi %parallel_loop3A_205, %parallel_loop3A_211 : vector<16xi32>
        %parallel_loop3A_213 = tpu.bitcast %parallel_loop3A_212 : vector<16xi32> -> vector<16xf32>
        %parallel_loop3A_214 = arith.index_cast %parallel_loop3A_179 : i32 to index
        %parallel_loop3A_215 = arith.constant 16 : index
        %parallel_loop3A_216 = tpu.vector_load %arg9[%parallel_loop3A_214, %parallel_loop3A_215] {strides = array<i32>} : memref<128x80xf32, #tpu.memory_space<vmem>>, vector<1x16xf32>,
        %parallel_loop3A_217 = vector.shape_cast %parallel_loop3A_216 : vector<1x16xf32> to vector<16xf32>
        %parallel_loop3A_218 = vector.shape_cast %parallel_loop3A_209 : vector<16xf32> to vector<1x16xf32>
        tpu.vector_store %arg9[%parallel_loop3A_214, %parallel_loop3A_215], %parallel_loop3A_218 {strides = array<i32>} : memref<128x80xf32, #tpu.memory_space<vmem>>, vector<1x16xf32>,
        %parallel_loop3A_219 = arith.index_cast %parallel_loop3A_179 : i32 to index
        %parallel_loop3A_220 = arith.constant 48 : index
        %parallel_loop3A_221 = tpu.vector_load %arg9[%parallel_loop3A_219, %parallel_loop3A_220] {strides = array<i32>} : memref<128x80xf32, #tpu.memory_space<vmem>>, vector<1x16xf32>,
        %parallel_loop3A_222 = vector.shape_cast %parallel_loop3A_221 : vector<1x16xf32> to vector<16xf32>
        %parallel_loop3A_223 = vector.shape_cast %parallel_loop3A_213 : vector<16xf32> to vector<1x16xf32>
        tpu.vector_store %arg9[%parallel_loop3A_219, %parallel_loop3A_220], %parallel_loop3A_223 {strides = array<i32>} : memref<128x80xf32, #tpu.memory_space<vmem>>, vector<1x16xf32>,
      } {sc.loop_unroll_factor = 4 : i64, sc.parallel_access}
      %add3A_130 = arith.constant 2 : i32
      %add3A_131 = arith.addi %mul3A_122, %add3A_130 : i32
      %lt3A_132 = arith.cmpi slt, %add3A_131, %select_n3A_7 : i32
      %convert_element_type3A_133 = arith.extui %lt3A_132 : i1 to i32
      %cond3A_134 = arith.constant 0 : i32
      %cond3A_135 = arith.cmpi ne, %convert_element_type3A_133, %cond3A_134 : i32
      scf.if %cond3A_135 {
        %add3A_179 = arith.constant 2 : i32
        %add3A_180 = arith.addi %mul3A_122, %add3A_179 : i32
        %dma_start3A_181 = arith.constant 0 : i32
        %dma_start3A_182 = tpu.memref_slice %arg5[%add3A_180, %dma_start3A_181] : memref<82x128xi32, #tpu.memory_space<vmem>> -> memref<1x128xi32, #tpu.memory_space<vmem>>
        %dma_start3A_183 = tpu.memref_squeeze %dma_start3A_182 : memref<1x128xi32, #tpu.memory_space<vmem>> -> memref<128xi32, #tpu.memory_space<vmem>>
        %dma_start3A_184 = arith.constant 0 : i32
        %dma_start3A_185 = arith.constant 0 : i32
        %dma_start3A_186 = tpu.memref_slice %arg2[%dma_start3A_184, %dma_start3A_185] : memref<10000x32xi32, #tpu.memory_space<hbm>> -> memref<10000x32xi32, #tpu.memory_space<hbm>>
        tpu.enqueue_indirect_dma source(%dma_start3A_186 : memref<10000x32xi32, #tpu.memory_space<hbm>>) target(%arg7 : memref<128x32xi32, #tpu.memory_space<vmem>>) offsets(%dma_start3A_183 : memref<128xi32, #tpu.memory_space<vmem>>) semaphore(%arg12 : memref<!tpu.dma_semaphore, #tpu.memory_space<semaphore_mem>>)
      } else {
      }
      %dma_start3A_136 = arith.constant 0 : i32
      %dma_start3A_137 = tpu.memref_slice %arg6[%mul3A_122, %dma_start3A_136] : memref<82x128xi32, #tpu.memory_space<vmem>> -> memref<1x128xi32, #tpu.memory_space<vmem>>
      %dma_start3A_138 = tpu.memref_squeeze %dma_start3A_137 : memref<1x128xi32, #tpu.memory_space<vmem>> -> memref<128xi32, #tpu.memory_space<vmem>>
      %dma_start3A_139 = arith.constant 0 : i32
      %dma_start3A_140 = arith.constant 0 : i32
      %dma_start3A_141 = tpu.memref_slice %arg11[%dma_start3A_139, %dma_start3A_140] : memref<10240x80xf32, #tpu.memory_space<vmem_shared>> -> memref<10240x80xf32, #tpu.memory_space<vmem_shared>>
      tpu.enqueue_indirect_dma source(%arg9 : memref<128x80xf32, #tpu.memory_space<vmem>>) target(%dma_start3A_141 : memref<10240x80xf32, #tpu.memory_space<vmem_shared>>) offsets(%dma_start3A_138 : memref<128xi32, #tpu.memory_space<vmem>>) semaphore(%arg14 : memref<!tpu.dma_semaphore, #tpu.memory_space<semaphore_mem>>) {add = true}
      %dma_wait3A_142 = arith.constant 0 : i32
      %dma_wait3A_143 = tpu.memref_slice %arg6[%mul3A_122, %dma_wait3A_142] : memref<82x128xi32, #tpu.memory_space<vmem>> -> memref<1x128xi32, #tpu.memory_space<vmem>>
      %dma_wait3A_144 = tpu.memref_squeeze %dma_wait3A_143 : memref<1x128xi32, #tpu.memory_space<vmem>> -> memref<128xi32, #tpu.memory_space<vmem>>
      %dma_wait3A_145 = arith.constant 0 : i32
      %dma_wait3A_146 = arith.constant 0 : i32
      %dma_wait3A_147 = tpu.memref_slice %arg11[%dma_wait3A_145, %dma_wait3A_146] : memref<10240x80xf32, #tpu.memory_space<vmem_shared>> -> memref<10240x80xf32, #tpu.memory_space<vmem_shared>>
      tpu.wait_indirect_dma semaphore(%arg14 : memref<!tpu.dma_semaphore, #tpu.memory_space<semaphore_mem>>) src(%arg9 : memref<128x80xf32, #tpu.memory_space<vmem>>) dst(%dma_wait3A_147 : memref<10240x80xf32, #tpu.memory_space<vmem_shared>>)
      %mul3A_148 = arith.constant 2 : i32
      %mul3A_149 = arith.muli %mul3A_148, %while3A_120 : i32
      %add3A_150 = arith.constant 1 : i32
      %add3A_151 = arith.addi %mul3A_149, %add3A_150 : i32
      %dma_wait3A_152 = arith.constant 0 : i32
      %dma_wait3A_153 = tpu.memref_slice %arg5[%add3A_151, %dma_wait3A_152] : memref<82x128xi32, #tpu.memory_space<vmem>> -> memref<1x128xi32, #tpu.memory_space<vmem>>
      %dma_wait3A_154 = tpu.memref_squeeze %dma_wait3A_153 : memref<1x128xi32, #tpu.memory_space<vmem>> -> memref<128xi32, #tpu.memory_space<vmem>>
      %dma_wait3A_155 = arith.constant 0 : i32
      %dma_wait3A_156 = arith.constant 0 : i32
      %dma_wait3A_157 = tpu.memref_slice %arg2[%dma_wait3A_155, %dma_wait3A_156] : memref<10000x32xi32, #tpu.memory_space<hbm>> -> memref<10000x32xi32, #tpu.memory_space<hbm>>
      tpu.wait_indirect_dma semaphore(%arg13 : memref<!tpu.dma_semaphore, #tpu.memory_space<semaphore_mem>>) src(%dma_wait3A_157 : memref<10000x32xi32, #tpu.memory_space<hbm>>) dst(%arg8 : memref<128x32xi32, #tpu.memory_space<vmem>>)
      %parallel_loop3A_158 = arith.constant 0 : i32
      %parallel_loop3A_159 = arith.constant 128 : i32
      %parallel_loop3A_160 = arith.constant 1 : i32
      scf.for %parallel_loop3A_179 = %parallel_loop3A_158 to %parallel_loop3A_159 step %parallel_loop3A_160  : i32 {
        %parallel_loop3A_180 = arith.index_cast %parallel_loop3A_179 : i32 to index
        %parallel_loop3A_181 = arith.constant 0 : index
        %parallel_loop3A_182 = tpu.vector_load %arg8[%parallel_loop3A_180, %parallel_loop3A_181] {strides = array<i32>} : memref<128x32xi32, #tpu.memory_space<vmem>>, vector<1x16xi32>,
        %parallel_loop3A_183 = vector.shape_cast %parallel_loop3A_182 : vector<1x16xi32> to vector<16xi32>
        %parallel_loop3A_184 = arith.constant 16 : i32
        %parallel_loop3A_185 = vector.broadcast %parallel_loop3A_184 : i32 to vector<16xi32>
        %parallel_loop3A_186 = arith.shli %parallel_loop3A_183, %parallel_loop3A_185 : vector<16xi32>
        %parallel_loop3A_187 = tpu.bitcast %parallel_loop3A_186 : vector<16xi32> -> vector<16xf32>
        %parallel_loop3A_188 = arith.constant -65536 : i32
        %parallel_loop3A_189 = vector.broadcast %parallel_loop3A_188 : i32 to vector<16xi32>
        %parallel_loop3A_190 = arith.andi %parallel_loop3A_183, %parallel_loop3A_189 : vector<16xi32>
        %parallel_loop3A_191 = tpu.bitcast %parallel_loop3A_190 : vector<16xi32> -> vector<16xf32>
        %parallel_loop3A_192 = arith.index_cast %parallel_loop3A_179 : i32 to index
        %parallel_loop3A_193 = arith.constant 0 : index
        %parallel_loop3A_194 = tpu.vector_load %arg10[%parallel_loop3A_192, %parallel_loop3A_193] {strides = array<i32>} : memref<128x80xf32, #tpu.memory_space<vmem>>, vector<1x16xf32>,
        %parallel_loop3A_195 = vector.shape_cast %parallel_loop3A_194 : vector<1x16xf32> to vector<16xf32>
        %parallel_loop3A_196 = vector.shape_cast %parallel_loop3A_187 : vector<16xf32> to vector<1x16xf32>
        tpu.vector_store %arg10[%parallel_loop3A_192, %parallel_loop3A_193], %parallel_loop3A_196 {strides = array<i32>} : memref<128x80xf32, #tpu.memory_space<vmem>>, vector<1x16xf32>,
        %parallel_loop3A_197 = arith.index_cast %parallel_loop3A_179 : i32 to index
        %parallel_loop3A_198 = arith.constant 32 : index
        %parallel_loop3A_199 = tpu.vector_load %arg10[%parallel_loop3A_197, %parallel_loop3A_198] {strides = array<i32>} : memref<128x80xf32, #tpu.memory_space<vmem>>, vector<1x16xf32>,
        %parallel_loop3A_200 = vector.shape_cast %parallel_loop3A_199 : vector<1x16xf32> to vector<16xf32>
        %parallel_loop3A_201 = vector.shape_cast %parallel_loop3A_191 : vector<16xf32> to vector<1x16xf32>
        tpu.vector_store %arg10[%parallel_loop3A_197, %parallel_loop3A_198], %parallel_loop3A_201 {strides = array<i32>} : memref<128x80xf32, #tpu.memory_space<vmem>>, vector<1x16xf32>,
        %parallel_loop3A_202 = arith.index_cast %parallel_loop3A_179 : i32 to index
        %parallel_loop3A_203 = arith.constant 16 : index
        %parallel_loop3A_204 = tpu.vector_load %arg8[%parallel_loop3A_202, %parallel_loop3A_203] {strides = array<i32>} : memref<128x32xi32, #tpu.memory_space<vmem>>, vector<1x16xi32>,
        %parallel_loop3A_205 = vector.shape_cast %parallel_loop3A_204 : vector<1x16xi32> to vector<16xi32>
        %parallel_loop3A_206 = arith.constant 16 : i32
        %parallel_loop3A_207 = vector.broadcast %parallel_loop3A_206 : i32 to vector<16xi32>
        %parallel_loop3A_208 = arith.shli %parallel_loop3A_205, %parallel_loop3A_207 : vector<16xi32>
        %parallel_loop3A_209 = tpu.bitcast %parallel_loop3A_208 : vector<16xi32> -> vector<16xf32>
        %parallel_loop3A_210 = arith.constant -65536 : i32
        %parallel_loop3A_211 = vector.broadcast %parallel_loop3A_210 : i32 to vector<16xi32>
        %parallel_loop3A_212 = arith.andi %parallel_loop3A_205, %parallel_loop3A_211 : vector<16xi32>
        %parallel_loop3A_213 = tpu.bitcast %parallel_loop3A_212 : vector<16xi32> -> vector<16xf32>
        %parallel_loop3A_214 = arith.index_cast %parallel_loop3A_179 : i32 to index
        %parallel_loop3A_215 = arith.constant 16 : index
        %parallel_loop3A_216 = tpu.vector_load %arg10[%parallel_loop3A_214, %parallel_loop3A_215] {strides = array<i32>} : memref<128x80xf32, #tpu.memory_space<vmem>>, vector<1x16xf32>,
        %parallel_loop3A_217 = vector.shape_cast %parallel_loop3A_216 : vector<1x16xf32> to vector<16xf32>
        %parallel_loop3A_218 = vector.shape_cast %parallel_loop3A_209 : vector<16xf32> to vector<1x16xf32>
        tpu.vector_store %arg10[%parallel_loop3A_214, %parallel_loop3A_215], %parallel_loop3A_218 {strides = array<i32>} : memref<128x80xf32, #tpu.memory_space<vmem>>, vector<1x16xf32>,
        %parallel_loop3A_219 = arith.index_cast %parallel_loop3A_179 : i32 to index
        %parallel_loop3A_220 = arith.constant 48 : index
        %parallel_loop3A_221 = tpu.vector_load %arg10[%parallel_loop3A_219, %parallel_loop3A_220] {strides = array<i32>} : memref<128x80xf32, #tpu.memory_space<vmem>>, vector<1x16xf32>,
        %parallel_loop3A_222 = vector.shape_cast %parallel_loop3A_221 : vector<1x16xf32> to vector<16xf32>
        %parallel_loop3A_223 = vector.shape_cast %parallel_loop3A_213 : vector<16xf32> to vector<1x16xf32>
        tpu.vector_store %arg10[%parallel_loop3A_219, %parallel_loop3A_220], %parallel_loop3A_223 {strides = array<i32>} : memref<128x80xf32, #tpu.memory_space<vmem>>, vector<1x16xf32>,
      } {sc.loop_unroll_factor = 4 : i64, sc.parallel_access}
      %add3A_161 = arith.constant 2 : i32
      %add3A_162 = arith.addi %add3A_151, %add3A_161 : i32
      %lt3A_163 = arith.cmpi slt, %add3A_162, %select_n3A_7 : i32
      %convert_element_type3A_164 = arith.extui %lt3A_163 : i1 to i32
      %cond3A_165 = arith.constant 0 : i32
      %cond3A_166 = arith.cmpi ne, %convert_element_type3A_164, %cond3A_165 : i32
      scf.if %cond3A_166 {
        %add3A_179 = arith.constant 2 : i32
        %add3A_180 = arith.addi %add3A_151, %add3A_179 : i32
        %dma_start3A_181 = arith.constant 0 : i32
        %dma_start3A_182 = tpu.memref_slice %arg5[%add3A_180, %dma_start3A_181] : memref<82x128xi32, #tpu.memory_space<vmem>> -> memref<1x128xi32, #tpu.memory_space<vmem>>
        %dma_start3A_183 = tpu.memref_squeeze %dma_start3A_182 : memref<1x128xi32, #tpu.memory_space<vmem>> -> memref<128xi32, #tpu.memory_space<vmem>>
        %dma_start3A_184 = arith.constant 0 : i32
        %dma_start3A_185 = arith.constant 0 : i32
        %dma_start3A_186 = tpu.memref_slice %arg2[%dma_start3A_184, %dma_start3A_185] : memref<10000x32xi32, #tpu.memory_space<hbm>> -> memref<10000x32xi32, #tpu.memory_space<hbm>>
        tpu.enqueue_indirect_dma source(%dma_start3A_186 : memref<10000x32xi32, #tpu.memory_space<hbm>>) target(%arg8 : memref<128x32xi32, #tpu.memory_space<vmem>>) offsets(%dma_start3A_183 : memref<128xi32, #tpu.memory_space<vmem>>) semaphore(%arg13 : memref<!tpu.dma_semaphore, #tpu.memory_space<semaphore_mem>>)
      } else {
      }
      %dma_start3A_167 = arith.constant 0 : i32
      %dma_start3A_168 = tpu.memref_slice %arg6[%add3A_151, %dma_start3A_167] : memref<82x128xi32, #tpu.memory_space<vmem>> -> memref<1x128xi32, #tpu.memory_space<vmem>>
      %dma_start3A_169 = tpu.memref_squeeze %dma_start3A_168 : memref<1x128xi32, #tpu.memory_space<vmem>> -> memref<128xi32, #tpu.memory_space<vmem>>
      %dma_start3A_170 = arith.constant 0 : i32
      %dma_start3A_171 = arith.constant 0 : i32
      %dma_start3A_172 = tpu.memref_slice %arg11[%dma_start3A_170, %dma_start3A_171] : memref<10240x80xf32, #tpu.memory_space<vmem_shared>> -> memref<10240x80xf32, #tpu.memory_space<vmem_shared>>
      tpu.enqueue_indirect_dma source(%arg10 : memref<128x80xf32, #tpu.memory_space<vmem>>) target(%dma_start3A_172 : memref<10240x80xf32, #tpu.memory_space<vmem_shared>>) offsets(%dma_start3A_169 : memref<128xi32, #tpu.memory_space<vmem>>) semaphore(%arg15 : memref<!tpu.dma_semaphore, #tpu.memory_space<semaphore_mem>>) {add = true}
      %dma_wait3A_173 = arith.constant 0 : i32
      %dma_wait3A_174 = tpu.memref_slice %arg6[%add3A_151, %dma_wait3A_173] : memref<82x128xi32, #tpu.memory_space<vmem>> -> memref<1x128xi32, #tpu.memory_space<vmem>>
      %dma_wait3A_175 = tpu.memref_squeeze %dma_wait3A_174 : memref<1x128xi32, #tpu.memory_space<vmem>> -> memref<128xi32, #tpu.memory_space<vmem>>
      %dma_wait3A_176 = arith.constant 0 : i32
      %dma_wait3A_177 = arith.constant 0 : i32
      %dma_wait3A_178 = tpu.memref_slice %arg11[%dma_wait3A_176, %dma_wait3A_177] : memref<10240x80xf32, #tpu.memory_space<vmem_shared>> -> memref<10240x80xf32, #tpu.memory_space<vmem_shared>>
      tpu.wait_indirect_dma semaphore(%arg15 : memref<!tpu.dma_semaphore, #tpu.memory_space<semaphore_mem>>) src(%arg10 : memref<128x80xf32, #tpu.memory_space<vmem>>) dst(%dma_wait3A_178 : memref<10240x80xf32, #tpu.memory_space<vmem_shared>>)
    }
    %jit3A_88 = arith.constant 2 : i32
    %eq3A_89 = arith.constant 0 : i32
    %eq3A_90 = arith.cmpi eq, %jit3A_88, %eq3A_89 : i32
    %jit3A_91 = arith.constant 1 : i32
    %select_n3A_92 = arith.select %eq3A_90, %jit3A_91, %jit3A_88 : i32
    %rem3A_93 = arith.remsi %select_n3A_7, %select_n3A_92 : i32
    %ne3A_94 = arith.constant 0 : i32
    %ne3A_95 = arith.cmpi ne, %rem3A_93, %ne3A_94 : i32
    %lt3A_96 = arith.constant 0 : i32
    %lt3A_97 = arith.cmpi slt, %rem3A_93, %lt3A_96 : i32
    %lt3A_98 = arith.constant 0 : i32
    %lt3A_99 = arith.cmpi slt, %select_n3A_92, %lt3A_98 : i32
    %ne3A_100 = arith.xori %lt3A_97, %lt3A_99 : i1
    %and3A_101 = arith.andi %ne3A_100, %ne3A_95 : i1
    %add3A_102 = arith.addi %rem3A_93, %select_n3A_92 : i32
    %select_n3A_103 = arith.select %and3A_101, %add3A_102, %rem3A_93 : i32
    %eq3A_104 = arith.constant 1 : i32
    %eq3A_105 = arith.cmpi eq, %select_n3A_103, %eq3A_104 : i32
    %convert_element_type3A_106 = arith.extui %eq3A_105 : i1 to i32
    %cond3A_107 = arith.constant 0 : i32
    %cond3A_108 = arith.cmpi ne, %convert_element_type3A_106, %cond3A_107 : i32
    scf.if %cond3A_108 {
      %sub3A_120 = arith.constant 1 : i32
      %sub3A_121 = arith.subi %select_n3A_7, %sub3A_120 : i32
      %dma_wait3A = arith.constant 0 : i32
      %dma_wait3A_122 = tpu.memref_slice %arg5[%sub3A_121, %dma_wait3A] : memref<82x128xi32, #tpu.memory_space<vmem>> -> memref<1x128xi32, #tpu.memory_space<vmem>>
      %dma_wait3A_123 = tpu.memref_squeeze %dma_wait3A_122 : memref<1x128xi32, #tpu.memory_space<vmem>> -> memref<128xi32, #tpu.memory_space<vmem>>
      %dma_wait3A_124 = arith.constant 0 : i32
      %dma_wait3A_125 = arith.constant 0 : i32
      %dma_wait3A_126 = tpu.memref_slice %arg2[%dma_wait3A_124, %dma_wait3A_125] : memref<10000x32xi32, #tpu.memory_space<hbm>> -> memref<10000x32xi32, #tpu.memory_space<hbm>>
      tpu.wait_indirect_dma semaphore(%arg12 : memref<!tpu.dma_semaphore, #tpu.memory_space<semaphore_mem>>) src(%dma_wait3A_126 : memref<10000x32xi32, #tpu.memory_space<hbm>>) dst(%arg7 : memref<128x32xi32, #tpu.memory_space<vmem>>)
      %parallel_loop3A = arith.constant 0 : i32
      %parallel_loop3A_127 = arith.constant 128 : i32
      %parallel_loop3A_128 = arith.constant 1 : i32
      scf.for %parallel_loop3A_147 = %parallel_loop3A to %parallel_loop3A_127 step %parallel_loop3A_128  : i32 {
        %parallel_loop3A_148 = arith.index_cast %parallel_loop3A_147 : i32 to index
        %parallel_loop3A_149 = arith.constant 0 : index
        %parallel_loop3A_150 = tpu.vector_load %arg7[%parallel_loop3A_148, %parallel_loop3A_149] {strides = array<i32>} : memref<128x32xi32, #tpu.memory_space<vmem>>, vector<1x16xi32>,
        %parallel_loop3A_151 = vector.shape_cast %parallel_loop3A_150 : vector<1x16xi32> to vector<16xi32>
        %parallel_loop3A_152 = arith.constant 16 : i32
        %parallel_loop3A_153 = vector.broadcast %parallel_loop3A_152 : i32 to vector<16xi32>
        %parallel_loop3A_154 = arith.shli %parallel_loop3A_151, %parallel_loop3A_153 : vector<16xi32>
        %parallel_loop3A_155 = tpu.bitcast %parallel_loop3A_154 : vector<16xi32> -> vector<16xf32>
        %parallel_loop3A_156 = arith.constant -65536 : i32
        %parallel_loop3A_157 = vector.broadcast %parallel_loop3A_156 : i32 to vector<16xi32>
        %parallel_loop3A_158 = arith.andi %parallel_loop3A_151, %parallel_loop3A_157 : vector<16xi32>
        %parallel_loop3A_159 = tpu.bitcast %parallel_loop3A_158 : vector<16xi32> -> vector<16xf32>
        %parallel_loop3A_160 = arith.index_cast %parallel_loop3A_147 : i32 to index
        %parallel_loop3A_161 = arith.constant 0 : index
        %parallel_loop3A_162 = tpu.vector_load %arg9[%parallel_loop3A_160, %parallel_loop3A_161] {strides = array<i32>} : memref<128x80xf32, #tpu.memory_space<vmem>>, vector<1x16xf32>,
        %parallel_loop3A_163 = vector.shape_cast %parallel_loop3A_162 : vector<1x16xf32> to vector<16xf32>
        %parallel_loop3A_164 = vector.shape_cast %parallel_loop3A_155 : vector<16xf32> to vector<1x16xf32>
        tpu.vector_store %arg9[%parallel_loop3A_160, %parallel_loop3A_161], %parallel_loop3A_164 {strides = array<i32>} : memref<128x80xf32, #tpu.memory_space<vmem>>, vector<1x16xf32>,
        %parallel_loop3A_165 = arith.index_cast %parallel_loop3A_147 : i32 to index
        %parallel_loop3A_166 = arith.constant 32 : index
        %parallel_loop3A_167 = tpu.vector_load %arg9[%parallel_loop3A_165, %parallel_loop3A_166] {strides = array<i32>} : memref<128x80xf32, #tpu.memory_space<vmem>>, vector<1x16xf32>,
        %parallel_loop3A_168 = vector.shape_cast %parallel_loop3A_167 : vector<1x16xf32> to vector<16xf32>
        %parallel_loop3A_169 = vector.shape_cast %parallel_loop3A_159 : vector<16xf32> to vector<1x16xf32>
        tpu.vector_store %arg9[%parallel_loop3A_165, %parallel_loop3A_166], %parallel_loop3A_169 {strides = array<i32>} : memref<128x80xf32, #tpu.memory_space<vmem>>, vector<1x16xf32>,
        %parallel_loop3A_170 = arith.index_cast %parallel_loop3A_147 : i32 to index
        %parallel_loop3A_171 = arith.constant 16 : index
        %parallel_loop3A_172 = tpu.vector_load %arg7[%parallel_loop3A_170, %parallel_loop3A_171] {strides = array<i32>} : memref<128x32xi32, #tpu.memory_space<vmem>>, vector<1x16xi32>,
        %parallel_loop3A_173 = vector.shape_cast %parallel_loop3A_172 : vector<1x16xi32> to vector<16xi32>
        %parallel_loop3A_174 = arith.constant 16 : i32
        %parallel_loop3A_175 = vector.broadcast %parallel_loop3A_174 : i32 to vector<16xi32>
        %parallel_loop3A_176 = arith.shli %parallel_loop3A_173, %parallel_loop3A_175 : vector<16xi32>
        %parallel_loop3A_177 = tpu.bitcast %parallel_loop3A_176 : vector<16xi32> -> vector<16xf32>
        %parallel_loop3A_178 = arith.constant -65536 : i32
        %parallel_loop3A_179 = vector.broadcast %parallel_loop3A_178 : i32 to vector<16xi32>
        %parallel_loop3A_180 = arith.andi %parallel_loop3A_173, %parallel_loop3A_179 : vector<16xi32>
        %parallel_loop3A_181 = tpu.bitcast %parallel_loop3A_180 : vector<16xi32> -> vector<16xf32>
        %parallel_loop3A_182 = arith.index_cast %parallel_loop3A_147 : i32 to index
        %parallel_loop3A_183 = arith.constant 16 : index
        %parallel_loop3A_184 = tpu.vector_load %arg9[%parallel_loop3A_182, %parallel_loop3A_183] {strides = array<i32>} : memref<128x80xf32, #tpu.memory_space<vmem>>, vector<1x16xf32>,
        %parallel_loop3A_185 = vector.shape_cast %parallel_loop3A_184 : vector<1x16xf32> to vector<16xf32>
        %parallel_loop3A_186 = vector.shape_cast %parallel_loop3A_177 : vector<16xf32> to vector<1x16xf32>
        tpu.vector_store %arg9[%parallel_loop3A_182, %parallel_loop3A_183], %parallel_loop3A_186 {strides = array<i32>} : memref<128x80xf32, #tpu.memory_space<vmem>>, vector<1x16xf32>,
        %parallel_loop3A_187 = arith.index_cast %parallel_loop3A_147 : i32 to index
        %parallel_loop3A_188 = arith.constant 48 : index
        %parallel_loop3A_189 = tpu.vector_load %arg9[%parallel_loop3A_187, %parallel_loop3A_188] {strides = array<i32>} : memref<128x80xf32, #tpu.memory_space<vmem>>, vector<1x16xf32>,
        %parallel_loop3A_190 = vector.shape_cast %parallel_loop3A_189 : vector<1x16xf32> to vector<16xf32>
        %parallel_loop3A_191 = vector.shape_cast %parallel_loop3A_181 : vector<16xf32> to vector<1x16xf32>
        tpu.vector_store %arg9[%parallel_loop3A_187, %parallel_loop3A_188], %parallel_loop3A_191 {strides = array<i32>} : memref<128x80xf32, #tpu.memory_space<vmem>>, vector<1x16xf32>,
      } {sc.loop_unroll_factor = 4 : i64, sc.parallel_access}
      %add3A_129 = arith.constant 2 : i32
      %add3A_130 = arith.addi %sub3A_121, %add3A_129 : i32
      %lt3A_131 = arith.cmpi slt, %add3A_130, %select_n3A_7 : i32
      %convert_element_type3A_132 = arith.extui %lt3A_131 : i1 to i32
      %cond3A_133 = arith.constant 0 : i32
      %cond3A_134 = arith.cmpi ne, %convert_element_type3A_132, %cond3A_133 : i32
      scf.if %cond3A_134 {
        %add3A_147 = arith.constant 2 : i32
        %add3A_148 = arith.addi %sub3A_121, %add3A_147 : i32
        %dma_start3A_149 = arith.constant 0 : i32
        %dma_start3A_150 = tpu.memref_slice %arg5[%add3A_148, %dma_start3A_149] : memref<82x128xi32, #tpu.memory_space<vmem>> -> memref<1x128xi32, #tpu.memory_space<vmem>>
        %dma_start3A_151 = tpu.memref_squeeze %dma_start3A_150 : memref<1x128xi32, #tpu.memory_space<vmem>> -> memref<128xi32, #tpu.memory_space<vmem>>
        %dma_start3A_152 = arith.constant 0 : i32
        %dma_start3A_153 = arith.constant 0 : i32
        %dma_start3A_154 = tpu.memref_slice %arg2[%dma_start3A_152, %dma_start3A_153] : memref<10000x32xi32, #tpu.memory_space<hbm>> -> memref<10000x32xi32, #tpu.memory_space<hbm>>
        tpu.enqueue_indirect_dma source(%dma_start3A_154 : memref<10000x32xi32, #tpu.memory_space<hbm>>) target(%arg7 : memref<128x32xi32, #tpu.memory_space<vmem>>) offsets(%dma_start3A_151 : memref<128xi32, #tpu.memory_space<vmem>>) semaphore(%arg12 : memref<!tpu.dma_semaphore, #tpu.memory_space<semaphore_mem>>)
      } else {
      }
      %dma_start3A_135 = arith.constant 0 : i32
      %dma_start3A_136 = tpu.memref_slice %arg6[%sub3A_121, %dma_start3A_135] : memref<82x128xi32, #tpu.memory_space<vmem>> -> memref<1x128xi32, #tpu.memory_space<vmem>>
      %dma_start3A_137 = tpu.memref_squeeze %dma_start3A_136 : memref<1x128xi32, #tpu.memory_space<vmem>> -> memref<128xi32, #tpu.memory_space<vmem>>
      %dma_start3A_138 = arith.constant 0 : i32
      %dma_start3A_139 = arith.constant 0 : i32
      %dma_start3A_140 = tpu.memref_slice %arg11[%dma_start3A_138, %dma_start3A_139] : memref<10240x80xf32, #tpu.memory_space<vmem_shared>> -> memref<10240x80xf32, #tpu.memory_space<vmem_shared>>
      tpu.enqueue_indirect_dma source(%arg9 : memref<128x80xf32, #tpu.memory_space<vmem>>) target(%dma_start3A_140 : memref<10240x80xf32, #tpu.memory_space<vmem_shared>>) offsets(%dma_start3A_137 : memref<128xi32, #tpu.memory_space<vmem>>) semaphore(%arg14 : memref<!tpu.dma_semaphore, #tpu.memory_space<semaphore_mem>>) {add = true}
      %dma_wait3A_141 = arith.constant 0 : i32
      %dma_wait3A_142 = tpu.memref_slice %arg6[%sub3A_121, %dma_wait3A_141] : memref<82x128xi32, #tpu.memory_space<vmem>> -> memref<1x128xi32, #tpu.memory_space<vmem>>
      %dma_wait3A_143 = tpu.memref_squeeze %dma_wait3A_142 : memref<1x128xi32, #tpu.memory_space<vmem>> -> memref<128xi32, #tpu.memory_space<vmem>>
      %dma_wait3A_144 = arith.constant 0 : i32
      %dma_wait3A_145 = arith.constant 0 : i32
      %dma_wait3A_146 = tpu.memref_slice %arg11[%dma_wait3A_144, %dma_wait3A_145] : memref<10240x80xf32, #tpu.memory_space<vmem_shared>> -> memref<10240x80xf32, #tpu.memory_space<vmem_shared>>
      tpu.wait_indirect_dma semaphore(%arg14 : memref<!tpu.dma_semaphore, #tpu.memory_space<semaphore_mem>>) src(%arg9 : memref<128x80xf32, #tpu.memory_space<vmem>>) dst(%dma_wait3A_146 : memref<10240x80xf32, #tpu.memory_space<vmem_shared>>)
    } else {
    }
    %barrier3A_109 = arith.constant 0 : index
    tpu.barrier barrier_id(%barrier3A_109)
    %add3A_110 = arith.constant 0 : i32
    %add3A_111 = arith.addi %mul3A_31, %add3A_110 : i32
    "tpu.region"() ({
      %run_scoped3A = tpu.sem_alloc : memref<!tpu.dma_semaphore, #tpu.memory_space<semaphore_mem>>
      %dma_start3A_120 = arith.constant 0 : i32
      %dma_start3A_121 = tpu.memref_slice %arg11[%add3A_111, %dma_start3A_120] : memref<10240x80xf32, #tpu.memory_space<vmem_shared>> -> memref<128x80xf32, #tpu.memory_space<vmem_shared>>
      %dma_start3A_122 = arith.constant 0 : i32
      %dma_start3A_123 = tpu.memref_slice %arg11[%add3A_111, %dma_start3A_122] : memref<10240x80xf32, #tpu.memory_space<vmem_shared>> -> memref<128x80xf32, #tpu.memory_space<vmem_shared>>
      tpu.enqueue_dma source(%dma_start3A_123 : memref<128x80xf32, #tpu.memory_space<vmem_shared>>) target(%arg9 : memref<128x80xf32, #tpu.memory_space<vmem>>) target_semaphore(%run_scoped3A : memref<!tpu.dma_semaphore, #tpu.memory_space<semaphore_mem>>)
      %dma_wait3A = arith.constant 0 : i32
      %dma_wait3A_124 = tpu.memref_slice %arg11[%add3A_111, %dma_wait3A] : memref<10240x80xf32, #tpu.memory_space<vmem_shared>> -> memref<128x80xf32, #tpu.memory_space<vmem_shared>>
      %dma_wait3A_125 = arith.constant 0 : i32
      %dma_wait3A_126 = tpu.memref_slice %arg11[%add3A_111, %dma_wait3A_125] : memref<10240x80xf32, #tpu.memory_space<vmem_shared>> -> memref<128x80xf32, #tpu.memory_space<vmem_shared>>
      tpu.wait_dma2 semaphore(%run_scoped3A : memref<!tpu.dma_semaphore, #tpu.memory_space<semaphore_mem>>) src(%dma_wait3A_126 : memref<128x80xf32, #tpu.memory_space<vmem_shared>>) dst(%arg9 : memref<128x80xf32, #tpu.memory_space<vmem>>)
      tpu.yield
    }) : () -> ()
    "tpu.region"() ({
      %run_scoped3A = tpu.sem_alloc : memref<!tpu.dma_semaphore, #tpu.memory_space<semaphore_mem>>
      %dma_start3A_120 = arith.constant 0 : i32
      %dma_start3A_121 = tpu.memref_slice %arg4[%arg0, %add3A_111, %dma_start3A_120] : memref<2x10240x80xf32, #tpu.memory_space<hbm>> -> memref<1x128x80xf32, #tpu.memory_space<hbm>>
      %dma_start3A_122 = tpu.memref_squeeze %dma_start3A_121 : memref<1x128x80xf32, #tpu.memory_space<hbm>> -> memref<128x80xf32, #tpu.memory_space<hbm>>
      %dma_start3A_123 = arith.constant 0 : i32
      %dma_start3A_124 = tpu.memref_slice %arg4[%arg0, %add3A_111, %dma_start3A_123] : memref<2x10240x80xf32, #tpu.memory_space<hbm>> -> memref<1x128x80xf32, #tpu.memory_space<hbm>>
      %dma_start3A_125 = tpu.memref_squeeze %dma_start3A_124 : memref<1x128x80xf32, #tpu.memory_space<hbm>> -> memref<128x80xf32, #tpu.memory_space<hbm>>
      tpu.enqueue_dma source(%arg9 : memref<128x80xf32, #tpu.memory_space<vmem>>) target(%dma_start3A_125 : memref<128x80xf32, #tpu.memory_space<hbm>>) target_semaphore(%run_scoped3A : memref<!tpu.dma_semaphore, #tpu.memory_space<semaphore_mem>>)
      %dma_wait3A = arith.constant 0 : i32
      %dma_wait3A_126 = tpu.memref_slice %arg4[%arg0, %add3A_111, %dma_wait3A] : memref<2x10240x80xf32, #tpu.memory_space<hbm>> -> memref<1x128x80xf32, #tpu.memory_space<hbm>>
      %dma_wait3A_127 = tpu.memref_squeeze %dma_wait3A_126 : memref<1x128x80xf32, #tpu.memory_space<hbm>> -> memref<128x80xf32, #tpu.memory_space<hbm>>
      %dma_wait3A_128 = arith.constant 0 : i32
      %dma_wait3A_129 = tpu.memref_slice %arg4[%arg0, %add3A_111, %dma_wait3A_128] : memref<2x10240x80xf32, #tpu.memory_space<hbm>> -> memref<1x128x80xf32, #tpu.memory_space<hbm>>
      %dma_wait3A_130 = tpu.memref_squeeze %dma_wait3A_129 : memref<1x128x80xf32, #tpu.memory_space<hbm>> -> memref<128x80xf32, #tpu.memory_space<hbm>>
      tpu.wait_dma2 semaphore(%run_scoped3A : memref<!tpu.dma_semaphore, #tpu.memory_space<semaphore_mem>>) src(%arg9 : memref<128x80xf32, #tpu.memory_space<vmem>>) dst(%dma_wait3A_130 : memref<128x80xf32, #tpu.memory_space<hbm>>)
      tpu.yield
    }) : () -> ()
    %add3A_112 = arith.constant 128 : i32
    %add3A_113 = arith.addi %mul3A_31, %add3A_112 : i32
    "tpu.region"() ({
      %run_scoped3A = tpu.sem_alloc : memref<!tpu.dma_semaphore, #tpu.memory_space<semaphore_mem>>
      %dma_start3A_120 = arith.constant 0 : i32
      %dma_start3A_121 = tpu.memref_slice %arg11[%add3A_113, %dma_start3A_120] : memref<10240x80xf32, #tpu.memory_space<vmem_shared>> -> memref<128x80xf32, #tpu.memory_space<vmem_shared>>
      %dma_start3A_122 = arith.constant 0 : i32
      %dma_start3A_123 = tpu.memref_slice %arg11[%add3A_113, %dma_start3A_122] : memref<10240x80xf32, #tpu.memory_space<vmem_shared>> -> memref<128x80xf32, #tpu.memory_space<vmem_shared>>
      tpu.enqueue_dma source(%dma_start3A_123 : memref<128x80xf32, #tpu.memory_space<vmem_shared>>) target(%arg9 : memref<128x80xf32, #tpu.memory_space<vmem>>) target_semaphore(%run_scoped3A : memref<!tpu.dma_semaphore, #tpu.memory_space<semaphore_mem>>)
      %dma_wait3A = arith.constant 0 : i32
      %dma_wait3A_124 = tpu.memref_slice %arg11[%add3A_113, %dma_wait3A] : memref<10240x80xf32, #tpu.memory_space<vmem_shared>> -> memref<128x80xf32, #tpu.memory_space<vmem_shared>>
      %dma_wait3A_125 = arith.constant 0 : i32
      %dma_wait3A_126 = tpu.memref_slice %arg11[%add3A_113, %dma_wait3A_125] : memref<10240x80xf32, #tpu.memory_space<vmem_shared>> -> memref<128x80xf32, #tpu.memory_space<vmem_shared>>
      tpu.wait_dma2 semaphore(%run_scoped3A : memref<!tpu.dma_semaphore, #tpu.memory_space<semaphore_mem>>) src(%dma_wait3A_126 : memref<128x80xf32, #tpu.memory_space<vmem_shared>>) dst(%arg9 : memref<128x80xf32, #tpu.memory_space<vmem>>)
      tpu.yield
    }) : () -> ()
    "tpu.region"() ({
      %run_scoped3A = tpu.sem_alloc : memref<!tpu.dma_semaphore, #tpu.memory_space<semaphore_mem>>
      %dma_start3A_120 = arith.constant 0 : i32
      %dma_start3A_121 = tpu.memref_slice %arg4[%arg0, %add3A_113, %dma_start3A_120] : memref<2x10240x80xf32, #tpu.memory_space<hbm>> -> memref<1x128x80xf32, #tpu.memory_space<hbm>>
      %dma_start3A_122 = tpu.memref_squeeze %dma_start3A_121 : memref<1x128x80xf32, #tpu.memory_space<hbm>> -> memref<128x80xf32, #tpu.memory_space<hbm>>
      %dma_start3A_123 = arith.constant 0 : i32
      %dma_start3A_124 = tpu.memref_slice %arg4[%arg0, %add3A_113, %dma_start3A_123] : memref<2x10240x80xf32, #tpu.memory_space<hbm>> -> memref<1x128x80xf32, #tpu.memory_space<hbm>>
      %dma_start3A_125 = tpu.memref_squeeze %dma_start3A_124 : memref<1x128x80xf32, #tpu.memory_space<hbm>> -> memref<128x80xf32, #tpu.memory_space<hbm>>
      tpu.enqueue_dma source(%arg9 : memref<128x80xf32, #tpu.memory_space<vmem>>) target(%dma_start3A_125 : memref<128x80xf32, #tpu.memory_space<hbm>>) target_semaphore(%run_scoped3A : memref<!tpu.dma_semaphore, #tpu.memory_space<semaphore_mem>>)
      %dma_wait3A = arith.constant 0 : i32
      %dma_wait3A_126 = tpu.memref_slice %arg4[%arg0, %add3A_113, %dma_wait3A] : memref<2x10240x80xf32, #tpu.memory_space<hbm>> -> memref<1x128x80xf32, #tpu.memory_space<hbm>>
      %dma_wait3A_127 = tpu.memref_squeeze %dma_wait3A_126 : memref<1x128x80xf32, #tpu.memory_space<hbm>> -> memref<128x80xf32, #tpu.memory_space<hbm>>
      %dma_wait3A_128 = arith.constant 0 : i32
      %dma_wait3A_129 = tpu.memref_slice %arg4[%arg0, %add3A_113, %dma_wait3A_128] : memref<2x10240x80xf32, #tpu.memory_space<hbm>> -> memref<1x128x80xf32, #tpu.memory_space<hbm>>
      %dma_wait3A_130 = tpu.memref_squeeze %dma_wait3A_129 : memref<1x128x80xf32, #tpu.memory_space<hbm>> -> memref<128x80xf32, #tpu.memory_space<hbm>>
      tpu.wait_dma2 semaphore(%run_scoped3A : memref<!tpu.dma_semaphore, #tpu.memory_space<semaphore_mem>>) src(%arg9 : memref<128x80xf32, #tpu.memory_space<vmem>>) dst(%dma_wait3A_130 : memref<128x80xf32, #tpu.memory_space<hbm>>)
      tpu.yield
    }) : () -> ()
    %add3A_114 = arith.constant 256 : i32
    %add3A_115 = arith.addi %mul3A_31, %add3A_114 : i32
    "tpu.region"() ({
      %run_scoped3A = tpu.sem_alloc : memref<!tpu.dma_semaphore, #tpu.memory_space<semaphore_mem>>
      %dma_start3A_120 = arith.constant 0 : i32
      %dma_start3A_121 = tpu.memref_slice %arg11[%add3A_115, %dma_start3A_120] : memref<10240x80xf32, #tpu.memory_space<vmem_shared>> -> memref<128x80xf32, #tpu.memory_space<vmem_shared>>
      %dma_start3A_122 = arith.constant 0 : i32
      %dma_start3A_123 = tpu.memref_slice %arg11[%add3A_115, %dma_start3A_122] : memref<10240x80xf32, #tpu.memory_space<vmem_shared>> -> memref<128x80xf32, #tpu.memory_space<vmem_shared>>
      tpu.enqueue_dma source(%dma_start3A_123 : memref<128x80xf32, #tpu.memory_space<vmem_shared>>) target(%arg9 : memref<128x80xf32, #tpu.memory_space<vmem>>) target_semaphore(%run_scoped3A : memref<!tpu.dma_semaphore, #tpu.memory_space<semaphore_mem>>)
      %dma_wait3A = arith.constant 0 : i32
      %dma_wait3A_124 = tpu.memref_slice %arg11[%add3A_115, %dma_wait3A] : memref<10240x80xf32, #tpu.memory_space<vmem_shared>> -> memref<128x80xf32, #tpu.memory_space<vmem_shared>>
      %dma_wait3A_125 = arith.constant 0 : i32
      %dma_wait3A_126 = tpu.memref_slice %arg11[%add3A_115, %dma_wait3A_125] : memref<10240x80xf32, #tpu.memory_space<vmem_shared>> -> memref<128x80xf32, #tpu.memory_space<vmem_shared>>
      tpu.wait_dma2 semaphore(%run_scoped3A : memref<!tpu.dma_semaphore, #tpu.memory_space<semaphore_mem>>) src(%dma_wait3A_126 : memref<128x80xf32, #tpu.memory_space<vmem_shared>>) dst(%arg9 : memref<128x80xf32, #tpu.memory_space<vmem>>)
      tpu.yield
    }) : () -> ()
    "tpu.region"() ({
      %run_scoped3A = tpu.sem_alloc : memref<!tpu.dma_semaphore, #tpu.memory_space<semaphore_mem>>
      %dma_start3A_120 = arith.constant 0 : i32
      %dma_start3A_121 = tpu.memref_slice %arg4[%arg0, %add3A_115, %dma_start3A_120] : memref<2x10240x80xf32, #tpu.memory_space<hbm>> -> memref<1x128x80xf32, #tpu.memory_space<hbm>>
      %dma_start3A_122 = tpu.memref_squeeze %dma_start3A_121 : memref<1x128x80xf32, #tpu.memory_space<hbm>> -> memref<128x80xf32, #tpu.memory_space<hbm>>
      %dma_start3A_123 = arith.constant 0 : i32
      %dma_start3A_124 = tpu.memref_slice %arg4[%arg0, %add3A_115, %dma_start3A_123] : memref<2x10240x80xf32, #tpu.memory_space<hbm>> -> memref<1x128x80xf32, #tpu.memory_space<hbm>>
      %dma_start3A_125 = tpu.memref_squeeze %dma_start3A_124 : memref<1x128x80xf32, #tpu.memory_space<hbm>> -> memref<128x80xf32, #tpu.memory_space<hbm>>
      tpu.enqueue_dma source(%arg9 : memref<128x80xf32, #tpu.memory_space<vmem>>) target(%dma_start3A_125 : memref<128x80xf32, #tpu.memory_space<hbm>>) target_semaphore(%run_scoped3A : memref<!tpu.dma_semaphore, #tpu.memory_space<semaphore_mem>>)
      %dma_wait3A = arith.constant 0 : i32
      %dma_wait3A_126 = tpu.memref_slice %arg4[%arg0, %add3A_115, %dma_wait3A] : memref<2x10240x80xf32, #tpu.memory_space<hbm>> -> memref<1x128x80xf32, #tpu.memory_space<hbm>>
      %dma_wait3A_127 = tpu.memref_squeeze %dma_wait3A_126 : memref<1x128x80xf32, #tpu.memory_space<hbm>> -> memref<128x80xf32, #tpu.memory_space<hbm>>
      %dma_wait3A_128 = arith.constant 0 : i32
      %dma_wait3A_129 = tpu.memref_slice %arg4[%arg0, %add3A_115, %dma_wait3A_128] : memref<2x10240x80xf32, #tpu.memory_space<hbm>> -> memref<1x128x80xf32, #tpu.memory_space<hbm>>
      %dma_wait3A_130 = tpu.memref_squeeze %dma_wait3A_129 : memref<1x128x80xf32, #tpu.memory_space<hbm>> -> memref<128x80xf32, #tpu.memory_space<hbm>>
      tpu.wait_dma2 semaphore(%run_scoped3A : memref<!tpu.dma_semaphore, #tpu.memory_space<semaphore_mem>>) src(%arg9 : memref<128x80xf32, #tpu.memory_space<vmem>>) dst(%dma_wait3A_130 : memref<128x80xf32, #tpu.memory_space<hbm>>)
      tpu.yield
    }) : () -> ()
    %add3A_116 = arith.constant 384 : i32
    %add3A_117 = arith.addi %mul3A_31, %add3A_116 : i32
    "tpu.region"() ({
      %run_scoped3A = tpu.sem_alloc : memref<!tpu.dma_semaphore, #tpu.memory_space<semaphore_mem>>
      %dma_start3A_120 = arith.constant 0 : i32
      %dma_start3A_121 = tpu.memref_slice %arg11[%add3A_117, %dma_start3A_120] : memref<10240x80xf32, #tpu.memory_space<vmem_shared>> -> memref<128x80xf32, #tpu.memory_space<vmem_shared>>
      %dma_start3A_122 = arith.constant 0 : i32
      %dma_start3A_123 = tpu.memref_slice %arg11[%add3A_117, %dma_start3A_122] : memref<10240x80xf32, #tpu.memory_space<vmem_shared>> -> memref<128x80xf32, #tpu.memory_space<vmem_shared>>
      tpu.enqueue_dma source(%dma_start3A_123 : memref<128x80xf32, #tpu.memory_space<vmem_shared>>) target(%arg9 : memref<128x80xf32, #tpu.memory_space<vmem>>) target_semaphore(%run_scoped3A : memref<!tpu.dma_semaphore, #tpu.memory_space<semaphore_mem>>)
      %dma_wait3A = arith.constant 0 : i32
      %dma_wait3A_124 = tpu.memref_slice %arg11[%add3A_117, %dma_wait3A] : memref<10240x80xf32, #tpu.memory_space<vmem_shared>> -> memref<128x80xf32, #tpu.memory_space<vmem_shared>>
      %dma_wait3A_125 = arith.constant 0 : i32
      %dma_wait3A_126 = tpu.memref_slice %arg11[%add3A_117, %dma_wait3A_125] : memref<10240x80xf32, #tpu.memory_space<vmem_shared>> -> memref<128x80xf32, #tpu.memory_space<vmem_shared>>
      tpu.wait_dma2 semaphore(%run_scoped3A : memref<!tpu.dma_semaphore, #tpu.memory_space<semaphore_mem>>) src(%dma_wait3A_126 : memref<128x80xf32, #tpu.memory_space<vmem_shared>>) dst(%arg9 : memref<128x80xf32, #tpu.memory_space<vmem>>)
      tpu.yield
    }) : () -> ()
    "tpu.region"() ({
      %run_scoped3A = tpu.sem_alloc : memref<!tpu.dma_semaphore, #tpu.memory_space<semaphore_mem>>
      %dma_start3A_120 = arith.constant 0 : i32
      %dma_start3A_121 = tpu.memref_slice %arg4[%arg0, %add3A_117, %dma_start3A_120] : memref<2x10240x80xf32, #tpu.memory_space<hbm>> -> memref<1x128x80xf32, #tpu.memory_space<hbm>>
      %dma_start3A_122 = tpu.memref_squeeze %dma_start3A_121 : memref<1x128x80xf32, #tpu.memory_space<hbm>> -> memref<128x80xf32, #tpu.memory_space<hbm>>
      %dma_start3A_123 = arith.constant 0 : i32
      %dma_start3A_124 = tpu.memref_slice %arg4[%arg0, %add3A_117, %dma_start3A_123] : memref<2x10240x80xf32, #tpu.memory_space<hbm>> -> memref<1x128x80xf32, #tpu.memory_space<hbm>>
      %dma_start3A_125 = tpu.memref_squeeze %dma_start3A_124 : memref<1x128x80xf32, #tpu.memory_space<hbm>> -> memref<128x80xf32, #tpu.memory_space<hbm>>
      tpu.enqueue_dma source(%arg9 : memref<128x80xf32, #tpu.memory_space<vmem>>) target(%dma_start3A_125 : memref<128x80xf32, #tpu.memory_space<hbm>>) target_semaphore(%run_scoped3A : memref<!tpu.dma_semaphore, #tpu.memory_space<semaphore_mem>>)
      %dma_wait3A = arith.constant 0 : i32
      %dma_wait3A_126 = tpu.memref_slice %arg4[%arg0, %add3A_117, %dma_wait3A] : memref<2x10240x80xf32, #tpu.memory_space<hbm>> -> memref<1x128x80xf32, #tpu.memory_space<hbm>>
      %dma_wait3A_127 = tpu.memref_squeeze %dma_wait3A_126 : memref<1x128x80xf32, #tpu.memory_space<hbm>> -> memref<128x80xf32, #tpu.memory_space<hbm>>
      %dma_wait3A_128 = arith.constant 0 : i32
      %dma_wait3A_129 = tpu.memref_slice %arg4[%arg0, %add3A_117, %dma_wait3A_128] : memref<2x10240x80xf32, #tpu.memory_space<hbm>> -> memref<1x128x80xf32, #tpu.memory_space<hbm>>
      %dma_wait3A_130 = tpu.memref_squeeze %dma_wait3A_129 : memref<1x128x80xf32, #tpu.memory_space<hbm>> -> memref<128x80xf32, #tpu.memory_space<hbm>>
      tpu.wait_dma2 semaphore(%run_scoped3A : memref<!tpu.dma_semaphore, #tpu.memory_space<semaphore_mem>>) src(%arg9 : memref<128x80xf32, #tpu.memory_space<vmem>>) dst(%dma_wait3A_130 : memref<128x80xf32, #tpu.memory_space<hbm>>)
      tpu.yield
    }) : () -> ()
    %add3A_118 = arith.constant 512 : i32
    %add3A_119 = arith.addi %mul3A_31, %add3A_118 : i32
    "tpu.region"() ({
      %run_scoped3A = tpu.sem_alloc : memref<!tpu.dma_semaphore, #tpu.memory_space<semaphore_mem>>
      %dma_start3A_120 = arith.constant 0 : i32
      %dma_start3A_121 = tpu.memref_slice %arg11[%add3A_119, %dma_start3A_120] : memref<10240x80xf32, #tpu.memory_space<vmem_shared>> -> memref<128x80xf32, #tpu.memory_space<vmem_shared>>
      %dma_start3A_122 = arith.constant 0 : i32
      %dma_start3A_123 = tpu.memref_slice %arg11[%add3A_119, %dma_start3A_122] : memref<10240x80xf32, #tpu.memory_space<vmem_shared>> -> memref<128x80xf32, #tpu.memory_space<vmem_shared>>
      tpu.enqueue_dma source(%dma_start3A_123 : memref<128x80xf32, #tpu.memory_space<vmem_shared>>) target(%arg9 : memref<128x80xf32, #tpu.memory_space<vmem>>) target_semaphore(%run_scoped3A : memref<!tpu.dma_semaphore, #tpu.memory_space<semaphore_mem>>)
      %dma_wait3A = arith.constant 0 : i32
      %dma_wait3A_124 = tpu.memref_slice %arg11[%add3A_119, %dma_wait3A] : memref<10240x80xf32, #tpu.memory_space<vmem_shared>> -> memref<128x80xf32, #tpu.memory_space<vmem_shared>>
      %dma_wait3A_125 = arith.constant 0 : i32
      %dma_wait3A_126 = tpu.memref_slice %arg11[%add3A_119, %dma_wait3A_125] : memref<10240x80xf32, #tpu.memory_space<vmem_shared>> -> memref<128x80xf32, #tpu.memory_space<vmem_shared>>
      tpu.wait_dma2 semaphore(%run_scoped3A : memref<!tpu.dma_semaphore, #tpu.memory_space<semaphore_mem>>) src(%dma_wait3A_126 : memref<128x80xf32, #tpu.memory_space<vmem_shared>>) dst(%arg9 : memref<128x80xf32, #tpu.memory_space<vmem>>)
      tpu.yield
    }) : () -> ()
    "tpu.region"() ({
      %run_scoped3A = tpu.sem_alloc : memref<!tpu.dma_semaphore, #tpu.memory_space<semaphore_mem>>
      %dma_start3A_120 = arith.constant 0 : i32
      %dma_start3A_121 = tpu.memref_slice %arg4[%arg0, %add3A_119, %dma_start3A_120] : memref<2x10240x80xf32, #tpu.memory_space<hbm>> -> memref<1x128x80xf32, #tpu.memory_space<hbm>>
      %dma_start3A_122 = tpu.memref_squeeze %dma_start3A_121 : memref<1x128x80xf32, #tpu.memory_space<hbm>> -> memref<128x80xf32, #tpu.memory_space<hbm>>
      %dma_start3A_123 = arith.constant 0 : i32
      %dma_start3A_124 = tpu.memref_slice %arg4[%arg0, %add3A_119, %dma_start3A_123] : memref<2x10240x80xf32, #tpu.memory_space<hbm>> -> memref<1x128x80xf32, #tpu.memory_space<hbm>>
      %dma_start3A_125 = tpu.memref_squeeze %dma_start3A_124 : memref<1x128x80xf32, #tpu.memory_space<hbm>> -> memref<128x80xf32, #tpu.memory_space<hbm>>
      tpu.enqueue_dma source(%arg9 : memref<128x80xf32, #tpu.memory_space<vmem>>) target(%dma_start3A_125 : memref<128x80xf32, #tpu.memory_space<hbm>>) target_semaphore(%run_scoped3A : memref<!tpu.dma_semaphore, #tpu.memory_space<semaphore_mem>>)
      %dma_wait3A = arith.constant 0 : i32
      %dma_wait3A_126 = tpu.memref_slice %arg4[%arg0, %add3A_119, %dma_wait3A] : memref<2x10240x80xf32, #tpu.memory_space<hbm>> -> memref<1x128x80xf32, #tpu.memory_space<hbm>>
      %dma_wait3A_127 = tpu.memref_squeeze %dma_wait3A_126 : memref<1x128x80xf32, #tpu.memory_space<hbm>> -> memref<128x80xf32, #tpu.memory_space<hbm>>
      %dma_wait3A_128 = arith.constant 0 : i32
      %dma_wait3A_129 = tpu.memref_slice %arg4[%arg0, %add3A_119, %dma_wait3A_128] : memref<2x10240x80xf32, #tpu.memory_space<hbm>> -> memref<1x128x80xf32, #tpu.memory_space<hbm>>
      %dma_wait3A_130 = tpu.memref_squeeze %dma_wait3A_129 : memref<1x128x80xf32, #tpu.memory_space<hbm>> -> memref<128x80xf32, #tpu.memory_space<hbm>>
      tpu.wait_dma2 semaphore(%run_scoped3A : memref<!tpu.dma_semaphore, #tpu.memory_space<semaphore_mem>>) src(%arg9 : memref<128x80xf32, #tpu.memory_space<vmem>>) dst(%dma_wait3A_130 : memref<128x80xf32, #tpu.memory_space<hbm>>)
      tpu.yield
    }) : () -> ()
    return
  }
}

#map = affine_map<(d0, d1) -> (0, 0)>
#map1 = affine_map<(d0, d1) -> (0, 0, 0)>
module attributes {stable_mosaic.version = 14 : i64} {
  func.func @body(%arg0: i32, %arg1: i32, %arg2: memref<10000x16xi32, #tpu.memory_space<hbm>>, %arg3: memref<2x2500x128xi32, #tpu.memory_space<hbm>>, %arg4: memref<2x10240x32xf32, #tpu.memory_space<hbm>>, %arg5: memref<82x128xi32, #tpu.memory_space<vmem>>, %arg6: memref<82x128xi32, #tpu.memory_space<vmem>>, %arg7: memref<128x16xi32, #tpu.memory_space<vmem>>, %arg8: memref<128x16xi32, #tpu.memory_space<vmem>>, %arg9: memref<128x32xf32, #tpu.memory_space<vmem>>, %arg10: memref<128x32xf32, #tpu.memory_space<vmem>>, %arg11: memref<10240x32xf32, #tpu.memory_space<vmem_shared>>, %arg12: memref<!tpu.dma_semaphore, #tpu.memory_space<semaphore_mem>>, %arg13: memref<!tpu.dma_semaphore, #tpu.memory_space<semaphore_mem>>, %arg14: memref<!tpu.dma_semaphore, #tpu.memory_space<semaphore_mem>>, %arg15: memref<!tpu.dma_semaphore, #tpu.memory_space<semaphore_mem>>) attributes {dimension_semantics = [#tpu.dimension_semantics<core_parallel>, #tpu.dimension_semantics<subcore_parallel>], iteration_bounds = array<i64: 2, 16>, scalar_prefetch = 0 : i64, scratch_operands = 11 : i64, tpu.core_type = #tpu.core_type<sc_vector_subcore>, window_params = [{transform_indices = #map}, {transform_indices = #map1}, {transform_indices = #map1}]} {
    %broadcast_in_dim3A = arith.constant 0.000000e+00 : f32
    %broadcast_in_dim3A_0 = vector.broadcast %broadcast_in_dim3A : f32 to vector<16xf32>
    %broadcast_in_dim3A_1 = arith.constant 1.000000e+00 : f32
    %broadcast_in_dim3A_2 = vector.broadcast %broadcast_in_dim3A_1 : f32 to vector<16xf32>
    %eq3A = arith.constant 0 : i32
    %eq3A_3 = arith.cmpi eq, %arg0, %eq3A : i32
    %lt3A = arith.constant 15 : i32
    %lt3A_4 = arith.cmpi slt, %arg1, %lt3A : i32
    %jit3A = arith.constant 75 : i32
    %jit3A_5 = arith.constant 63 : i32
    %select_n3A = arith.select %lt3A_4, %jit3A, %jit3A_5 : i32
    %jit3A_6 = arith.constant 82 : i32
    %select_n3A_7 = arith.select %eq3A_3, %jit3A_6, %select_n3A : i32
    %eq3A_8 = arith.constant 0 : i32
    %eq3A_9 = arith.cmpi eq, %arg0, %eq3A_8 : i32
    %convert_element_type3A = arith.extui %eq3A_9 : i1 to i32
    %cond3A = arith.constant 0 : i32
    %cond3A_10 = arith.cmpi ne, %convert_element_type3A, %cond3A : i32
    scf.if %cond3A_10 {
      %mul3A_114 = arith.constant 82 : i32
      %mul3A_115 = arith.muli %arg1, %mul3A_114 : i32
      %run_scoped3A = arith.constant 0 : i32
      "tpu.region"() ({
        %run_scoped3A_117 = tpu.sem_alloc : memref<!tpu.dma_semaphore, #tpu.memory_space<semaphore_mem>>
        %dma_start3A_118 = arith.constant 0 : i32
        %dma_start3A_119 = tpu.memref_slice %arg3[%run_scoped3A, %mul3A_115, %dma_start3A_118] : memref<2x2500x128xi32, #tpu.memory_space<hbm>> -> memref<1x82x128xi32, #tpu.memory_space<hbm>>
        %dma_start3A_120 = tpu.memref_squeeze %dma_start3A_119 : memref<1x82x128xi32, #tpu.memory_space<hbm>> -> memref<82x128xi32, #tpu.memory_space<hbm>>
        %dma_start3A_121 = arith.constant 0 : i32
        %dma_start3A_122 = tpu.memref_slice %arg3[%run_scoped3A, %mul3A_115, %dma_start3A_121] : memref<2x2500x128xi32, #tpu.memory_space<hbm>> -> memref<1x82x128xi32, #tpu.memory_space<hbm>>
        %dma_start3A_123 = tpu.memref_squeeze %dma_start3A_122 : memref<1x82x128xi32, #tpu.memory_space<hbm>> -> memref<82x128xi32, #tpu.memory_space<hbm>>
        tpu.enqueue_dma source(%dma_start3A_123 : memref<82x128xi32, #tpu.memory_space<hbm>>) target(%arg5 : memref<82x128xi32, #tpu.memory_space<vmem>>) target_semaphore(%run_scoped3A_117 : memref<!tpu.dma_semaphore, #tpu.memory_space<semaphore_mem>>)
        %dma_wait3A = arith.constant 0 : i32
        %dma_wait3A_124 = tpu.memref_slice %arg3[%run_scoped3A, %mul3A_115, %dma_wait3A] : memref<2x2500x128xi32, #tpu.memory_space<hbm>> -> memref<1x82x128xi32, #tpu.memory_space<hbm>>
        %dma_wait3A_125 = tpu.memref_squeeze %dma_wait3A_124 : memref<1x82x128xi32, #tpu.memory_space<hbm>> -> memref<82x128xi32, #tpu.memory_space<hbm>>
        %dma_wait3A_126 = arith.constant 0 : i32
        %dma_wait3A_127 = tpu.memref_slice %arg3[%run_scoped3A, %mul3A_115, %dma_wait3A_126] : memref<2x2500x128xi32, #tpu.memory_space<hbm>> -> memref<1x82x128xi32, #tpu.memory_space<hbm>>
        %dma_wait3A_128 = tpu.memref_squeeze %dma_wait3A_127 : memref<1x82x128xi32, #tpu.memory_space<hbm>> -> memref<82x128xi32, #tpu.memory_space<hbm>>
        tpu.wait_dma2 semaphore(%run_scoped3A_117 : memref<!tpu.dma_semaphore, #tpu.memory_space<semaphore_mem>>) src(%dma_wait3A_128 : memref<82x128xi32, #tpu.memory_space<hbm>>) dst(%arg5 : memref<82x128xi32, #tpu.memory_space<vmem>>)
        tpu.yield
      }) : () -> ()
      %run_scoped3A_116 = arith.constant 1 : i32
      "tpu.region"() ({
        %run_scoped3A_117 = tpu.sem_alloc : memref<!tpu.dma_semaphore, #tpu.memory_space<semaphore_mem>>
        %dma_start3A_118 = arith.constant 0 : i32
        %dma_start3A_119 = tpu.memref_slice %arg3[%run_scoped3A_116, %mul3A_115, %dma_start3A_118] : memref<2x2500x128xi32, #tpu.memory_space<hbm>> -> memref<1x82x128xi32, #tpu.memory_space<hbm>>
        %dma_start3A_120 = tpu.memref_squeeze %dma_start3A_119 : memref<1x82x128xi32, #tpu.memory_space<hbm>> -> memref<82x128xi32, #tpu.memory_space<hbm>>
        %dma_start3A_121 = arith.constant 0 : i32
        %dma_start3A_122 = tpu.memref_slice %arg3[%run_scoped3A_116, %mul3A_115, %dma_start3A_121] : memref<2x2500x128xi32, #tpu.memory_space<hbm>> -> memref<1x82x128xi32, #tpu.memory_space<hbm>>
        %dma_start3A_123 = tpu.memref_squeeze %dma_start3A_122 : memref<1x82x128xi32, #tpu.memory_space<hbm>> -> memref<82x128xi32, #tpu.memory_space<hbm>>
        tpu.enqueue_dma source(%dma_start3A_123 : memref<82x128xi32, #tpu.memory_space<hbm>>) target(%arg6 : memref<82x128xi32, #tpu.memory_space<vmem>>) target_semaphore(%run_scoped3A_117 : memref<!tpu.dma_semaphore, #tpu.memory_space<semaphore_mem>>)
        %dma_wait3A = arith.constant 0 : i32
        %dma_wait3A_124 = tpu.memref_slice %arg3[%run_scoped3A_116, %mul3A_115, %dma_wait3A] : memref<2x2500x128xi32, #tpu.memory_space<hbm>> -> memref<1x82x128xi32, #tpu.memory_space<hbm>>
        %dma_wait3A_125 = tpu.memref_squeeze %dma_wait3A_124 : memref<1x82x128xi32, #tpu.memory_space<hbm>> -> memref<82x128xi32, #tpu.memory_space<hbm>>
        %dma_wait3A_126 = arith.constant 0 : i32
        %dma_wait3A_127 = tpu.memref_slice %arg3[%run_scoped3A_116, %mul3A_115, %dma_wait3A_126] : memref<2x2500x128xi32, #tpu.memory_space<hbm>> -> memref<1x82x128xi32, #tpu.memory_space<hbm>>
        %dma_wait3A_128 = tpu.memref_squeeze %dma_wait3A_127 : memref<1x82x128xi32, #tpu.memory_space<hbm>> -> memref<82x128xi32, #tpu.memory_space<hbm>>
        tpu.wait_dma2 semaphore(%run_scoped3A_117 : memref<!tpu.dma_semaphore, #tpu.memory_space<semaphore_mem>>) src(%dma_wait3A_128 : memref<82x128xi32, #tpu.memory_space<hbm>>) dst(%arg6 : memref<82x128xi32, #tpu.memory_space<vmem>>)
        tpu.yield
      }) : () -> ()
    } else {
    }
    %eq3A_11 = arith.constant 1 : i32
    %eq3A_12 = arith.cmpi eq, %arg0, %eq3A_11 : i32
    %lt3A_13 = arith.constant 15 : i32
    %lt3A_14 = arith.cmpi slt, %arg1, %lt3A_13 : i32
    %and3A = arith.andi %eq3A_12, %lt3A_14 : i1
    %convert_element_type3A_15 = arith.extui %and3A : i1 to i32
    %cond3A_16 = arith.constant 0 : i32
    %cond3A_17 = arith.cmpi ne, %convert_element_type3A_15, %cond3A_16 : i32
    scf.if %cond3A_17 {
      %mul3A_114 = arith.constant 75 : i32
      %mul3A_115 = arith.muli %arg1, %mul3A_114 : i32
      %add3A_116 = arith.constant 1312 : i32
      %add3A_117 = arith.addi %add3A_116, %mul3A_115 : i32
      %run_scoped3A = arith.constant 0 : i32
      "tpu.region"() ({
        %run_scoped3A_119 = tpu.sem_alloc : memref<!tpu.dma_semaphore, #tpu.memory_space<semaphore_mem>>
        %dma_start3A_120 = arith.constant 0 : i32
        %dma_start3A_121 = arith.constant 0 : i32
        %dma_start3A_122 = tpu.memref_slice %arg5[%dma_start3A_120, %dma_start3A_121] : memref<82x128xi32, #tpu.memory_space<vmem>> -> memref<75x128xi32, #tpu.memory_space<vmem>>
        %dma_start3A_123 = arith.constant 0 : i32
        %dma_start3A_124 = tpu.memref_slice %arg3[%run_scoped3A, %add3A_117, %dma_start3A_123] : memref<2x2500x128xi32, #tpu.memory_space<hbm>> -> memref<1x75x128xi32, #tpu.memory_space<hbm>>
        %dma_start3A_125 = tpu.memref_squeeze %dma_start3A_124 : memref<1x75x128xi32, #tpu.memory_space<hbm>> -> memref<75x128xi32, #tpu.memory_space<hbm>>
        %dma_start3A_126 = arith.constant 0 : i32
        %dma_start3A_127 = arith.constant 0 : i32
        %dma_start3A_128 = tpu.memref_slice %arg5[%dma_start3A_126, %dma_start3A_127] : memref<82x128xi32, #tpu.memory_space<vmem>> -> memref<75x128xi32, #tpu.memory_space<vmem>>
        %dma_start3A_129 = arith.constant 0 : i32
        %dma_start3A_130 = tpu.memref_slice %arg3[%run_scoped3A, %add3A_117, %dma_start3A_129] : memref<2x2500x128xi32, #tpu.memory_space<hbm>> -> memref<1x75x128xi32, #tpu.memory_space<hbm>>
        %dma_start3A_131 = tpu.memref_squeeze %dma_start3A_130 : memref<1x75x128xi32, #tpu.memory_space<hbm>> -> memref<75x128xi32, #tpu.memory_space<hbm>>
        tpu.enqueue_dma source(%dma_start3A_131 : memref<75x128xi32, #tpu.memory_space<hbm>>) target(%dma_start3A_128 : memref<75x128xi32, #tpu.memory_space<vmem>>) target_semaphore(%run_scoped3A_119 : memref<!tpu.dma_semaphore, #tpu.memory_space<semaphore_mem>>)
        %dma_wait3A = arith.constant 0 : i32
        %dma_wait3A_132 = arith.constant 0 : i32
        %dma_wait3A_133 = tpu.memref_slice %arg5[%dma_wait3A, %dma_wait3A_132] : memref<82x128xi32, #tpu.memory_space<vmem>> -> memref<75x128xi32, #tpu.memory_space<vmem>>
        %dma_wait3A_134 = arith.constant 0 : i32
        %dma_wait3A_135 = tpu.memref_slice %arg3[%run_scoped3A, %add3A_117, %dma_wait3A_134] : memref<2x2500x128xi32, #tpu.memory_space<hbm>> -> memref<1x75x128xi32, #tpu.memory_space<hbm>>
        %dma_wait3A_136 = tpu.memref_squeeze %dma_wait3A_135 : memref<1x75x128xi32, #tpu.memory_space<hbm>> -> memref<75x128xi32, #tpu.memory_space<hbm>>
        %dma_wait3A_137 = arith.constant 0 : i32
        %dma_wait3A_138 = arith.constant 0 : i32
        %dma_wait3A_139 = tpu.memref_slice %arg5[%dma_wait3A_137, %dma_wait3A_138] : memref<82x128xi32, #tpu.memory_space<vmem>> -> memref<75x128xi32, #tpu.memory_space<vmem>>
        %dma_wait3A_140 = arith.constant 0 : i32
        %dma_wait3A_141 = tpu.memref_slice %arg3[%run_scoped3A, %add3A_117, %dma_wait3A_140] : memref<2x2500x128xi32, #tpu.memory_space<hbm>> -> memref<1x75x128xi32, #tpu.memory_space<hbm>>
        %dma_wait3A_142 = tpu.memref_squeeze %dma_wait3A_141 : memref<1x75x128xi32, #tpu.memory_space<hbm>> -> memref<75x128xi32, #tpu.memory_space<hbm>>
        tpu.wait_dma2 semaphore(%run_scoped3A_119 : memref<!tpu.dma_semaphore, #tpu.memory_space<semaphore_mem>>) src(%dma_wait3A_142 : memref<75x128xi32, #tpu.memory_space<hbm>>) dst(%dma_wait3A_139 : memref<75x128xi32, #tpu.memory_space<vmem>>)
        tpu.yield
      }) : () -> ()
      %run_scoped3A_118 = arith.constant 1 : i32
      "tpu.region"() ({
        %run_scoped3A_119 = tpu.sem_alloc : memref<!tpu.dma_semaphore, #tpu.memory_space<semaphore_mem>>
        %dma_start3A_120 = arith.constant 0 : i32
        %dma_start3A_121 = arith.constant 0 : i32
        %dma_start3A_122 = tpu.memref_slice %arg6[%dma_start3A_120, %dma_start3A_121] : memref<82x128xi32, #tpu.memory_space<vmem>> -> memref<75x128xi32, #tpu.memory_space<vmem>>
        %dma_start3A_123 = arith.constant 0 : i32
        %dma_start3A_124 = tpu.memref_slice %arg3[%run_scoped3A_118, %add3A_117, %dma_start3A_123] : memref<2x2500x128xi32, #tpu.memory_space<hbm>> -> memref<1x75x128xi32, #tpu.memory_space<hbm>>
        %dma_start3A_125 = tpu.memref_squeeze %dma_start3A_124 : memref<1x75x128xi32, #tpu.memory_space<hbm>> -> memref<75x128xi32, #tpu.memory_space<hbm>>
        %dma_start3A_126 = arith.constant 0 : i32
        %dma_start3A_127 = arith.constant 0 : i32
        %dma_start3A_128 = tpu.memref_slice %arg6[%dma_start3A_126, %dma_start3A_127] : memref<82x128xi32, #tpu.memory_space<vmem>> -> memref<75x128xi32, #tpu.memory_space<vmem>>
        %dma_start3A_129 = arith.constant 0 : i32
        %dma_start3A_130 = tpu.memref_slice %arg3[%run_scoped3A_118, %add3A_117, %dma_start3A_129] : memref<2x2500x128xi32, #tpu.memory_space<hbm>> -> memref<1x75x128xi32, #tpu.memory_space<hbm>>
        %dma_start3A_131 = tpu.memref_squeeze %dma_start3A_130 : memref<1x75x128xi32, #tpu.memory_space<hbm>> -> memref<75x128xi32, #tpu.memory_space<hbm>>
        tpu.enqueue_dma source(%dma_start3A_131 : memref<75x128xi32, #tpu.memory_space<hbm>>) target(%dma_start3A_128 : memref<75x128xi32, #tpu.memory_space<vmem>>) target_semaphore(%run_scoped3A_119 : memref<!tpu.dma_semaphore, #tpu.memory_space<semaphore_mem>>)
        %dma_wait3A = arith.constant 0 : i32
        %dma_wait3A_132 = arith.constant 0 : i32
        %dma_wait3A_133 = tpu.memref_slice %arg6[%dma_wait3A, %dma_wait3A_132] : memref<82x128xi32, #tpu.memory_space<vmem>> -> memref<75x128xi32, #tpu.memory_space<vmem>>
        %dma_wait3A_134 = arith.constant 0 : i32
        %dma_wait3A_135 = tpu.memref_slice %arg3[%run_scoped3A_118, %add3A_117, %dma_wait3A_134] : memref<2x2500x128xi32, #tpu.memory_space<hbm>> -> memref<1x75x128xi32, #tpu.memory_space<hbm>>
        %dma_wait3A_136 = tpu.memref_squeeze %dma_wait3A_135 : memref<1x75x128xi32, #tpu.memory_space<hbm>> -> memref<75x128xi32, #tpu.memory_space<hbm>>
        %dma_wait3A_137 = arith.constant 0 : i32
        %dma_wait3A_138 = arith.constant 0 : i32
        %dma_wait3A_139 = tpu.memref_slice %arg6[%dma_wait3A_137, %dma_wait3A_138] : memref<82x128xi32, #tpu.memory_space<vmem>> -> memref<75x128xi32, #tpu.memory_space<vmem>>
        %dma_wait3A_140 = arith.constant 0 : i32
        %dma_wait3A_141 = tpu.memref_slice %arg3[%run_scoped3A_118, %add3A_117, %dma_wait3A_140] : memref<2x2500x128xi32, #tpu.memory_space<hbm>> -> memref<1x75x128xi32, #tpu.memory_space<hbm>>
        %dma_wait3A_142 = tpu.memref_squeeze %dma_wait3A_141 : memref<1x75x128xi32, #tpu.memory_space<hbm>> -> memref<75x128xi32, #tpu.memory_space<hbm>>
        tpu.wait_dma2 semaphore(%run_scoped3A_119 : memref<!tpu.dma_semaphore, #tpu.memory_space<semaphore_mem>>) src(%dma_wait3A_142 : memref<75x128xi32, #tpu.memory_space<hbm>>) dst(%dma_wait3A_139 : memref<75x128xi32, #tpu.memory_space<vmem>>)
        tpu.yield
      }) : () -> ()
    } else {
    }
    %eq3A_18 = arith.constant 1 : i32
    %eq3A_19 = arith.cmpi eq, %arg0, %eq3A_18 : i32
    %eq3A_20 = arith.constant 15 : i32
    %eq3A_21 = arith.cmpi eq, %arg1, %eq3A_20 : i32
    %and3A_22 = arith.andi %eq3A_19, %eq3A_21 : i1
    %convert_element_type3A_23 = arith.extui %and3A_22 : i1 to i32
    %cond3A_24 = arith.constant 0 : i32
    %cond3A_25 = arith.cmpi ne, %convert_element_type3A_23, %cond3A_24 : i32
    scf.if %cond3A_25 {
      %run_scoped3A = arith.constant 0 : i32
      "tpu.region"() ({
        %run_scoped3A_115 = tpu.sem_alloc : memref<!tpu.dma_semaphore, #tpu.memory_space<semaphore_mem>>
        %dma_start3A_116 = arith.constant 0 : i32
        %dma_start3A_117 = arith.constant 0 : i32
        %dma_start3A_118 = tpu.memref_slice %arg5[%dma_start3A_116, %dma_start3A_117] : memref<82x128xi32, #tpu.memory_space<vmem>> -> memref<63x128xi32, #tpu.memory_space<vmem>>
        %dma_start3A_119 = arith.constant 2437 : i32
        %dma_start3A_120 = arith.constant 0 : i32
        %dma_start3A_121 = tpu.memref_slice %arg3[%run_scoped3A, %dma_start3A_119, %dma_start3A_120] : memref<2x2500x128xi32, #tpu.memory_space<hbm>> -> memref<1x63x128xi32, #tpu.memory_space<hbm>>
        %dma_start3A_122 = tpu.memref_squeeze %dma_start3A_121 : memref<1x63x128xi32, #tpu.memory_space<hbm>> -> memref<63x128xi32, #tpu.memory_space<hbm>>
        %dma_start3A_123 = arith.constant 0 : i32
        %dma_start3A_124 = arith.constant 0 : i32
        %dma_start3A_125 = tpu.memref_slice %arg5[%dma_start3A_123, %dma_start3A_124] : memref<82x128xi32, #tpu.memory_space<vmem>> -> memref<63x128xi32, #tpu.memory_space<vmem>>
        %dma_start3A_126 = arith.constant 2437 : i32
        %dma_start3A_127 = arith.constant 0 : i32
        %dma_start3A_128 = tpu.memref_slice %arg3[%run_scoped3A, %dma_start3A_126, %dma_start3A_127] : memref<2x2500x128xi32, #tpu.memory_space<hbm>> -> memref<1x63x128xi32, #tpu.memory_space<hbm>>
        %dma_start3A_129 = tpu.memref_squeeze %dma_start3A_128 : memref<1x63x128xi32, #tpu.memory_space<hbm>> -> memref<63x128xi32, #tpu.memory_space<hbm>>
        tpu.enqueue_dma source(%dma_start3A_129 : memref<63x128xi32, #tpu.memory_space<hbm>>) target(%dma_start3A_125 : memref<63x128xi32, #tpu.memory_space<vmem>>) target_semaphore(%run_scoped3A_115 : memref<!tpu.dma_semaphore, #tpu.memory_space<semaphore_mem>>)
        %dma_wait3A = arith.constant 0 : i32
        %dma_wait3A_130 = arith.constant 0 : i32
        %dma_wait3A_131 = tpu.memref_slice %arg5[%dma_wait3A, %dma_wait3A_130] : memref<82x128xi32, #tpu.memory_space<vmem>> -> memref<63x128xi32, #tpu.memory_space<vmem>>
        %dma_wait3A_132 = arith.constant 2437 : i32
        %dma_wait3A_133 = arith.constant 0 : i32
        %dma_wait3A_134 = tpu.memref_slice %arg3[%run_scoped3A, %dma_wait3A_132, %dma_wait3A_133] : memref<2x2500x128xi32, #tpu.memory_space<hbm>> -> memref<1x63x128xi32, #tpu.memory_space<hbm>>
        %dma_wait3A_135 = tpu.memref_squeeze %dma_wait3A_134 : memref<1x63x128xi32, #tpu.memory_space<hbm>> -> memref<63x128xi32, #tpu.memory_space<hbm>>
        %dma_wait3A_136 = arith.constant 0 : i32
        %dma_wait3A_137 = arith.constant 0 : i32
        %dma_wait3A_138 = tpu.memref_slice %arg5[%dma_wait3A_136, %dma_wait3A_137] : memref<82x128xi32, #tpu.memory_space<vmem>> -> memref<63x128xi32, #tpu.memory_space<vmem>>
        %dma_wait3A_139 = arith.constant 2437 : i32
        %dma_wait3A_140 = arith.constant 0 : i32
        %dma_wait3A_141 = tpu.memref_slice %arg3[%run_scoped3A, %dma_wait3A_139, %dma_wait3A_140] : memref<2x2500x128xi32, #tpu.memory_space<hbm>> -> memref<1x63x128xi32, #tpu.memory_space<hbm>>
        %dma_wait3A_142 = tpu.memref_squeeze %dma_wait3A_141 : memref<1x63x128xi32, #tpu.memory_space<hbm>> -> memref<63x128xi32, #tpu.memory_space<hbm>>
        tpu.wait_dma2 semaphore(%run_scoped3A_115 : memref<!tpu.dma_semaphore, #tpu.memory_space<semaphore_mem>>) src(%dma_wait3A_142 : memref<63x128xi32, #tpu.memory_space<hbm>>) dst(%dma_wait3A_138 : memref<63x128xi32, #tpu.memory_space<vmem>>)
        tpu.yield
      }) : () -> ()
      %run_scoped3A_114 = arith.constant 1 : i32
      "tpu.region"() ({
        %run_scoped3A_115 = tpu.sem_alloc : memref<!tpu.dma_semaphore, #tpu.memory_space<semaphore_mem>>
        %dma_start3A_116 = arith.constant 0 : i32
        %dma_start3A_117 = arith.constant 0 : i32
        %dma_start3A_118 = tpu.memref_slice %arg6[%dma_start3A_116, %dma_start3A_117] : memref<82x128xi32, #tpu.memory_space<vmem>> -> memref<63x128xi32, #tpu.memory_space<vmem>>
        %dma_start3A_119 = arith.constant 2437 : i32
        %dma_start3A_120 = arith.constant 0 : i32
        %dma_start3A_121 = tpu.memref_slice %arg3[%run_scoped3A_114, %dma_start3A_119, %dma_start3A_120] : memref<2x2500x128xi32, #tpu.memory_space<hbm>> -> memref<1x63x128xi32, #tpu.memory_space<hbm>>
        %dma_start3A_122 = tpu.memref_squeeze %dma_start3A_121 : memref<1x63x128xi32, #tpu.memory_space<hbm>> -> memref<63x128xi32, #tpu.memory_space<hbm>>
        %dma_start3A_123 = arith.constant 0 : i32
        %dma_start3A_124 = arith.constant 0 : i32
        %dma_start3A_125 = tpu.memref_slice %arg6[%dma_start3A_123, %dma_start3A_124] : memref<82x128xi32, #tpu.memory_space<vmem>> -> memref<63x128xi32, #tpu.memory_space<vmem>>
        %dma_start3A_126 = arith.constant 2437 : i32
        %dma_start3A_127 = arith.constant 0 : i32
        %dma_start3A_128 = tpu.memref_slice %arg3[%run_scoped3A_114, %dma_start3A_126, %dma_start3A_127] : memref<2x2500x128xi32, #tpu.memory_space<hbm>> -> memref<1x63x128xi32, #tpu.memory_space<hbm>>
        %dma_start3A_129 = tpu.memref_squeeze %dma_start3A_128 : memref<1x63x128xi32, #tpu.memory_space<hbm>> -> memref<63x128xi32, #tpu.memory_space<hbm>>
        tpu.enqueue_dma source(%dma_start3A_129 : memref<63x128xi32, #tpu.memory_space<hbm>>) target(%dma_start3A_125 : memref<63x128xi32, #tpu.memory_space<vmem>>) target_semaphore(%run_scoped3A_115 : memref<!tpu.dma_semaphore, #tpu.memory_space<semaphore_mem>>)
        %dma_wait3A = arith.constant 0 : i32
        %dma_wait3A_130 = arith.constant 0 : i32
        %dma_wait3A_131 = tpu.memref_slice %arg6[%dma_wait3A, %dma_wait3A_130] : memref<82x128xi32, #tpu.memory_space<vmem>> -> memref<63x128xi32, #tpu.memory_space<vmem>>
        %dma_wait3A_132 = arith.constant 2437 : i32
        %dma_wait3A_133 = arith.constant 0 : i32
        %dma_wait3A_134 = tpu.memref_slice %arg3[%run_scoped3A_114, %dma_wait3A_132, %dma_wait3A_133] : memref<2x2500x128xi32, #tpu.memory_space<hbm>> -> memref<1x63x128xi32, #tpu.memory_space<hbm>>
        %dma_wait3A_135 = tpu.memref_squeeze %dma_wait3A_134 : memref<1x63x128xi32, #tpu.memory_space<hbm>> -> memref<63x128xi32, #tpu.memory_space<hbm>>
        %dma_wait3A_136 = arith.constant 0 : i32
        %dma_wait3A_137 = arith.constant 0 : i32
        %dma_wait3A_138 = tpu.memref_slice %arg6[%dma_wait3A_136, %dma_wait3A_137] : memref<82x128xi32, #tpu.memory_space<vmem>> -> memref<63x128xi32, #tpu.memory_space<vmem>>
        %dma_wait3A_139 = arith.constant 2437 : i32
        %dma_wait3A_140 = arith.constant 0 : i32
        %dma_wait3A_141 = tpu.memref_slice %arg3[%run_scoped3A_114, %dma_wait3A_139, %dma_wait3A_140] : memref<2x2500x128xi32, #tpu.memory_space<hbm>> -> memref<1x63x128xi32, #tpu.memory_space<hbm>>
        %dma_wait3A_142 = tpu.memref_squeeze %dma_wait3A_141 : memref<1x63x128xi32, #tpu.memory_space<hbm>> -> memref<63x128xi32, #tpu.memory_space<hbm>>
        tpu.wait_dma2 semaphore(%run_scoped3A_115 : memref<!tpu.dma_semaphore, #tpu.memory_space<semaphore_mem>>) src(%dma_wait3A_142 : memref<63x128xi32, #tpu.memory_space<hbm>>) dst(%dma_wait3A_138 : memref<63x128xi32, #tpu.memory_space<vmem>>)
        tpu.yield
      }) : () -> ()
    } else {
    }
    %scan3A = arith.constant 0 : i32
    %scan3A_26 = arith.constant 0 : i32
    %scan3A_27 = arith.constant 128 : i32
    %scan3A_28 = arith.addi %scan3A_26, %scan3A_27 : i32
    %scan3A_29 = arith.constant 1 : i32
    scf.for %scan3A_114 = %scan3A_26 to %scan3A_28 step %scan3A_29  : i32 {
      %swap3A = arith.index_cast %scan3A_114 : i32 to index
      %swap3A_115 = arith.constant 0 : index
      %swap3A_116 = tpu.vector_load %arg9[%swap3A, %swap3A_115] {strides = array<i32>} : memref<128x32xf32, #tpu.memory_space<vmem>>, vector<1x16xf32>,
      %swap3A_117 = vector.shape_cast %swap3A_116 : vector<1x16xf32> to vector<16xf32>
      %swap3A_118 = vector.shape_cast %broadcast_in_dim3A_0 : vector<16xf32> to vector<1x16xf32>
      tpu.vector_store %arg9[%swap3A, %swap3A_115], %swap3A_118 {strides = array<i32>} : memref<128x32xf32, #tpu.memory_space<vmem>>, vector<1x16xf32>,
      %swap3A_119 = arith.index_cast %scan3A_114 : i32 to index
      %swap3A_120 = arith.constant 16 : index
      %swap3A_121 = tpu.vector_load %arg9[%swap3A_119, %swap3A_120] {strides = array<i32>} : memref<128x32xf32, #tpu.memory_space<vmem>>, vector<1x16xf32>,
      %swap3A_122 = vector.shape_cast %swap3A_121 : vector<1x16xf32> to vector<16xf32>
      %swap3A_123 = vector.shape_cast %broadcast_in_dim3A_0 : vector<16xf32> to vector<1x16xf32>
      tpu.vector_store %arg9[%swap3A_119, %swap3A_120], %swap3A_123 {strides = array<i32>} : memref<128x32xf32, #tpu.memory_space<vmem>>, vector<1x16xf32>,
    }
    %scan3A_30 = arith.constant 128 : i32
    %mul3A = arith.constant 640 : i32
    %mul3A_31 = arith.muli %arg1, %mul3A : i32
    %add3A = arith.constant 0 : i32
    %add3A_32 = arith.addi %mul3A_31, %add3A : i32
    "tpu.region"() ({
      %run_scoped3A = tpu.sem_alloc : memref<!tpu.dma_semaphore, #tpu.memory_space<semaphore_mem>>
      %dma_start3A_114 = arith.constant 0 : i32
      %dma_start3A_115 = tpu.memref_slice %arg11[%add3A_32, %dma_start3A_114] : memref<10240x32xf32, #tpu.memory_space<vmem_shared>> -> memref<128x32xf32, #tpu.memory_space<vmem_shared>>
      %dma_start3A_116 = arith.constant 0 : i32
      %dma_start3A_117 = tpu.memref_slice %arg11[%add3A_32, %dma_start3A_116] : memref<10240x32xf32, #tpu.memory_space<vmem_shared>> -> memref<128x32xf32, #tpu.memory_space<vmem_shared>>
      tpu.enqueue_dma source(%arg9 : memref<128x32xf32, #tpu.memory_space<vmem>>) target(%dma_start3A_117 : memref<128x32xf32, #tpu.memory_space<vmem_shared>>) target_semaphore(%run_scoped3A : memref<!tpu.dma_semaphore, #tpu.memory_space<semaphore_mem>>)
      %dma_wait3A = arith.constant 0 : i32
      %dma_wait3A_118 = tpu.memref_slice %arg11[%add3A_32, %dma_wait3A] : memref<10240x32xf32, #tpu.memory_space<vmem_shared>> -> memref<128x32xf32, #tpu.memory_space<vmem_shared>>
      %dma_wait3A_119 = arith.constant 0 : i32
      %dma_wait3A_120 = tpu.memref_slice %arg11[%add3A_32, %dma_wait3A_119] : memref<10240x32xf32, #tpu.memory_space<vmem_shared>> -> memref<128x32xf32, #tpu.memory_space<vmem_shared>>
      tpu.wait_dma2 semaphore(%run_scoped3A : memref<!tpu.dma_semaphore, #tpu.memory_space<semaphore_mem>>) src(%arg9 : memref<128x32xf32, #tpu.memory_space<vmem>>) dst(%dma_wait3A_120 : memref<128x32xf32, #tpu.memory_space<vmem_shared>>)
      tpu.yield
    }) : () -> ()
    %add3A_33 = arith.constant 128 : i32
    %add3A_34 = arith.addi %mul3A_31, %add3A_33 : i32
    "tpu.region"() ({
      %run_scoped3A = tpu.sem_alloc : memref<!tpu.dma_semaphore, #tpu.memory_space<semaphore_mem>>
      %dma_start3A_114 = arith.constant 0 : i32
      %dma_start3A_115 = tpu.memref_slice %arg11[%add3A_34, %dma_start3A_114] : memref<10240x32xf32, #tpu.memory_space<vmem_shared>> -> memref<128x32xf32, #tpu.memory_space<vmem_shared>>
      %dma_start3A_116 = arith.constant 0 : i32
      %dma_start3A_117 = tpu.memref_slice %arg11[%add3A_34, %dma_start3A_116] : memref<10240x32xf32, #tpu.memory_space<vmem_shared>> -> memref<128x32xf32, #tpu.memory_space<vmem_shared>>
      tpu.enqueue_dma source(%arg9 : memref<128x32xf32, #tpu.memory_space<vmem>>) target(%dma_start3A_117 : memref<128x32xf32, #tpu.memory_space<vmem_shared>>) target_semaphore(%run_scoped3A : memref<!tpu.dma_semaphore, #tpu.memory_space<semaphore_mem>>)
      %dma_wait3A = arith.constant 0 : i32
      %dma_wait3A_118 = tpu.memref_slice %arg11[%add3A_34, %dma_wait3A] : memref<10240x32xf32, #tpu.memory_space<vmem_shared>> -> memref<128x32xf32, #tpu.memory_space<vmem_shared>>
      %dma_wait3A_119 = arith.constant 0 : i32
      %dma_wait3A_120 = tpu.memref_slice %arg11[%add3A_34, %dma_wait3A_119] : memref<10240x32xf32, #tpu.memory_space<vmem_shared>> -> memref<128x32xf32, #tpu.memory_space<vmem_shared>>
      tpu.wait_dma2 semaphore(%run_scoped3A : memref<!tpu.dma_semaphore, #tpu.memory_space<semaphore_mem>>) src(%arg9 : memref<128x32xf32, #tpu.memory_space<vmem>>) dst(%dma_wait3A_120 : memref<128x32xf32, #tpu.memory_space<vmem_shared>>)
      tpu.yield
    }) : () -> ()
    %add3A_35 = arith.constant 256 : i32
    %add3A_36 = arith.addi %mul3A_31, %add3A_35 : i32
    "tpu.region"() ({
      %run_scoped3A = tpu.sem_alloc : memref<!tpu.dma_semaphore, #tpu.memory_space<semaphore_mem>>
      %dma_start3A_114 = arith.constant 0 : i32
      %dma_start3A_115 = tpu.memref_slice %arg11[%add3A_36, %dma_start3A_114] : memref<10240x32xf32, #tpu.memory_space<vmem_shared>> -> memref<128x32xf32, #tpu.memory_space<vmem_shared>>
      %dma_start3A_116 = arith.constant 0 : i32
      %dma_start3A_117 = tpu.memref_slice %arg11[%add3A_36, %dma_start3A_116] : memref<10240x32xf32, #tpu.memory_space<vmem_shared>> -> memref<128x32xf32, #tpu.memory_space<vmem_shared>>
      tpu.enqueue_dma source(%arg9 : memref<128x32xf32, #tpu.memory_space<vmem>>) target(%dma_start3A_117 : memref<128x32xf32, #tpu.memory_space<vmem_shared>>) target_semaphore(%run_scoped3A : memref<!tpu.dma_semaphore, #tpu.memory_space<semaphore_mem>>)
      %dma_wait3A = arith.constant 0 : i32
      %dma_wait3A_118 = tpu.memref_slice %arg11[%add3A_36, %dma_wait3A] : memref<10240x32xf32, #tpu.memory_space<vmem_shared>> -> memref<128x32xf32, #tpu.memory_space<vmem_shared>>
      %dma_wait3A_119 = arith.constant 0 : i32
      %dma_wait3A_120 = tpu.memref_slice %arg11[%add3A_36, %dma_wait3A_119] : memref<10240x32xf32, #tpu.memory_space<vmem_shared>> -> memref<128x32xf32, #tpu.memory_space<vmem_shared>>
      tpu.wait_dma2 semaphore(%run_scoped3A : memref<!tpu.dma_semaphore, #tpu.memory_space<semaphore_mem>>) src(%arg9 : memref<128x32xf32, #tpu.memory_space<vmem>>) dst(%dma_wait3A_120 : memref<128x32xf32, #tpu.memory_space<vmem_shared>>)
      tpu.yield
    }) : () -> ()
    %add3A_37 = arith.constant 384 : i32
    %add3A_38 = arith.addi %mul3A_31, %add3A_37 : i32
    "tpu.region"() ({
      %run_scoped3A = tpu.sem_alloc : memref<!tpu.dma_semaphore, #tpu.memory_space<semaphore_mem>>
      %dma_start3A_114 = arith.constant 0 : i32
      %dma_start3A_115 = tpu.memref_slice %arg11[%add3A_38, %dma_start3A_114] : memref<10240x32xf32, #tpu.memory_space<vmem_shared>> -> memref<128x32xf32, #tpu.memory_space<vmem_shared>>
      %dma_start3A_116 = arith.constant 0 : i32
      %dma_start3A_117 = tpu.memref_slice %arg11[%add3A_38, %dma_start3A_116] : memref<10240x32xf32, #tpu.memory_space<vmem_shared>> -> memref<128x32xf32, #tpu.memory_space<vmem_shared>>
      tpu.enqueue_dma source(%arg9 : memref<128x32xf32, #tpu.memory_space<vmem>>) target(%dma_start3A_117 : memref<128x32xf32, #tpu.memory_space<vmem_shared>>) target_semaphore(%run_scoped3A : memref<!tpu.dma_semaphore, #tpu.memory_space<semaphore_mem>>)
      %dma_wait3A = arith.constant 0 : i32
      %dma_wait3A_118 = tpu.memref_slice %arg11[%add3A_38, %dma_wait3A] : memref<10240x32xf32, #tpu.memory_space<vmem_shared>> -> memref<128x32xf32, #tpu.memory_space<vmem_shared>>
      %dma_wait3A_119 = arith.constant 0 : i32
      %dma_wait3A_120 = tpu.memref_slice %arg11[%add3A_38, %dma_wait3A_119] : memref<10240x32xf32, #tpu.memory_space<vmem_shared>> -> memref<128x32xf32, #tpu.memory_space<vmem_shared>>
      tpu.wait_dma2 semaphore(%run_scoped3A : memref<!tpu.dma_semaphore, #tpu.memory_space<semaphore_mem>>) src(%arg9 : memref<128x32xf32, #tpu.memory_space<vmem>>) dst(%dma_wait3A_120 : memref<128x32xf32, #tpu.memory_space<vmem_shared>>)
      tpu.yield
    }) : () -> ()
    %add3A_39 = arith.constant 512 : i32
    %add3A_40 = arith.addi %mul3A_31, %add3A_39 : i32
    "tpu.region"() ({
      %run_scoped3A = tpu.sem_alloc : memref<!tpu.dma_semaphore, #tpu.memory_space<semaphore_mem>>
      %dma_start3A_114 = arith.constant 0 : i32
      %dma_start3A_115 = tpu.memref_slice %arg11[%add3A_40, %dma_start3A_114] : memref<10240x32xf32, #tpu.memory_space<vmem_shared>> -> memref<128x32xf32, #tpu.memory_space<vmem_shared>>
      %dma_start3A_116 = arith.constant 0 : i32
      %dma_start3A_117 = tpu.memref_slice %arg11[%add3A_40, %dma_start3A_116] : memref<10240x32xf32, #tpu.memory_space<vmem_shared>> -> memref<128x32xf32, #tpu.memory_space<vmem_shared>>
      tpu.enqueue_dma source(%arg9 : memref<128x32xf32, #tpu.memory_space<vmem>>) target(%dma_start3A_117 : memref<128x32xf32, #tpu.memory_space<vmem_shared>>) target_semaphore(%run_scoped3A : memref<!tpu.dma_semaphore, #tpu.memory_space<semaphore_mem>>)
      %dma_wait3A = arith.constant 0 : i32
      %dma_wait3A_118 = tpu.memref_slice %arg11[%add3A_40, %dma_wait3A] : memref<10240x32xf32, #tpu.memory_space<vmem_shared>> -> memref<128x32xf32, #tpu.memory_space<vmem_shared>>
      %dma_wait3A_119 = arith.constant 0 : i32
      %dma_wait3A_120 = tpu.memref_slice %arg11[%add3A_40, %dma_wait3A_119] : memref<10240x32xf32, #tpu.memory_space<vmem_shared>> -> memref<128x32xf32, #tpu.memory_space<vmem_shared>>
      tpu.wait_dma2 semaphore(%run_scoped3A : memref<!tpu.dma_semaphore, #tpu.memory_space<semaphore_mem>>) src(%arg9 : memref<128x32xf32, #tpu.memory_space<vmem>>) dst(%dma_wait3A_120 : memref<128x32xf32, #tpu.memory_space<vmem_shared>>)
      tpu.yield
    }) : () -> ()
    %barrier3A = arith.constant 0 : index
    tpu.barrier barrier_id(%barrier3A)
    %dma_start3A = arith.constant 0 : i32
    %dma_start3A_41 = arith.constant 0 : i32
    %dma_start3A_42 = tpu.memref_slice %arg5[%dma_start3A, %dma_start3A_41] : memref<82x128xi32, #tpu.memory_space<vmem>> -> memref<1x128xi32, #tpu.memory_space<vmem>>
    %dma_start3A_43 = tpu.memref_squeeze %dma_start3A_42 : memref<1x128xi32, #tpu.memory_space<vmem>> -> memref<128xi32, #tpu.memory_space<vmem>>
    %dma_start3A_44 = arith.constant 0 : i32
    %dma_start3A_45 = arith.constant 0 : i32
    %dma_start3A_46 = tpu.memref_slice %arg2[%dma_start3A_44, %dma_start3A_45] : memref<10000x16xi32, #tpu.memory_space<hbm>> -> memref<10000x16xi32, #tpu.memory_space<hbm>>
    tpu.enqueue_indirect_dma source(%dma_start3A_46 : memref<10000x16xi32, #tpu.memory_space<hbm>>) target(%arg7 : memref<128x16xi32, #tpu.memory_space<vmem>>) offsets(%dma_start3A_43 : memref<128xi32, #tpu.memory_space<vmem>>) semaphore(%arg12 : memref<!tpu.dma_semaphore, #tpu.memory_space<semaphore_mem>>)
    %dma_start3A_47 = arith.constant 1 : i32
    %dma_start3A_48 = arith.constant 0 : i32
    %dma_start3A_49 = tpu.memref_slice %arg5[%dma_start3A_47, %dma_start3A_48] : memref<82x128xi32, #tpu.memory_space<vmem>> -> memref<1x128xi32, #tpu.memory_space<vmem>>
    %dma_start3A_50 = tpu.memref_squeeze %dma_start3A_49 : memref<1x128xi32, #tpu.memory_space<vmem>> -> memref<128xi32, #tpu.memory_space<vmem>>
    %dma_start3A_51 = arith.constant 0 : i32
    %dma_start3A_52 = arith.constant 0 : i32
    %dma_start3A_53 = tpu.memref_slice %arg2[%dma_start3A_51, %dma_start3A_52] : memref<10000x16xi32, #tpu.memory_space<hbm>> -> memref<10000x16xi32, #tpu.memory_space<hbm>>
    tpu.enqueue_indirect_dma source(%dma_start3A_53 : memref<10000x16xi32, #tpu.memory_space<hbm>>) target(%arg8 : memref<128x16xi32, #tpu.memory_space<vmem>>) offsets(%dma_start3A_50 : memref<128xi32, #tpu.memory_space<vmem>>) semaphore(%arg13 : memref<!tpu.dma_semaphore, #tpu.memory_space<semaphore_mem>>)
    %jit3A_54 = arith.constant 2 : i32
    %div3A = arith.divsi %select_n3A_7, %jit3A_54 : i32
    %sign3A = arith.constant 0 : i32
    %sign3A_55 = arith.cmpi sgt, %select_n3A_7, %sign3A : i32
    %sign3A_56 = arith.extui %sign3A_55 : i1 to i32
    %sign3A_57 = arith.constant 0 : i32
    %sign3A_58 = arith.cmpi slt, %select_n3A_7, %sign3A_57 : i32
    %sign3A_59 = arith.extui %sign3A_58 : i1 to i32
    %sign3A_60 = arith.subi %sign3A_56, %sign3A_59 : i32
    %sign3A_61 = arith.constant 0 : i32
    %sign3A_62 = arith.cmpi sgt, %jit3A_54, %sign3A_61 : i32
    %sign3A_63 = arith.extui %sign3A_62 : i1 to i32
    %sign3A_64 = arith.constant 0 : i32
    %sign3A_65 = arith.cmpi slt, %jit3A_54, %sign3A_64 : i32
    %sign3A_66 = arith.extui %sign3A_65 : i1 to i32
    %sign3A_67 = arith.subi %sign3A_63, %sign3A_66 : i32
    %ne3A = arith.cmpi ne, %sign3A_60, %sign3A_67 : i32
    %rem3A = arith.remsi %select_n3A_7, %jit3A_54 : i32
    %ne3A_68 = arith.constant 0 : i32
    %ne3A_69 = arith.cmpi ne, %rem3A, %ne3A_68 : i32
    %and3A_70 = arith.andi %ne3A, %ne3A_69 : i1
    %sub3A = arith.constant 1 : i32
    %sub3A_71 = arith.subi %div3A, %sub3A : i32
    %select_n3A_72 = arith.select %and3A_70, %sub3A_71, %div3A : i32
    %while3A = arith.constant 0 : i32
    %while3A_73 = arith.constant 0 : i32
    %while3A_74 = arith.subi %select_n3A_72, %while3A_73 : i32
    %while3A_75 = arith.addi %while3A_73, %while3A_74 : i32
    %while3A_76 = arith.constant 1 : i32
    %while3A_77 = arith.divsi %while3A_74, %while3A_76 : i32
    %while3A_78 = arith.muli %while3A_77, %while3A_76 : i32
    %while3A_79 = arith.addi %while3A_73, %while3A_78 : i32
    %while3A_80 = arith.constant 1 : i32
    scf.for %while3A_114 = %while3A_73 to %while3A_79 step %while3A_80  : i32 {
      %mul3A_115 = arith.constant 2 : i32
      %mul3A_116 = arith.muli %mul3A_115, %while3A_114 : i32
      %dma_wait3A = arith.constant 0 : i32
      %dma_wait3A_117 = tpu.memref_slice %arg5[%mul3A_116, %dma_wait3A] : memref<82x128xi32, #tpu.memory_space<vmem>> -> memref<1x128xi32, #tpu.memory_space<vmem>>
      %dma_wait3A_118 = tpu.memref_squeeze %dma_wait3A_117 : memref<1x128xi32, #tpu.memory_space<vmem>> -> memref<128xi32, #tpu.memory_space<vmem>>
      %dma_wait3A_119 = arith.constant 0 : i32
      %dma_wait3A_120 = arith.constant 0 : i32
      %dma_wait3A_121 = tpu.memref_slice %arg2[%dma_wait3A_119, %dma_wait3A_120] : memref<10000x16xi32, #tpu.memory_space<hbm>> -> memref<10000x16xi32, #tpu.memory_space<hbm>>
      tpu.wait_indirect_dma semaphore(%arg12 : memref<!tpu.dma_semaphore, #tpu.memory_space<semaphore_mem>>) src(%dma_wait3A_121 : memref<10000x16xi32, #tpu.memory_space<hbm>>) dst(%arg7 : memref<128x16xi32, #tpu.memory_space<vmem>>)
      %parallel_loop3A = arith.constant 0 : i32
      %parallel_loop3A_122 = arith.constant 128 : i32
      %parallel_loop3A_123 = arith.constant 1 : i32
      scf.for %parallel_loop3A_173 = %parallel_loop3A to %parallel_loop3A_122 step %parallel_loop3A_123  : i32 {
        %parallel_loop3A_174 = arith.index_cast %parallel_loop3A_173 : i32 to index
        %parallel_loop3A_175 = arith.constant 0 : index
        %parallel_loop3A_176 = tpu.vector_load %arg7[%parallel_loop3A_174, %parallel_loop3A_175] {strides = array<i32>} : memref<128x16xi32, #tpu.memory_space<vmem>>, vector<1x16xi32>,
        %parallel_loop3A_177 = vector.shape_cast %parallel_loop3A_176 : vector<1x16xi32> to vector<16xi32>
        %parallel_loop3A_178 = arith.constant 16 : i32
        %parallel_loop3A_179 = vector.broadcast %parallel_loop3A_178 : i32 to vector<16xi32>
        %parallel_loop3A_180 = arith.shli %parallel_loop3A_177, %parallel_loop3A_179 : vector<16xi32>
        %parallel_loop3A_181 = tpu.bitcast %parallel_loop3A_180 : vector<16xi32> -> vector<16xf32>
        %parallel_loop3A_182 = arith.constant -65536 : i32
        %parallel_loop3A_183 = vector.broadcast %parallel_loop3A_182 : i32 to vector<16xi32>
        %parallel_loop3A_184 = arith.andi %parallel_loop3A_177, %parallel_loop3A_183 : vector<16xi32>
        %parallel_loop3A_185 = tpu.bitcast %parallel_loop3A_184 : vector<16xi32> -> vector<16xf32>
        %parallel_loop3A_186 = arith.index_cast %parallel_loop3A_173 : i32 to index
        %parallel_loop3A_187 = arith.constant 0 : index
        %parallel_loop3A_188 = tpu.vector_load %arg9[%parallel_loop3A_186, %parallel_loop3A_187] {strides = array<i32>} : memref<128x32xf32, #tpu.memory_space<vmem>>, vector<1x16xf32>,
        %parallel_loop3A_189 = vector.shape_cast %parallel_loop3A_188 : vector<1x16xf32> to vector<16xf32>
        %parallel_loop3A_190 = vector.shape_cast %parallel_loop3A_181 : vector<16xf32> to vector<1x16xf32>
        tpu.vector_store %arg9[%parallel_loop3A_186, %parallel_loop3A_187], %parallel_loop3A_190 {strides = array<i32>} : memref<128x32xf32, #tpu.memory_space<vmem>>, vector<1x16xf32>,
        %parallel_loop3A_191 = arith.index_cast %parallel_loop3A_173 : i32 to index
        %parallel_loop3A_192 = arith.constant 16 : index
        %parallel_loop3A_193 = tpu.vector_load %arg9[%parallel_loop3A_191, %parallel_loop3A_192] {strides = array<i32>} : memref<128x32xf32, #tpu.memory_space<vmem>>, vector<1x16xf32>,
        %parallel_loop3A_194 = vector.shape_cast %parallel_loop3A_193 : vector<1x16xf32> to vector<16xf32>
        %parallel_loop3A_195 = vector.shape_cast %parallel_loop3A_185 : vector<16xf32> to vector<1x16xf32>
        tpu.vector_store %arg9[%parallel_loop3A_191, %parallel_loop3A_192], %parallel_loop3A_195 {strides = array<i32>} : memref<128x32xf32, #tpu.memory_space<vmem>>, vector<1x16xf32>,
      } {sc.loop_unroll_factor = 4 : i64, sc.parallel_access}
      %add3A_124 = arith.constant 2 : i32
      %add3A_125 = arith.addi %mul3A_116, %add3A_124 : i32
      %lt3A_126 = arith.cmpi slt, %add3A_125, %select_n3A_7 : i32
      %convert_element_type3A_127 = arith.extui %lt3A_126 : i1 to i32
      %cond3A_128 = arith.constant 0 : i32
      %cond3A_129 = arith.cmpi ne, %convert_element_type3A_127, %cond3A_128 : i32
      scf.if %cond3A_129 {
        %add3A_173 = arith.constant 2 : i32
        %add3A_174 = arith.addi %mul3A_116, %add3A_173 : i32
        %dma_start3A_175 = arith.constant 0 : i32
        %dma_start3A_176 = tpu.memref_slice %arg5[%add3A_174, %dma_start3A_175] : memref<82x128xi32, #tpu.memory_space<vmem>> -> memref<1x128xi32, #tpu.memory_space<vmem>>
        %dma_start3A_177 = tpu.memref_squeeze %dma_start3A_176 : memref<1x128xi32, #tpu.memory_space<vmem>> -> memref<128xi32, #tpu.memory_space<vmem>>
        %dma_start3A_178 = arith.constant 0 : i32
        %dma_start3A_179 = arith.constant 0 : i32
        %dma_start3A_180 = tpu.memref_slice %arg2[%dma_start3A_178, %dma_start3A_179] : memref<10000x16xi32, #tpu.memory_space<hbm>> -> memref<10000x16xi32, #tpu.memory_space<hbm>>
        tpu.enqueue_indirect_dma source(%dma_start3A_180 : memref<10000x16xi32, #tpu.memory_space<hbm>>) target(%arg7 : memref<128x16xi32, #tpu.memory_space<vmem>>) offsets(%dma_start3A_177 : memref<128xi32, #tpu.memory_space<vmem>>) semaphore(%arg12 : memref<!tpu.dma_semaphore, #tpu.memory_space<semaphore_mem>>)
      } else {
      }
      %dma_start3A_130 = arith.constant 0 : i32
      %dma_start3A_131 = tpu.memref_slice %arg6[%mul3A_116, %dma_start3A_130] : memref<82x128xi32, #tpu.memory_space<vmem>> -> memref<1x128xi32, #tpu.memory_space<vmem>>
      %dma_start3A_132 = tpu.memref_squeeze %dma_start3A_131 : memref<1x128xi32, #tpu.memory_space<vmem>> -> memref<128xi32, #tpu.memory_space<vmem>>
      %dma_start3A_133 = arith.constant 0 : i32
      %dma_start3A_134 = arith.constant 0 : i32
      %dma_start3A_135 = tpu.memref_slice %arg11[%dma_start3A_133, %dma_start3A_134] : memref<10240x32xf32, #tpu.memory_space<vmem_shared>> -> memref<10240x32xf32, #tpu.memory_space<vmem_shared>>
      tpu.enqueue_indirect_dma source(%arg9 : memref<128x32xf32, #tpu.memory_space<vmem>>) target(%dma_start3A_135 : memref<10240x32xf32, #tpu.memory_space<vmem_shared>>) offsets(%dma_start3A_132 : memref<128xi32, #tpu.memory_space<vmem>>) semaphore(%arg14 : memref<!tpu.dma_semaphore, #tpu.memory_space<semaphore_mem>>) {add = true}
      %dma_wait3A_136 = arith.constant 0 : i32
      %dma_wait3A_137 = tpu.memref_slice %arg6[%mul3A_116, %dma_wait3A_136] : memref<82x128xi32, #tpu.memory_space<vmem>> -> memref<1x128xi32, #tpu.memory_space<vmem>>
      %dma_wait3A_138 = tpu.memref_squeeze %dma_wait3A_137 : memref<1x128xi32, #tpu.memory_space<vmem>> -> memref<128xi32, #tpu.memory_space<vmem>>
      %dma_wait3A_139 = arith.constant 0 : i32
      %dma_wait3A_140 = arith.constant 0 : i32
      %dma_wait3A_141 = tpu.memref_slice %arg11[%dma_wait3A_139, %dma_wait3A_140] : memref<10240x32xf32, #tpu.memory_space<vmem_shared>> -> memref<10240x32xf32, #tpu.memory_space<vmem_shared>>
      tpu.wait_indirect_dma semaphore(%arg14 : memref<!tpu.dma_semaphore, #tpu.memory_space<semaphore_mem>>) src(%arg9 : memref<128x32xf32, #tpu.memory_space<vmem>>) dst(%dma_wait3A_141 : memref<10240x32xf32, #tpu.memory_space<vmem_shared>>)
      %mul3A_142 = arith.constant 2 : i32
      %mul3A_143 = arith.muli %mul3A_142, %while3A_114 : i32
      %add3A_144 = arith.constant 1 : i32
      %add3A_145 = arith.addi %mul3A_143, %add3A_144 : i32
      %dma_wait3A_146 = arith.constant 0 : i32
      %dma_wait3A_147 = tpu.memref_slice %arg5[%add3A_145, %dma_wait3A_146] : memref<82x128xi32, #tpu.memory_space<vmem>> -> memref<1x128xi32, #tpu.memory_space<vmem>>
      %dma_wait3A_148 = tpu.memref_squeeze %dma_wait3A_147 : memref<1x128xi32, #tpu.memory_space<vmem>> -> memref<128xi32, #tpu.memory_space<vmem>>
      %dma_wait3A_149 = arith.constant 0 : i32
      %dma_wait3A_150 = arith.constant 0 : i32
      %dma_wait3A_151 = tpu.memref_slice %arg2[%dma_wait3A_149, %dma_wait3A_150] : memref<10000x16xi32, #tpu.memory_space<hbm>> -> memref<10000x16xi32, #tpu.memory_space<hbm>>
      tpu.wait_indirect_dma semaphore(%arg13 : memref<!tpu.dma_semaphore, #tpu.memory_space<semaphore_mem>>) src(%dma_wait3A_151 : memref<10000x16xi32, #tpu.memory_space<hbm>>) dst(%arg8 : memref<128x16xi32, #tpu.memory_space<vmem>>)
      %parallel_loop3A_152 = arith.constant 0 : i32
      %parallel_loop3A_153 = arith.constant 128 : i32
      %parallel_loop3A_154 = arith.constant 1 : i32
      scf.for %parallel_loop3A_173 = %parallel_loop3A_152 to %parallel_loop3A_153 step %parallel_loop3A_154  : i32 {
        %parallel_loop3A_174 = arith.index_cast %parallel_loop3A_173 : i32 to index
        %parallel_loop3A_175 = arith.constant 0 : index
        %parallel_loop3A_176 = tpu.vector_load %arg8[%parallel_loop3A_174, %parallel_loop3A_175] {strides = array<i32>} : memref<128x16xi32, #tpu.memory_space<vmem>>, vector<1x16xi32>,
        %parallel_loop3A_177 = vector.shape_cast %parallel_loop3A_176 : vector<1x16xi32> to vector<16xi32>
        %parallel_loop3A_178 = arith.constant 16 : i32
        %parallel_loop3A_179 = vector.broadcast %parallel_loop3A_178 : i32 to vector<16xi32>
        %parallel_loop3A_180 = arith.shli %parallel_loop3A_177, %parallel_loop3A_179 : vector<16xi32>
        %parallel_loop3A_181 = tpu.bitcast %parallel_loop3A_180 : vector<16xi32> -> vector<16xf32>
        %parallel_loop3A_182 = arith.constant -65536 : i32
        %parallel_loop3A_183 = vector.broadcast %parallel_loop3A_182 : i32 to vector<16xi32>
        %parallel_loop3A_184 = arith.andi %parallel_loop3A_177, %parallel_loop3A_183 : vector<16xi32>
        %parallel_loop3A_185 = tpu.bitcast %parallel_loop3A_184 : vector<16xi32> -> vector<16xf32>
        %parallel_loop3A_186 = arith.index_cast %parallel_loop3A_173 : i32 to index
        %parallel_loop3A_187 = arith.constant 0 : index
        %parallel_loop3A_188 = tpu.vector_load %arg10[%parallel_loop3A_186, %parallel_loop3A_187] {strides = array<i32>} : memref<128x32xf32, #tpu.memory_space<vmem>>, vector<1x16xf32>,
        %parallel_loop3A_189 = vector.shape_cast %parallel_loop3A_188 : vector<1x16xf32> to vector<16xf32>
        %parallel_loop3A_190 = vector.shape_cast %parallel_loop3A_181 : vector<16xf32> to vector<1x16xf32>
        tpu.vector_store %arg10[%parallel_loop3A_186, %parallel_loop3A_187], %parallel_loop3A_190 {strides = array<i32>} : memref<128x32xf32, #tpu.memory_space<vmem>>, vector<1x16xf32>,
        %parallel_loop3A_191 = arith.index_cast %parallel_loop3A_173 : i32 to index
        %parallel_loop3A_192 = arith.constant 16 : index
        %parallel_loop3A_193 = tpu.vector_load %arg10[%parallel_loop3A_191, %parallel_loop3A_192] {strides = array<i32>} : memref<128x32xf32, #tpu.memory_space<vmem>>, vector<1x16xf32>,
        %parallel_loop3A_194 = vector.shape_cast %parallel_loop3A_193 : vector<1x16xf32> to vector<16xf32>
        %parallel_loop3A_195 = vector.shape_cast %parallel_loop3A_185 : vector<16xf32> to vector<1x16xf32>
        tpu.vector_store %arg10[%parallel_loop3A_191, %parallel_loop3A_192], %parallel_loop3A_195 {strides = array<i32>} : memref<128x32xf32, #tpu.memory_space<vmem>>, vector<1x16xf32>,
      } {sc.loop_unroll_factor = 4 : i64, sc.parallel_access}
      %add3A_155 = arith.constant 2 : i32
      %add3A_156 = arith.addi %add3A_145, %add3A_155 : i32
      %lt3A_157 = arith.cmpi slt, %add3A_156, %select_n3A_7 : i32
      %convert_element_type3A_158 = arith.extui %lt3A_157 : i1 to i32
      %cond3A_159 = arith.constant 0 : i32
      %cond3A_160 = arith.cmpi ne, %convert_element_type3A_158, %cond3A_159 : i32
      scf.if %cond3A_160 {
        %add3A_173 = arith.constant 2 : i32
        %add3A_174 = arith.addi %add3A_145, %add3A_173 : i32
        %dma_start3A_175 = arith.constant 0 : i32
        %dma_start3A_176 = tpu.memref_slice %arg5[%add3A_174, %dma_start3A_175] : memref<82x128xi32, #tpu.memory_space<vmem>> -> memref<1x128xi32, #tpu.memory_space<vmem>>
        %dma_start3A_177 = tpu.memref_squeeze %dma_start3A_176 : memref<1x128xi32, #tpu.memory_space<vmem>> -> memref<128xi32, #tpu.memory_space<vmem>>
        %dma_start3A_178 = arith.constant 0 : i32
        %dma_start3A_179 = arith.constant 0 : i32
        %dma_start3A_180 = tpu.memref_slice %arg2[%dma_start3A_178, %dma_start3A_179] : memref<10000x16xi32, #tpu.memory_space<hbm>> -> memref<10000x16xi32, #tpu.memory_space<hbm>>
        tpu.enqueue_indirect_dma source(%dma_start3A_180 : memref<10000x16xi32, #tpu.memory_space<hbm>>) target(%arg8 : memref<128x16xi32, #tpu.memory_space<vmem>>) offsets(%dma_start3A_177 : memref<128xi32, #tpu.memory_space<vmem>>) semaphore(%arg13 : memref<!tpu.dma_semaphore, #tpu.memory_space<semaphore_mem>>)
      } else {
      }
      %dma_start3A_161 = arith.constant 0 : i32
      %dma_start3A_162 = tpu.memref_slice %arg6[%add3A_145, %dma_start3A_161] : memref<82x128xi32, #tpu.memory_space<vmem>> -> memref<1x128xi32, #tpu.memory_space<vmem>>
      %dma_start3A_163 = tpu.memref_squeeze %dma_start3A_162 : memref<1x128xi32, #tpu.memory_space<vmem>> -> memref<128xi32, #tpu.memory_space<vmem>>
      %dma_start3A_164 = arith.constant 0 : i32
      %dma_start3A_165 = arith.constant 0 : i32
      %dma_start3A_166 = tpu.memref_slice %arg11[%dma_start3A_164, %dma_start3A_165] : memref<10240x32xf32, #tpu.memory_space<vmem_shared>> -> memref<10240x32xf32, #tpu.memory_space<vmem_shared>>
      tpu.enqueue_indirect_dma source(%arg10 : memref<128x32xf32, #tpu.memory_space<vmem>>) target(%dma_start3A_166 : memref<10240x32xf32, #tpu.memory_space<vmem_shared>>) offsets(%dma_start3A_163 : memref<128xi32, #tpu.memory_space<vmem>>) semaphore(%arg15 : memref<!tpu.dma_semaphore, #tpu.memory_space<semaphore_mem>>) {add = true}
      %dma_wait3A_167 = arith.constant 0 : i32
      %dma_wait3A_168 = tpu.memref_slice %arg6[%add3A_145, %dma_wait3A_167] : memref<82x128xi32, #tpu.memory_space<vmem>> -> memref<1x128xi32, #tpu.memory_space<vmem>>
      %dma_wait3A_169 = tpu.memref_squeeze %dma_wait3A_168 : memref<1x128xi32, #tpu.memory_space<vmem>> -> memref<128xi32, #tpu.memory_space<vmem>>
      %dma_wait3A_170 = arith.constant 0 : i32
      %dma_wait3A_171 = arith.constant 0 : i32
      %dma_wait3A_172 = tpu.memref_slice %arg11[%dma_wait3A_170, %dma_wait3A_171] : memref<10240x32xf32, #tpu.memory_space<vmem_shared>> -> memref<10240x32xf32, #tpu.memory_space<vmem_shared>>
      tpu.wait_indirect_dma semaphore(%arg15 : memref<!tpu.dma_semaphore, #tpu.memory_space<semaphore_mem>>) src(%arg10 : memref<128x32xf32, #tpu.memory_space<vmem>>) dst(%dma_wait3A_172 : memref<10240x32xf32, #tpu.memory_space<vmem_shared>>)
    }
    %while3A_81 = arith.constant 1 : i32
    scf.for %while3A_114 = %while3A_79 to %while3A_75 step %while3A_81  : i32 {
      %mul3A_115 = arith.constant 2 : i32
      %mul3A_116 = arith.muli %mul3A_115, %while3A_114 : i32
      %dma_wait3A = arith.constant 0 : i32
      %dma_wait3A_117 = tpu.memref_slice %arg5[%mul3A_116, %dma_wait3A] : memref<82x128xi32, #tpu.memory_space<vmem>> -> memref<1x128xi32, #tpu.memory_space<vmem>>
      %dma_wait3A_118 = tpu.memref_squeeze %dma_wait3A_117 : memref<1x128xi32, #tpu.memory_space<vmem>> -> memref<128xi32, #tpu.memory_space<vmem>>
      %dma_wait3A_119 = arith.constant 0 : i32
      %dma_wait3A_120 = arith.constant 0 : i32
      %dma_wait3A_121 = tpu.memref_slice %arg2[%dma_wait3A_119, %dma_wait3A_120] : memref<10000x16xi32, #tpu.memory_space<hbm>> -> memref<10000x16xi32, #tpu.memory_space<hbm>>
      tpu.wait_indirect_dma semaphore(%arg12 : memref<!tpu.dma_semaphore, #tpu.memory_space<semaphore_mem>>) src(%dma_wait3A_121 : memref<10000x16xi32, #tpu.memory_space<hbm>>) dst(%arg7 : memref<128x16xi32, #tpu.memory_space<vmem>>)
      %parallel_loop3A = arith.constant 0 : i32
      %parallel_loop3A_122 = arith.constant 128 : i32
      %parallel_loop3A_123 = arith.constant 1 : i32
      scf.for %parallel_loop3A_173 = %parallel_loop3A to %parallel_loop3A_122 step %parallel_loop3A_123  : i32 {
        %parallel_loop3A_174 = arith.index_cast %parallel_loop3A_173 : i32 to index
        %parallel_loop3A_175 = arith.constant 0 : index
        %parallel_loop3A_176 = tpu.vector_load %arg7[%parallel_loop3A_174, %parallel_loop3A_175] {strides = array<i32>} : memref<128x16xi32, #tpu.memory_space<vmem>>, vector<1x16xi32>,
        %parallel_loop3A_177 = vector.shape_cast %parallel_loop3A_176 : vector<1x16xi32> to vector<16xi32>
        %parallel_loop3A_178 = arith.constant 16 : i32
        %parallel_loop3A_179 = vector.broadcast %parallel_loop3A_178 : i32 to vector<16xi32>
        %parallel_loop3A_180 = arith.shli %parallel_loop3A_177, %parallel_loop3A_179 : vector<16xi32>
        %parallel_loop3A_181 = tpu.bitcast %parallel_loop3A_180 : vector<16xi32> -> vector<16xf32>
        %parallel_loop3A_182 = arith.constant -65536 : i32
        %parallel_loop3A_183 = vector.broadcast %parallel_loop3A_182 : i32 to vector<16xi32>
        %parallel_loop3A_184 = arith.andi %parallel_loop3A_177, %parallel_loop3A_183 : vector<16xi32>
        %parallel_loop3A_185 = tpu.bitcast %parallel_loop3A_184 : vector<16xi32> -> vector<16xf32>
        %parallel_loop3A_186 = arith.index_cast %parallel_loop3A_173 : i32 to index
        %parallel_loop3A_187 = arith.constant 0 : index
        %parallel_loop3A_188 = tpu.vector_load %arg9[%parallel_loop3A_186, %parallel_loop3A_187] {strides = array<i32>} : memref<128x32xf32, #tpu.memory_space<vmem>>, vector<1x16xf32>,
        %parallel_loop3A_189 = vector.shape_cast %parallel_loop3A_188 : vector<1x16xf32> to vector<16xf32>
        %parallel_loop3A_190 = vector.shape_cast %parallel_loop3A_181 : vector<16xf32> to vector<1x16xf32>
        tpu.vector_store %arg9[%parallel_loop3A_186, %parallel_loop3A_187], %parallel_loop3A_190 {strides = array<i32>} : memref<128x32xf32, #tpu.memory_space<vmem>>, vector<1x16xf32>,
        %parallel_loop3A_191 = arith.index_cast %parallel_loop3A_173 : i32 to index
        %parallel_loop3A_192 = arith.constant 16 : index
        %parallel_loop3A_193 = tpu.vector_load %arg9[%parallel_loop3A_191, %parallel_loop3A_192] {strides = array<i32>} : memref<128x32xf32, #tpu.memory_space<vmem>>, vector<1x16xf32>,
        %parallel_loop3A_194 = vector.shape_cast %parallel_loop3A_193 : vector<1x16xf32> to vector<16xf32>
        %parallel_loop3A_195 = vector.shape_cast %parallel_loop3A_185 : vector<16xf32> to vector<1x16xf32>
        tpu.vector_store %arg9[%parallel_loop3A_191, %parallel_loop3A_192], %parallel_loop3A_195 {strides = array<i32>} : memref<128x32xf32, #tpu.memory_space<vmem>>, vector<1x16xf32>,
      } {sc.loop_unroll_factor = 4 : i64, sc.parallel_access}
      %add3A_124 = arith.constant 2 : i32
      %add3A_125 = arith.addi %mul3A_116, %add3A_124 : i32
      %lt3A_126 = arith.cmpi slt, %add3A_125, %select_n3A_7 : i32
      %convert_element_type3A_127 = arith.extui %lt3A_126 : i1 to i32
      %cond3A_128 = arith.constant 0 : i32
      %cond3A_129 = arith.cmpi ne, %convert_element_type3A_127, %cond3A_128 : i32
      scf.if %cond3A_129 {
        %add3A_173 = arith.constant 2 : i32
        %add3A_174 = arith.addi %mul3A_116, %add3A_173 : i32
        %dma_start3A_175 = arith.constant 0 : i32
        %dma_start3A_176 = tpu.memref_slice %arg5[%add3A_174, %dma_start3A_175] : memref<82x128xi32, #tpu.memory_space<vmem>> -> memref<1x128xi32, #tpu.memory_space<vmem>>
        %dma_start3A_177 = tpu.memref_squeeze %dma_start3A_176 : memref<1x128xi32, #tpu.memory_space<vmem>> -> memref<128xi32, #tpu.memory_space<vmem>>
        %dma_start3A_178 = arith.constant 0 : i32
        %dma_start3A_179 = arith.constant 0 : i32
        %dma_start3A_180 = tpu.memref_slice %arg2[%dma_start3A_178, %dma_start3A_179] : memref<10000x16xi32, #tpu.memory_space<hbm>> -> memref<10000x16xi32, #tpu.memory_space<hbm>>
        tpu.enqueue_indirect_dma source(%dma_start3A_180 : memref<10000x16xi32, #tpu.memory_space<hbm>>) target(%arg7 : memref<128x16xi32, #tpu.memory_space<vmem>>) offsets(%dma_start3A_177 : memref<128xi32, #tpu.memory_space<vmem>>) semaphore(%arg12 : memref<!tpu.dma_semaphore, #tpu.memory_space<semaphore_mem>>)
      } else {
      }
      %dma_start3A_130 = arith.constant 0 : i32
      %dma_start3A_131 = tpu.memref_slice %arg6[%mul3A_116, %dma_start3A_130] : memref<82x128xi32, #tpu.memory_space<vmem>> -> memref<1x128xi32, #tpu.memory_space<vmem>>
      %dma_start3A_132 = tpu.memref_squeeze %dma_start3A_131 : memref<1x128xi32, #tpu.memory_space<vmem>> -> memref<128xi32, #tpu.memory_space<vmem>>
      %dma_start3A_133 = arith.constant 0 : i32
      %dma_start3A_134 = arith.constant 0 : i32
      %dma_start3A_135 = tpu.memref_slice %arg11[%dma_start3A_133, %dma_start3A_134] : memref<10240x32xf32, #tpu.memory_space<vmem_shared>> -> memref<10240x32xf32, #tpu.memory_space<vmem_shared>>
      tpu.enqueue_indirect_dma source(%arg9 : memref<128x32xf32, #tpu.memory_space<vmem>>) target(%dma_start3A_135 : memref<10240x32xf32, #tpu.memory_space<vmem_shared>>) offsets(%dma_start3A_132 : memref<128xi32, #tpu.memory_space<vmem>>) semaphore(%arg14 : memref<!tpu.dma_semaphore, #tpu.memory_space<semaphore_mem>>) {add = true}
      %dma_wait3A_136 = arith.constant 0 : i32
      %dma_wait3A_137 = tpu.memref_slice %arg6[%mul3A_116, %dma_wait3A_136] : memref<82x128xi32, #tpu.memory_space<vmem>> -> memref<1x128xi32, #tpu.memory_space<vmem>>
      %dma_wait3A_138 = tpu.memref_squeeze %dma_wait3A_137 : memref<1x128xi32, #tpu.memory_space<vmem>> -> memref<128xi32, #tpu.memory_space<vmem>>
      %dma_wait3A_139 = arith.constant 0 : i32
      %dma_wait3A_140 = arith.constant 0 : i32
      %dma_wait3A_141 = tpu.memref_slice %arg11[%dma_wait3A_139, %dma_wait3A_140] : memref<10240x32xf32, #tpu.memory_space<vmem_shared>> -> memref<10240x32xf32, #tpu.memory_space<vmem_shared>>
      tpu.wait_indirect_dma semaphore(%arg14 : memref<!tpu.dma_semaphore, #tpu.memory_space<semaphore_mem>>) src(%arg9 : memref<128x32xf32, #tpu.memory_space<vmem>>) dst(%dma_wait3A_141 : memref<10240x32xf32, #tpu.memory_space<vmem_shared>>)
      %mul3A_142 = arith.constant 2 : i32
      %mul3A_143 = arith.muli %mul3A_142, %while3A_114 : i32
      %add3A_144 = arith.constant 1 : i32
      %add3A_145 = arith.addi %mul3A_143, %add3A_144 : i32
      %dma_wait3A_146 = arith.constant 0 : i32
      %dma_wait3A_147 = tpu.memref_slice %arg5[%add3A_145, %dma_wait3A_146] : memref<82x128xi32, #tpu.memory_space<vmem>> -> memref<1x128xi32, #tpu.memory_space<vmem>>
      %dma_wait3A_148 = tpu.memref_squeeze %dma_wait3A_147 : memref<1x128xi32, #tpu.memory_space<vmem>> -> memref<128xi32, #tpu.memory_space<vmem>>
      %dma_wait3A_149 = arith.constant 0 : i32
      %dma_wait3A_150 = arith.constant 0 : i32
      %dma_wait3A_151 = tpu.memref_slice %arg2[%dma_wait3A_149, %dma_wait3A_150] : memref<10000x16xi32, #tpu.memory_space<hbm>> -> memref<10000x16xi32, #tpu.memory_space<hbm>>
      tpu.wait_indirect_dma semaphore(%arg13 : memref<!tpu.dma_semaphore, #tpu.memory_space<semaphore_mem>>) src(%dma_wait3A_151 : memref<10000x16xi32, #tpu.memory_space<hbm>>) dst(%arg8 : memref<128x16xi32, #tpu.memory_space<vmem>>)
      %parallel_loop3A_152 = arith.constant 0 : i32
      %parallel_loop3A_153 = arith.constant 128 : i32
      %parallel_loop3A_154 = arith.constant 1 : i32
      scf.for %parallel_loop3A_173 = %parallel_loop3A_152 to %parallel_loop3A_153 step %parallel_loop3A_154  : i32 {
        %parallel_loop3A_174 = arith.index_cast %parallel_loop3A_173 : i32 to index
        %parallel_loop3A_175 = arith.constant 0 : index
        %parallel_loop3A_176 = tpu.vector_load %arg8[%parallel_loop3A_174, %parallel_loop3A_175] {strides = array<i32>} : memref<128x16xi32, #tpu.memory_space<vmem>>, vector<1x16xi32>,
        %parallel_loop3A_177 = vector.shape_cast %parallel_loop3A_176 : vector<1x16xi32> to vector<16xi32>
        %parallel_loop3A_178 = arith.constant 16 : i32
        %parallel_loop3A_179 = vector.broadcast %parallel_loop3A_178 : i32 to vector<16xi32>
        %parallel_loop3A_180 = arith.shli %parallel_loop3A_177, %parallel_loop3A_179 : vector<16xi32>
        %parallel_loop3A_181 = tpu.bitcast %parallel_loop3A_180 : vector<16xi32> -> vector<16xf32>
        %parallel_loop3A_182 = arith.constant -65536 : i32
        %parallel_loop3A_183 = vector.broadcast %parallel_loop3A_182 : i32 to vector<16xi32>
        %parallel_loop3A_184 = arith.andi %parallel_loop3A_177, %parallel_loop3A_183 : vector<16xi32>
        %parallel_loop3A_185 = tpu.bitcast %parallel_loop3A_184 : vector<16xi32> -> vector<16xf32>
        %parallel_loop3A_186 = arith.index_cast %parallel_loop3A_173 : i32 to index
        %parallel_loop3A_187 = arith.constant 0 : index
        %parallel_loop3A_188 = tpu.vector_load %arg10[%parallel_loop3A_186, %parallel_loop3A_187] {strides = array<i32>} : memref<128x32xf32, #tpu.memory_space<vmem>>, vector<1x16xf32>,
        %parallel_loop3A_189 = vector.shape_cast %parallel_loop3A_188 : vector<1x16xf32> to vector<16xf32>
        %parallel_loop3A_190 = vector.shape_cast %parallel_loop3A_181 : vector<16xf32> to vector<1x16xf32>
        tpu.vector_store %arg10[%parallel_loop3A_186, %parallel_loop3A_187], %parallel_loop3A_190 {strides = array<i32>} : memref<128x32xf32, #tpu.memory_space<vmem>>, vector<1x16xf32>,
        %parallel_loop3A_191 = arith.index_cast %parallel_loop3A_173 : i32 to index
        %parallel_loop3A_192 = arith.constant 16 : index
        %parallel_loop3A_193 = tpu.vector_load %arg10[%parallel_loop3A_191, %parallel_loop3A_192] {strides = array<i32>} : memref<128x32xf32, #tpu.memory_space<vmem>>, vector<1x16xf32>,
        %parallel_loop3A_194 = vector.shape_cast %parallel_loop3A_193 : vector<1x16xf32> to vector<16xf32>
        %parallel_loop3A_195 = vector.shape_cast %parallel_loop3A_185 : vector<16xf32> to vector<1x16xf32>
        tpu.vector_store %arg10[%parallel_loop3A_191, %parallel_loop3A_192], %parallel_loop3A_195 {strides = array<i32>} : memref<128x32xf32, #tpu.memory_space<vmem>>, vector<1x16xf32>,
      } {sc.loop_unroll_factor = 4 : i64, sc.parallel_access}
      %add3A_155 = arith.constant 2 : i32
      %add3A_156 = arith.addi %add3A_145, %add3A_155 : i32
      %lt3A_157 = arith.cmpi slt, %add3A_156, %select_n3A_7 : i32
      %convert_element_type3A_158 = arith.extui %lt3A_157 : i1 to i32
      %cond3A_159 = arith.constant 0 : i32
      %cond3A_160 = arith.cmpi ne, %convert_element_type3A_158, %cond3A_159 : i32
      scf.if %cond3A_160 {
        %add3A_173 = arith.constant 2 : i32
        %add3A_174 = arith.addi %add3A_145, %add3A_173 : i32
        %dma_start3A_175 = arith.constant 0 : i32
        %dma_start3A_176 = tpu.memref_slice %arg5[%add3A_174, %dma_start3A_175] : memref<82x128xi32, #tpu.memory_space<vmem>> -> memref<1x128xi32, #tpu.memory_space<vmem>>
        %dma_start3A_177 = tpu.memref_squeeze %dma_start3A_176 : memref<1x128xi32, #tpu.memory_space<vmem>> -> memref<128xi32, #tpu.memory_space<vmem>>
        %dma_start3A_178 = arith.constant 0 : i32
        %dma_start3A_179 = arith.constant 0 : i32
        %dma_start3A_180 = tpu.memref_slice %arg2[%dma_start3A_178, %dma_start3A_179] : memref<10000x16xi32, #tpu.memory_space<hbm>> -> memref<10000x16xi32, #tpu.memory_space<hbm>>
        tpu.enqueue_indirect_dma source(%dma_start3A_180 : memref<10000x16xi32, #tpu.memory_space<hbm>>) target(%arg8 : memref<128x16xi32, #tpu.memory_space<vmem>>) offsets(%dma_start3A_177 : memref<128xi32, #tpu.memory_space<vmem>>) semaphore(%arg13 : memref<!tpu.dma_semaphore, #tpu.memory_space<semaphore_mem>>)
      } else {
      }
      %dma_start3A_161 = arith.constant 0 : i32
      %dma_start3A_162 = tpu.memref_slice %arg6[%add3A_145, %dma_start3A_161] : memref<82x128xi32, #tpu.memory_space<vmem>> -> memref<1x128xi32, #tpu.memory_space<vmem>>
      %dma_start3A_163 = tpu.memref_squeeze %dma_start3A_162 : memref<1x128xi32, #tpu.memory_space<vmem>> -> memref<128xi32, #tpu.memory_space<vmem>>
      %dma_start3A_164 = arith.constant 0 : i32
      %dma_start3A_165 = arith.constant 0 : i32
      %dma_start3A_166 = tpu.memref_slice %arg11[%dma_start3A_164, %dma_start3A_165] : memref<10240x32xf32, #tpu.memory_space<vmem_shared>> -> memref<10240x32xf32, #tpu.memory_space<vmem_shared>>
      tpu.enqueue_indirect_dma source(%arg10 : memref<128x32xf32, #tpu.memory_space<vmem>>) target(%dma_start3A_166 : memref<10240x32xf32, #tpu.memory_space<vmem_shared>>) offsets(%dma_start3A_163 : memref<128xi32, #tpu.memory_space<vmem>>) semaphore(%arg15 : memref<!tpu.dma_semaphore, #tpu.memory_space<semaphore_mem>>) {add = true}
      %dma_wait3A_167 = arith.constant 0 : i32
      %dma_wait3A_168 = tpu.memref_slice %arg6[%add3A_145, %dma_wait3A_167] : memref<82x128xi32, #tpu.memory_space<vmem>> -> memref<1x128xi32, #tpu.memory_space<vmem>>
      %dma_wait3A_169 = tpu.memref_squeeze %dma_wait3A_168 : memref<1x128xi32, #tpu.memory_space<vmem>> -> memref<128xi32, #tpu.memory_space<vmem>>
      %dma_wait3A_170 = arith.constant 0 : i32
      %dma_wait3A_171 = arith.constant 0 : i32
      %dma_wait3A_172 = tpu.memref_slice %arg11[%dma_wait3A_170, %dma_wait3A_171] : memref<10240x32xf32, #tpu.memory_space<vmem_shared>> -> memref<10240x32xf32, #tpu.memory_space<vmem_shared>>
      tpu.wait_indirect_dma semaphore(%arg15 : memref<!tpu.dma_semaphore, #tpu.memory_space<semaphore_mem>>) src(%arg10 : memref<128x32xf32, #tpu.memory_space<vmem>>) dst(%dma_wait3A_172 : memref<10240x32xf32, #tpu.memory_space<vmem_shared>>)
    }
    %jit3A_82 = arith.constant 2 : i32
    %eq3A_83 = arith.constant 0 : i32
    %eq3A_84 = arith.cmpi eq, %jit3A_82, %eq3A_83 : i32
    %jit3A_85 = arith.constant 1 : i32
    %select_n3A_86 = arith.select %eq3A_84, %jit3A_85, %jit3A_82 : i32
    %rem3A_87 = arith.remsi %select_n3A_7, %select_n3A_86 : i32
    %ne3A_88 = arith.constant 0 : i32
    %ne3A_89 = arith.cmpi ne, %rem3A_87, %ne3A_88 : i32
    %lt3A_90 = arith.constant 0 : i32
    %lt3A_91 = arith.cmpi slt, %rem3A_87, %lt3A_90 : i32
    %lt3A_92 = arith.constant 0 : i32
    %lt3A_93 = arith.cmpi slt, %select_n3A_86, %lt3A_92 : i32
    %ne3A_94 = arith.xori %lt3A_91, %lt3A_93 : i1
    %and3A_95 = arith.andi %ne3A_94, %ne3A_89 : i1
    %add3A_96 = arith.addi %rem3A_87, %select_n3A_86 : i32
    %select_n3A_97 = arith.select %and3A_95, %add3A_96, %rem3A_87 : i32
    %eq3A_98 = arith.constant 1 : i32
    %eq3A_99 = arith.cmpi eq, %select_n3A_97, %eq3A_98 : i32
    %convert_element_type3A_100 = arith.extui %eq3A_99 : i1 to i32
    %cond3A_101 = arith.constant 0 : i32
    %cond3A_102 = arith.cmpi ne, %convert_element_type3A_100, %cond3A_101 : i32
    scf.if %cond3A_102 {
      %sub3A_114 = arith.constant 1 : i32
      %sub3A_115 = arith.subi %select_n3A_7, %sub3A_114 : i32
      %dma_wait3A = arith.constant 0 : i32
      %dma_wait3A_116 = tpu.memref_slice %arg5[%sub3A_115, %dma_wait3A] : memref<82x128xi32, #tpu.memory_space<vmem>> -> memref<1x128xi32, #tpu.memory_space<vmem>>
      %dma_wait3A_117 = tpu.memref_squeeze %dma_wait3A_116 : memref<1x128xi32, #tpu.memory_space<vmem>> -> memref<128xi32, #tpu.memory_space<vmem>>
      %dma_wait3A_118 = arith.constant 0 : i32
      %dma_wait3A_119 = arith.constant 0 : i32
      %dma_wait3A_120 = tpu.memref_slice %arg2[%dma_wait3A_118, %dma_wait3A_119] : memref<10000x16xi32, #tpu.memory_space<hbm>> -> memref<10000x16xi32, #tpu.memory_space<hbm>>
      tpu.wait_indirect_dma semaphore(%arg12 : memref<!tpu.dma_semaphore, #tpu.memory_space<semaphore_mem>>) src(%dma_wait3A_120 : memref<10000x16xi32, #tpu.memory_space<hbm>>) dst(%arg7 : memref<128x16xi32, #tpu.memory_space<vmem>>)
      %parallel_loop3A = arith.constant 0 : i32
      %parallel_loop3A_121 = arith.constant 128 : i32
      %parallel_loop3A_122 = arith.constant 1 : i32
      scf.for %parallel_loop3A_141 = %parallel_loop3A to %parallel_loop3A_121 step %parallel_loop3A_122  : i32 {
        %parallel_loop3A_142 = arith.index_cast %parallel_loop3A_141 : i32 to index
        %parallel_loop3A_143 = arith.constant 0 : index
        %parallel_loop3A_144 = tpu.vector_load %arg7[%parallel_loop3A_142, %parallel_loop3A_143] {strides = array<i32>} : memref<128x16xi32, #tpu.memory_space<vmem>>, vector<1x16xi32>,
        %parallel_loop3A_145 = vector.shape_cast %parallel_loop3A_144 : vector<1x16xi32> to vector<16xi32>
        %parallel_loop3A_146 = arith.constant 16 : i32
        %parallel_loop3A_147 = vector.broadcast %parallel_loop3A_146 : i32 to vector<16xi32>
        %parallel_loop3A_148 = arith.shli %parallel_loop3A_145, %parallel_loop3A_147 : vector<16xi32>
        %parallel_loop3A_149 = tpu.bitcast %parallel_loop3A_148 : vector<16xi32> -> vector<16xf32>
        %parallel_loop3A_150 = arith.constant -65536 : i32
        %parallel_loop3A_151 = vector.broadcast %parallel_loop3A_150 : i32 to vector<16xi32>
        %parallel_loop3A_152 = arith.andi %parallel_loop3A_145, %parallel_loop3A_151 : vector<16xi32>
        %parallel_loop3A_153 = tpu.bitcast %parallel_loop3A_152 : vector<16xi32> -> vector<16xf32>
        %parallel_loop3A_154 = arith.index_cast %parallel_loop3A_141 : i32 to index
        %parallel_loop3A_155 = arith.constant 0 : index
        %parallel_loop3A_156 = tpu.vector_load %arg9[%parallel_loop3A_154, %parallel_loop3A_155] {strides = array<i32>} : memref<128x32xf32, #tpu.memory_space<vmem>>, vector<1x16xf32>,
        %parallel_loop3A_157 = vector.shape_cast %parallel_loop3A_156 : vector<1x16xf32> to vector<16xf32>
        %parallel_loop3A_158 = vector.shape_cast %parallel_loop3A_149 : vector<16xf32> to vector<1x16xf32>
        tpu.vector_store %arg9[%parallel_loop3A_154, %parallel_loop3A_155], %parallel_loop3A_158 {strides = array<i32>} : memref<128x32xf32, #tpu.memory_space<vmem>>, vector<1x16xf32>,
        %parallel_loop3A_159 = arith.index_cast %parallel_loop3A_141 : i32 to index
        %parallel_loop3A_160 = arith.constant 16 : index
        %parallel_loop3A_161 = tpu.vector_load %arg9[%parallel_loop3A_159, %parallel_loop3A_160] {strides = array<i32>} : memref<128x32xf32, #tpu.memory_space<vmem>>, vector<1x16xf32>,
        %parallel_loop3A_162 = vector.shape_cast %parallel_loop3A_161 : vector<1x16xf32> to vector<16xf32>
        %parallel_loop3A_163 = vector.shape_cast %parallel_loop3A_153 : vector<16xf32> to vector<1x16xf32>
        tpu.vector_store %arg9[%parallel_loop3A_159, %parallel_loop3A_160], %parallel_loop3A_163 {strides = array<i32>} : memref<128x32xf32, #tpu.memory_space<vmem>>, vector<1x16xf32>,
      } {sc.loop_unroll_factor = 4 : i64, sc.parallel_access}
      %add3A_123 = arith.constant 2 : i32
      %add3A_124 = arith.addi %sub3A_115, %add3A_123 : i32
      %lt3A_125 = arith.cmpi slt, %add3A_124, %select_n3A_7 : i32
      %convert_element_type3A_126 = arith.extui %lt3A_125 : i1 to i32
      %cond3A_127 = arith.constant 0 : i32
      %cond3A_128 = arith.cmpi ne, %convert_element_type3A_126, %cond3A_127 : i32
      scf.if %cond3A_128 {
        %add3A_141 = arith.constant 2 : i32
        %add3A_142 = arith.addi %sub3A_115, %add3A_141 : i32
        %dma_start3A_143 = arith.constant 0 : i32
        %dma_start3A_144 = tpu.memref_slice %arg5[%add3A_142, %dma_start3A_143] : memref<82x128xi32, #tpu.memory_space<vmem>> -> memref<1x128xi32, #tpu.memory_space<vmem>>
        %dma_start3A_145 = tpu.memref_squeeze %dma_start3A_144 : memref<1x128xi32, #tpu.memory_space<vmem>> -> memref<128xi32, #tpu.memory_space<vmem>>
        %dma_start3A_146 = arith.constant 0 : i32
        %dma_start3A_147 = arith.constant 0 : i32
        %dma_start3A_148 = tpu.memref_slice %arg2[%dma_start3A_146, %dma_start3A_147] : memref<10000x16xi32, #tpu.memory_space<hbm>> -> memref<10000x16xi32, #tpu.memory_space<hbm>>
        tpu.enqueue_indirect_dma source(%dma_start3A_148 : memref<10000x16xi32, #tpu.memory_space<hbm>>) target(%arg7 : memref<128x16xi32, #tpu.memory_space<vmem>>) offsets(%dma_start3A_145 : memref<128xi32, #tpu.memory_space<vmem>>) semaphore(%arg12 : memref<!tpu.dma_semaphore, #tpu.memory_space<semaphore_mem>>)
      } else {
      }
      %dma_start3A_129 = arith.constant 0 : i32
      %dma_start3A_130 = tpu.memref_slice %arg6[%sub3A_115, %dma_start3A_129] : memref<82x128xi32, #tpu.memory_space<vmem>> -> memref<1x128xi32, #tpu.memory_space<vmem>>
      %dma_start3A_131 = tpu.memref_squeeze %dma_start3A_130 : memref<1x128xi32, #tpu.memory_space<vmem>> -> memref<128xi32, #tpu.memory_space<vmem>>
      %dma_start3A_132 = arith.constant 0 : i32
      %dma_start3A_133 = arith.constant 0 : i32
      %dma_start3A_134 = tpu.memref_slice %arg11[%dma_start3A_132, %dma_start3A_133] : memref<10240x32xf32, #tpu.memory_space<vmem_shared>> -> memref<10240x32xf32, #tpu.memory_space<vmem_shared>>
      tpu.enqueue_indirect_dma source(%arg9 : memref<128x32xf32, #tpu.memory_space<vmem>>) target(%dma_start3A_134 : memref<10240x32xf32, #tpu.memory_space<vmem_shared>>) offsets(%dma_start3A_131 : memref<128xi32, #tpu.memory_space<vmem>>) semaphore(%arg14 : memref<!tpu.dma_semaphore, #tpu.memory_space<semaphore_mem>>) {add = true}
      %dma_wait3A_135 = arith.constant 0 : i32
      %dma_wait3A_136 = tpu.memref_slice %arg6[%sub3A_115, %dma_wait3A_135] : memref<82x128xi32, #tpu.memory_space<vmem>> -> memref<1x128xi32, #tpu.memory_space<vmem>>
      %dma_wait3A_137 = tpu.memref_squeeze %dma_wait3A_136 : memref<1x128xi32, #tpu.memory_space<vmem>> -> memref<128xi32, #tpu.memory_space<vmem>>
      %dma_wait3A_138 = arith.constant 0 : i32
      %dma_wait3A_139 = arith.constant 0 : i32
      %dma_wait3A_140 = tpu.memref_slice %arg11[%dma_wait3A_138, %dma_wait3A_139] : memref<10240x32xf32, #tpu.memory_space<vmem_shared>> -> memref<10240x32xf32, #tpu.memory_space<vmem_shared>>
      tpu.wait_indirect_dma semaphore(%arg14 : memref<!tpu.dma_semaphore, #tpu.memory_space<semaphore_mem>>) src(%arg9 : memref<128x32xf32, #tpu.memory_space<vmem>>) dst(%dma_wait3A_140 : memref<10240x32xf32, #tpu.memory_space<vmem_shared>>)
    } else {
    }
    %barrier3A_103 = arith.constant 0 : index
    tpu.barrier barrier_id(%barrier3A_103)
    %add3A_104 = arith.constant 0 : i32
    %add3A_105 = arith.addi %mul3A_31, %add3A_104 : i32
    "tpu.region"() ({
      %run_scoped3A = tpu.sem_alloc : memref<!tpu.dma_semaphore, #tpu.memory_space<semaphore_mem>>
      %dma_start3A_114 = arith.constant 0 : i32
      %dma_start3A_115 = tpu.memref_slice %arg11[%add3A_105, %dma_start3A_114] : memref<10240x32xf32, #tpu.memory_space<vmem_shared>> -> memref<128x32xf32, #tpu.memory_space<vmem_shared>>
      %dma_start3A_116 = arith.constant 0 : i32
      %dma_start3A_117 = tpu.memref_slice %arg11[%add3A_105, %dma_start3A_116] : memref<10240x32xf32, #tpu.memory_space<vmem_shared>> -> memref<128x32xf32, #tpu.memory_space<vmem_shared>>
      tpu.enqueue_dma source(%dma_start3A_117 : memref<128x32xf32, #tpu.memory_space<vmem_shared>>) target(%arg9 : memref<128x32xf32, #tpu.memory_space<vmem>>) target_semaphore(%run_scoped3A : memref<!tpu.dma_semaphore, #tpu.memory_space<semaphore_mem>>)
      %dma_wait3A = arith.constant 0 : i32
      %dma_wait3A_118 = tpu.memref_slice %arg11[%add3A_105, %dma_wait3A] : memref<10240x32xf32, #tpu.memory_space<vmem_shared>> -> memref<128x32xf32, #tpu.memory_space<vmem_shared>>
      %dma_wait3A_119 = arith.constant 0 : i32
      %dma_wait3A_120 = tpu.memref_slice %arg11[%add3A_105, %dma_wait3A_119] : memref<10240x32xf32, #tpu.memory_space<vmem_shared>> -> memref<128x32xf32, #tpu.memory_space<vmem_shared>>
      tpu.wait_dma2 semaphore(%run_scoped3A : memref<!tpu.dma_semaphore, #tpu.memory_space<semaphore_mem>>) src(%dma_wait3A_120 : memref<128x32xf32, #tpu.memory_space<vmem_shared>>) dst(%arg9 : memref<128x32xf32, #tpu.memory_space<vmem>>)
      tpu.yield
    }) : () -> ()
    "tpu.region"() ({
      %run_scoped3A = tpu.sem_alloc : memref<!tpu.dma_semaphore, #tpu.memory_space<semaphore_mem>>
      %dma_start3A_114 = arith.constant 0 : i32
      %dma_start3A_115 = tpu.memref_slice %arg4[%arg0, %add3A_105, %dma_start3A_114] : memref<2x10240x32xf32, #tpu.memory_space<hbm>> -> memref<1x128x32xf32, #tpu.memory_space<hbm>>
      %dma_start3A_116 = tpu.memref_squeeze %dma_start3A_115 : memref<1x128x32xf32, #tpu.memory_space<hbm>> -> memref<128x32xf32, #tpu.memory_space<hbm>>
      %dma_start3A_117 = arith.constant 0 : i32
      %dma_start3A_118 = tpu.memref_slice %arg4[%arg0, %add3A_105, %dma_start3A_117] : memref<2x10240x32xf32, #tpu.memory_space<hbm>> -> memref<1x128x32xf32, #tpu.memory_space<hbm>>
      %dma_start3A_119 = tpu.memref_squeeze %dma_start3A_118 : memref<1x128x32xf32, #tpu.memory_space<hbm>> -> memref<128x32xf32, #tpu.memory_space<hbm>>
      tpu.enqueue_dma source(%arg9 : memref<128x32xf32, #tpu.memory_space<vmem>>) target(%dma_start3A_119 : memref<128x32xf32, #tpu.memory_space<hbm>>) target_semaphore(%run_scoped3A : memref<!tpu.dma_semaphore, #tpu.memory_space<semaphore_mem>>)
      %dma_wait3A = arith.constant 0 : i32
      %dma_wait3A_120 = tpu.memref_slice %arg4[%arg0, %add3A_105, %dma_wait3A] : memref<2x10240x32xf32, #tpu.memory_space<hbm>> -> memref<1x128x32xf32, #tpu.memory_space<hbm>>
      %dma_wait3A_121 = tpu.memref_squeeze %dma_wait3A_120 : memref<1x128x32xf32, #tpu.memory_space<hbm>> -> memref<128x32xf32, #tpu.memory_space<hbm>>
      %dma_wait3A_122 = arith.constant 0 : i32
      %dma_wait3A_123 = tpu.memref_slice %arg4[%arg0, %add3A_105, %dma_wait3A_122] : memref<2x10240x32xf32, #tpu.memory_space<hbm>> -> memref<1x128x32xf32, #tpu.memory_space<hbm>>
      %dma_wait3A_124 = tpu.memref_squeeze %dma_wait3A_123 : memref<1x128x32xf32, #tpu.memory_space<hbm>> -> memref<128x32xf32, #tpu.memory_space<hbm>>
      tpu.wait_dma2 semaphore(%run_scoped3A : memref<!tpu.dma_semaphore, #tpu.memory_space<semaphore_mem>>) src(%arg9 : memref<128x32xf32, #tpu.memory_space<vmem>>) dst(%dma_wait3A_124 : memref<128x32xf32, #tpu.memory_space<hbm>>)
      tpu.yield
    }) : () -> ()
    %add3A_106 = arith.constant 128 : i32
    %add3A_107 = arith.addi %mul3A_31, %add3A_106 : i32
    "tpu.region"() ({
      %run_scoped3A = tpu.sem_alloc : memref<!tpu.dma_semaphore, #tpu.memory_space<semaphore_mem>>
      %dma_start3A_114 = arith.constant 0 : i32
      %dma_start3A_115 = tpu.memref_slice %arg11[%add3A_107, %dma_start3A_114] : memref<10240x32xf32, #tpu.memory_space<vmem_shared>> -> memref<128x32xf32, #tpu.memory_space<vmem_shared>>
      %dma_start3A_116 = arith.constant 0 : i32
      %dma_start3A_117 = tpu.memref_slice %arg11[%add3A_107, %dma_start3A_116] : memref<10240x32xf32, #tpu.memory_space<vmem_shared>> -> memref<128x32xf32, #tpu.memory_space<vmem_shared>>
      tpu.enqueue_dma source(%dma_start3A_117 : memref<128x32xf32, #tpu.memory_space<vmem_shared>>) target(%arg9 : memref<128x32xf32, #tpu.memory_space<vmem>>) target_semaphore(%run_scoped3A : memref<!tpu.dma_semaphore, #tpu.memory_space<semaphore_mem>>)
      %dma_wait3A = arith.constant 0 : i32
      %dma_wait3A_118 = tpu.memref_slice %arg11[%add3A_107, %dma_wait3A] : memref<10240x32xf32, #tpu.memory_space<vmem_shared>> -> memref<128x32xf32, #tpu.memory_space<vmem_shared>>
      %dma_wait3A_119 = arith.constant 0 : i32
      %dma_wait3A_120 = tpu.memref_slice %arg11[%add3A_107, %dma_wait3A_119] : memref<10240x32xf32, #tpu.memory_space<vmem_shared>> -> memref<128x32xf32, #tpu.memory_space<vmem_shared>>
      tpu.wait_dma2 semaphore(%run_scoped3A : memref<!tpu.dma_semaphore, #tpu.memory_space<semaphore_mem>>) src(%dma_wait3A_120 : memref<128x32xf32, #tpu.memory_space<vmem_shared>>) dst(%arg9 : memref<128x32xf32, #tpu.memory_space<vmem>>)
      tpu.yield
    }) : () -> ()
    "tpu.region"() ({
      %run_scoped3A = tpu.sem_alloc : memref<!tpu.dma_semaphore, #tpu.memory_space<semaphore_mem>>
      %dma_start3A_114 = arith.constant 0 : i32
      %dma_start3A_115 = tpu.memref_slice %arg4[%arg0, %add3A_107, %dma_start3A_114] : memref<2x10240x32xf32, #tpu.memory_space<hbm>> -> memref<1x128x32xf32, #tpu.memory_space<hbm>>
      %dma_start3A_116 = tpu.memref_squeeze %dma_start3A_115 : memref<1x128x32xf32, #tpu.memory_space<hbm>> -> memref<128x32xf32, #tpu.memory_space<hbm>>
      %dma_start3A_117 = arith.constant 0 : i32
      %dma_start3A_118 = tpu.memref_slice %arg4[%arg0, %add3A_107, %dma_start3A_117] : memref<2x10240x32xf32, #tpu.memory_space<hbm>> -> memref<1x128x32xf32, #tpu.memory_space<hbm>>
      %dma_start3A_119 = tpu.memref_squeeze %dma_start3A_118 : memref<1x128x32xf32, #tpu.memory_space<hbm>> -> memref<128x32xf32, #tpu.memory_space<hbm>>
      tpu.enqueue_dma source(%arg9 : memref<128x32xf32, #tpu.memory_space<vmem>>) target(%dma_start3A_119 : memref<128x32xf32, #tpu.memory_space<hbm>>) target_semaphore(%run_scoped3A : memref<!tpu.dma_semaphore, #tpu.memory_space<semaphore_mem>>)
      %dma_wait3A = arith.constant 0 : i32
      %dma_wait3A_120 = tpu.memref_slice %arg4[%arg0, %add3A_107, %dma_wait3A] : memref<2x10240x32xf32, #tpu.memory_space<hbm>> -> memref<1x128x32xf32, #tpu.memory_space<hbm>>
      %dma_wait3A_121 = tpu.memref_squeeze %dma_wait3A_120 : memref<1x128x32xf32, #tpu.memory_space<hbm>> -> memref<128x32xf32, #tpu.memory_space<hbm>>
      %dma_wait3A_122 = arith.constant 0 : i32
      %dma_wait3A_123 = tpu.memref_slice %arg4[%arg0, %add3A_107, %dma_wait3A_122] : memref<2x10240x32xf32, #tpu.memory_space<hbm>> -> memref<1x128x32xf32, #tpu.memory_space<hbm>>
      %dma_wait3A_124 = tpu.memref_squeeze %dma_wait3A_123 : memref<1x128x32xf32, #tpu.memory_space<hbm>> -> memref<128x32xf32, #tpu.memory_space<hbm>>
      tpu.wait_dma2 semaphore(%run_scoped3A : memref<!tpu.dma_semaphore, #tpu.memory_space<semaphore_mem>>) src(%arg9 : memref<128x32xf32, #tpu.memory_space<vmem>>) dst(%dma_wait3A_124 : memref<128x32xf32, #tpu.memory_space<hbm>>)
      tpu.yield
    }) : () -> ()
    %add3A_108 = arith.constant 256 : i32
    %add3A_109 = arith.addi %mul3A_31, %add3A_108 : i32
    "tpu.region"() ({
      %run_scoped3A = tpu.sem_alloc : memref<!tpu.dma_semaphore, #tpu.memory_space<semaphore_mem>>
      %dma_start3A_114 = arith.constant 0 : i32
      %dma_start3A_115 = tpu.memref_slice %arg11[%add3A_109, %dma_start3A_114] : memref<10240x32xf32, #tpu.memory_space<vmem_shared>> -> memref<128x32xf32, #tpu.memory_space<vmem_shared>>
      %dma_start3A_116 = arith.constant 0 : i32
      %dma_start3A_117 = tpu.memref_slice %arg11[%add3A_109, %dma_start3A_116] : memref<10240x32xf32, #tpu.memory_space<vmem_shared>> -> memref<128x32xf32, #tpu.memory_space<vmem_shared>>
      tpu.enqueue_dma source(%dma_start3A_117 : memref<128x32xf32, #tpu.memory_space<vmem_shared>>) target(%arg9 : memref<128x32xf32, #tpu.memory_space<vmem>>) target_semaphore(%run_scoped3A : memref<!tpu.dma_semaphore, #tpu.memory_space<semaphore_mem>>)
      %dma_wait3A = arith.constant 0 : i32
      %dma_wait3A_118 = tpu.memref_slice %arg11[%add3A_109, %dma_wait3A] : memref<10240x32xf32, #tpu.memory_space<vmem_shared>> -> memref<128x32xf32, #tpu.memory_space<vmem_shared>>
      %dma_wait3A_119 = arith.constant 0 : i32
      %dma_wait3A_120 = tpu.memref_slice %arg11[%add3A_109, %dma_wait3A_119] : memref<10240x32xf32, #tpu.memory_space<vmem_shared>> -> memref<128x32xf32, #tpu.memory_space<vmem_shared>>
      tpu.wait_dma2 semaphore(%run_scoped3A : memref<!tpu.dma_semaphore, #tpu.memory_space<semaphore_mem>>) src(%dma_wait3A_120 : memref<128x32xf32, #tpu.memory_space<vmem_shared>>) dst(%arg9 : memref<128x32xf32, #tpu.memory_space<vmem>>)
      tpu.yield
    }) : () -> ()
    "tpu.region"() ({
      %run_scoped3A = tpu.sem_alloc : memref<!tpu.dma_semaphore, #tpu.memory_space<semaphore_mem>>
      %dma_start3A_114 = arith.constant 0 : i32
      %dma_start3A_115 = tpu.memref_slice %arg4[%arg0, %add3A_109, %dma_start3A_114] : memref<2x10240x32xf32, #tpu.memory_space<hbm>> -> memref<1x128x32xf32, #tpu.memory_space<hbm>>
      %dma_start3A_116 = tpu.memref_squeeze %dma_start3A_115 : memref<1x128x32xf32, #tpu.memory_space<hbm>> -> memref<128x32xf32, #tpu.memory_space<hbm>>
      %dma_start3A_117 = arith.constant 0 : i32
      %dma_start3A_118 = tpu.memref_slice %arg4[%arg0, %add3A_109, %dma_start3A_117] : memref<2x10240x32xf32, #tpu.memory_space<hbm>> -> memref<1x128x32xf32, #tpu.memory_space<hbm>>
      %dma_start3A_119 = tpu.memref_squeeze %dma_start3A_118 : memref<1x128x32xf32, #tpu.memory_space<hbm>> -> memref<128x32xf32, #tpu.memory_space<hbm>>
      tpu.enqueue_dma source(%arg9 : memref<128x32xf32, #tpu.memory_space<vmem>>) target(%dma_start3A_119 : memref<128x32xf32, #tpu.memory_space<hbm>>) target_semaphore(%run_scoped3A : memref<!tpu.dma_semaphore, #tpu.memory_space<semaphore_mem>>)
      %dma_wait3A = arith.constant 0 : i32
      %dma_wait3A_120 = tpu.memref_slice %arg4[%arg0, %add3A_109, %dma_wait3A] : memref<2x10240x32xf32, #tpu.memory_space<hbm>> -> memref<1x128x32xf32, #tpu.memory_space<hbm>>
      %dma_wait3A_121 = tpu.memref_squeeze %dma_wait3A_120 : memref<1x128x32xf32, #tpu.memory_space<hbm>> -> memref<128x32xf32, #tpu.memory_space<hbm>>
      %dma_wait3A_122 = arith.constant 0 : i32
      %dma_wait3A_123 = tpu.memref_slice %arg4[%arg0, %add3A_109, %dma_wait3A_122] : memref<2x10240x32xf32, #tpu.memory_space<hbm>> -> memref<1x128x32xf32, #tpu.memory_space<hbm>>
      %dma_wait3A_124 = tpu.memref_squeeze %dma_wait3A_123 : memref<1x128x32xf32, #tpu.memory_space<hbm>> -> memref<128x32xf32, #tpu.memory_space<hbm>>
      tpu.wait_dma2 semaphore(%run_scoped3A : memref<!tpu.dma_semaphore, #tpu.memory_space<semaphore_mem>>) src(%arg9 : memref<128x32xf32, #tpu.memory_space<vmem>>) dst(%dma_wait3A_124 : memref<128x32xf32, #tpu.memory_space<hbm>>)
      tpu.yield
    }) : () -> ()
    %add3A_110 = arith.constant 384 : i32
    %add3A_111 = arith.addi %mul3A_31, %add3A_110 : i32
    "tpu.region"() ({
      %run_scoped3A = tpu.sem_alloc : memref<!tpu.dma_semaphore, #tpu.memory_space<semaphore_mem>>
      %dma_start3A_114 = arith.constant 0 : i32
      %dma_start3A_115 = tpu.memref_slice %arg11[%add3A_111, %dma_start3A_114] : memref<10240x32xf32, #tpu.memory_space<vmem_shared>> -> memref<128x32xf32, #tpu.memory_space<vmem_shared>>
      %dma_start3A_116 = arith.constant 0 : i32
      %dma_start3A_117 = tpu.memref_slice %arg11[%add3A_111, %dma_start3A_116] : memref<10240x32xf32, #tpu.memory_space<vmem_shared>> -> memref<128x32xf32, #tpu.memory_space<vmem_shared>>
      tpu.enqueue_dma source(%dma_start3A_117 : memref<128x32xf32, #tpu.memory_space<vmem_shared>>) target(%arg9 : memref<128x32xf32, #tpu.memory_space<vmem>>) target_semaphore(%run_scoped3A : memref<!tpu.dma_semaphore, #tpu.memory_space<semaphore_mem>>)
      %dma_wait3A = arith.constant 0 : i32
      %dma_wait3A_118 = tpu.memref_slice %arg11[%add3A_111, %dma_wait3A] : memref<10240x32xf32, #tpu.memory_space<vmem_shared>> -> memref<128x32xf32, #tpu.memory_space<vmem_shared>>
      %dma_wait3A_119 = arith.constant 0 : i32
      %dma_wait3A_120 = tpu.memref_slice %arg11[%add3A_111, %dma_wait3A_119] : memref<10240x32xf32, #tpu.memory_space<vmem_shared>> -> memref<128x32xf32, #tpu.memory_space<vmem_shared>>
      tpu.wait_dma2 semaphore(%run_scoped3A : memref<!tpu.dma_semaphore, #tpu.memory_space<semaphore_mem>>) src(%dma_wait3A_120 : memref<128x32xf32, #tpu.memory_space<vmem_shared>>) dst(%arg9 : memref<128x32xf32, #tpu.memory_space<vmem>>)
      tpu.yield
    }) : () -> ()
    "tpu.region"() ({
      %run_scoped3A = tpu.sem_alloc : memref<!tpu.dma_semaphore, #tpu.memory_space<semaphore_mem>>
      %dma_start3A_114 = arith.constant 0 : i32
      %dma_start3A_115 = tpu.memref_slice %arg4[%arg0, %add3A_111, %dma_start3A_114] : memref<2x10240x32xf32, #tpu.memory_space<hbm>> -> memref<1x128x32xf32, #tpu.memory_space<hbm>>
      %dma_start3A_116 = tpu.memref_squeeze %dma_start3A_115 : memref<1x128x32xf32, #tpu.memory_space<hbm>> -> memref<128x32xf32, #tpu.memory_space<hbm>>
      %dma_start3A_117 = arith.constant 0 : i32
      %dma_start3A_118 = tpu.memref_slice %arg4[%arg0, %add3A_111, %dma_start3A_117] : memref<2x10240x32xf32, #tpu.memory_space<hbm>> -> memref<1x128x32xf32, #tpu.memory_space<hbm>>
      %dma_start3A_119 = tpu.memref_squeeze %dma_start3A_118 : memref<1x128x32xf32, #tpu.memory_space<hbm>> -> memref<128x32xf32, #tpu.memory_space<hbm>>
      tpu.enqueue_dma source(%arg9 : memref<128x32xf32, #tpu.memory_space<vmem>>) target(%dma_start3A_119 : memref<128x32xf32, #tpu.memory_space<hbm>>) target_semaphore(%run_scoped3A : memref<!tpu.dma_semaphore, #tpu.memory_space<semaphore_mem>>)
      %dma_wait3A = arith.constant 0 : i32
      %dma_wait3A_120 = tpu.memref_slice %arg4[%arg0, %add3A_111, %dma_wait3A] : memref<2x10240x32xf32, #tpu.memory_space<hbm>> -> memref<1x128x32xf32, #tpu.memory_space<hbm>>
      %dma_wait3A_121 = tpu.memref_squeeze %dma_wait3A_120 : memref<1x128x32xf32, #tpu.memory_space<hbm>> -> memref<128x32xf32, #tpu.memory_space<hbm>>
      %dma_wait3A_122 = arith.constant 0 : i32
      %dma_wait3A_123 = tpu.memref_slice %arg4[%arg0, %add3A_111, %dma_wait3A_122] : memref<2x10240x32xf32, #tpu.memory_space<hbm>> -> memref<1x128x32xf32, #tpu.memory_space<hbm>>
      %dma_wait3A_124 = tpu.memref_squeeze %dma_wait3A_123 : memref<1x128x32xf32, #tpu.memory_space<hbm>> -> memref<128x32xf32, #tpu.memory_space<hbm>>
      tpu.wait_dma2 semaphore(%run_scoped3A : memref<!tpu.dma_semaphore, #tpu.memory_space<semaphore_mem>>) src(%arg9 : memref<128x32xf32, #tpu.memory_space<vmem>>) dst(%dma_wait3A_124 : memref<128x32xf32, #tpu.memory_space<hbm>>)
      tpu.yield
    }) : () -> ()
    %add3A_112 = arith.constant 512 : i32
    %add3A_113 = arith.addi %mul3A_31, %add3A_112 : i32
    "tpu.region"() ({
      %run_scoped3A = tpu.sem_alloc : memref<!tpu.dma_semaphore, #tpu.memory_space<semaphore_mem>>
      %dma_start3A_114 = arith.constant 0 : i32
      %dma_start3A_115 = tpu.memref_slice %arg11[%add3A_113, %dma_start3A_114] : memref<10240x32xf32, #tpu.memory_space<vmem_shared>> -> memref<128x32xf32, #tpu.memory_space<vmem_shared>>
      %dma_start3A_116 = arith.constant 0 : i32
      %dma_start3A_117 = tpu.memref_slice %arg11[%add3A_113, %dma_start3A_116] : memref<10240x32xf32, #tpu.memory_space<vmem_shared>> -> memref<128x32xf32, #tpu.memory_space<vmem_shared>>
      tpu.enqueue_dma source(%dma_start3A_117 : memref<128x32xf32, #tpu.memory_space<vmem_shared>>) target(%arg9 : memref<128x32xf32, #tpu.memory_space<vmem>>) target_semaphore(%run_scoped3A : memref<!tpu.dma_semaphore, #tpu.memory_space<semaphore_mem>>)
      %dma_wait3A = arith.constant 0 : i32
      %dma_wait3A_118 = tpu.memref_slice %arg11[%add3A_113, %dma_wait3A] : memref<10240x32xf32, #tpu.memory_space<vmem_shared>> -> memref<128x32xf32, #tpu.memory_space<vmem_shared>>
      %dma_wait3A_119 = arith.constant 0 : i32
      %dma_wait3A_120 = tpu.memref_slice %arg11[%add3A_113, %dma_wait3A_119] : memref<10240x32xf32, #tpu.memory_space<vmem_shared>> -> memref<128x32xf32, #tpu.memory_space<vmem_shared>>
      tpu.wait_dma2 semaphore(%run_scoped3A : memref<!tpu.dma_semaphore, #tpu.memory_space<semaphore_mem>>) src(%dma_wait3A_120 : memref<128x32xf32, #tpu.memory_space<vmem_shared>>) dst(%arg9 : memref<128x32xf32, #tpu.memory_space<vmem>>)
      tpu.yield
    }) : () -> ()
    "tpu.region"() ({
      %run_scoped3A = tpu.sem_alloc : memref<!tpu.dma_semaphore, #tpu.memory_space<semaphore_mem>>
      %dma_start3A_114 = arith.constant 0 : i32
      %dma_start3A_115 = tpu.memref_slice %arg4[%arg0, %add3A_113, %dma_start3A_114] : memref<2x10240x32xf32, #tpu.memory_space<hbm>> -> memref<1x128x32xf32, #tpu.memory_space<hbm>>
      %dma_start3A_116 = tpu.memref_squeeze %dma_start3A_115 : memref<1x128x32xf32, #tpu.memory_space<hbm>> -> memref<128x32xf32, #tpu.memory_space<hbm>>
      %dma_start3A_117 = arith.constant 0 : i32
      %dma_start3A_118 = tpu.memref_slice %arg4[%arg0, %add3A_113, %dma_start3A_117] : memref<2x10240x32xf32, #tpu.memory_space<hbm>> -> memref<1x128x32xf32, #tpu.memory_space<hbm>>
      %dma_start3A_119 = tpu.memref_squeeze %dma_start3A_118 : memref<1x128x32xf32, #tpu.memory_space<hbm>> -> memref<128x32xf32, #tpu.memory_space<hbm>>
      tpu.enqueue_dma source(%arg9 : memref<128x32xf32, #tpu.memory_space<vmem>>) target(%dma_start3A_119 : memref<128x32xf32, #tpu.memory_space<hbm>>) target_semaphore(%run_scoped3A : memref<!tpu.dma_semaphore, #tpu.memory_space<semaphore_mem>>)
      %dma_wait3A = arith.constant 0 : i32
      %dma_wait3A_120 = tpu.memref_slice %arg4[%arg0, %add3A_113, %dma_wait3A] : memref<2x10240x32xf32, #tpu.memory_space<hbm>> -> memref<1x128x32xf32, #tpu.memory_space<hbm>>
      %dma_wait3A_121 = tpu.memref_squeeze %dma_wait3A_120 : memref<1x128x32xf32, #tpu.memory_space<hbm>> -> memref<128x32xf32, #tpu.memory_space<hbm>>
      %dma_wait3A_122 = arith.constant 0 : i32
      %dma_wait3A_123 = tpu.memref_slice %arg4[%arg0, %add3A_113, %dma_wait3A_122] : memref<2x10240x32xf32, #tpu.memory_space<hbm>> -> memref<1x128x32xf32, #tpu.memory_space<hbm>>
      %dma_wait3A_124 = tpu.memref_squeeze %dma_wait3A_123 : memref<1x128x32xf32, #tpu.memory_space<hbm>> -> memref<128x32xf32, #tpu.memory_space<hbm>>
      tpu.wait_dma2 semaphore(%run_scoped3A : memref<!tpu.dma_semaphore, #tpu.memory_space<semaphore_mem>>) src(%arg9 : memref<128x32xf32, #tpu.memory_space<vmem>>) dst(%dma_wait3A_124 : memref<128x32xf32, #tpu.memory_space<hbm>>)
      tpu.yield
    }) : () -> ()
    return
  }
}

module attributes {stable_mosaic.version = 14 : i64} {
  func.func @_k1(%arg0: memref<10000x128xf32, #tpu.memory_space<vmem>>, %arg1: memref<128x64xf32, #tpu.memory_space<vmem>>, %arg2: memref<10000x32xi32, #tpu.memory_space<vmem>>) attributes {dimension_semantics = [], scalar_prefetch = 0 : i64, scratch_operands = 0 : i64, tpu.core_type = #tpu.core_type<tc>} {
    %get3A = arith.constant 0 : index
    %get3A_0 = arith.constant 0 : index
    %get3A_1 = vector.load %arg0[%get3A, %get3A_0] : memref<10000x128xf32, #tpu.memory_space<vmem>>, vector<10000x128xf32>
    %get3A_2 = arith.constant 0 : index
    %get3A_3 = arith.constant 0 : index
    %get3A_4 = vector.load %arg1[%get3A_2, %get3A_3] : memref<128x64xf32, #tpu.memory_space<vmem>>, vector<128x64xf32>
    %dot_general3A = arith.constant dense<0.000000e+00> : vector<10000x64xf32>
    %dot_general3A_5 = tpu.matmul %get3A_1, %get3A_4, %dot_general3A {dimension_numbers = #tpu.dot_dimension_numbers<[1], [0], [0], [1], [0, 0, 1, 1], [], []>, transpose_lhs_hint = false} : vector<10000x128xf32>, vector<128x64xf32>, vector<10000x64xf32> -> vector<10000x64xf32>
    %slice3A = vector.extract_strided_slice %dot_general3A_5 {offsets = [0, 0], sizes = [10000, 32], strides = [1, 1]} : vector<10000x64xf32> to vector<10000x32xf32>
    %bitcast_convert_type3A = tpu.bitcast %slice3A : vector<10000x32xf32> -> vector<10000x32xi32>
    %slice3A_6 = vector.extract_strided_slice %dot_general3A_5 {offsets = [0, 32], sizes = [10000, 32], strides = [1, 1]} : vector<10000x64xf32> to vector<10000x32xf32>
    %bitcast_convert_type3A_7 = tpu.bitcast %slice3A_6 : vector<10000x32xf32> -> vector<10000x32xi32>
    %add3A = arith.constant 32767 : i32
    %add3A_8 = vector.broadcast %add3A : i32 to vector<10000x32xi32>
    %add3A_9 = arith.addi %bitcast_convert_type3A, %add3A_8 : vector<10000x32xi32>
    %shift_right_logical3A = arith.constant 16 : i32
    %shift_right_logical3A_10 = vector.broadcast %shift_right_logical3A : i32 to vector<10000x32xi32>
    %shift_right_logical3A_11 = arith.shrui %bitcast_convert_type3A, %shift_right_logical3A_10 : vector<10000x32xi32>
    %and3A = arith.constant 1 : i32
    %and3A_12 = vector.broadcast %and3A : i32 to vector<10000x32xi32>
    %and3A_13 = arith.andi %shift_right_logical3A_11, %and3A_12 : vector<10000x32xi32>
    %add3A_14 = arith.addi %add3A_9, %and3A_13 : vector<10000x32xi32>
    %shift_right_logical3A_15 = arith.constant 16 : i32
    %shift_right_logical3A_16 = vector.broadcast %shift_right_logical3A_15 : i32 to vector<10000x32xi32>
    %shift_right_logical3A_17 = arith.shrui %add3A_14, %shift_right_logical3A_16 : vector<10000x32xi32>
    %add3A_18 = arith.constant 32767 : i32
    %add3A_19 = vector.broadcast %add3A_18 : i32 to vector<10000x32xi32>
    %add3A_20 = arith.addi %bitcast_convert_type3A_7, %add3A_19 : vector<10000x32xi32>
    %shift_right_logical3A_21 = arith.constant 16 : i32
    %shift_right_logical3A_22 = vector.broadcast %shift_right_logical3A_21 : i32 to vector<10000x32xi32>
    %shift_right_logical3A_23 = arith.shrui %bitcast_convert_type3A_7, %shift_right_logical3A_22 : vector<10000x32xi32>
    %and3A_24 = arith.constant 1 : i32
    %and3A_25 = vector.broadcast %and3A_24 : i32 to vector<10000x32xi32>
    %and3A_26 = arith.andi %shift_right_logical3A_23, %and3A_25 : vector<10000x32xi32>
    %add3A_27 = arith.addi %add3A_20, %and3A_26 : vector<10000x32xi32>
    %shift_right_logical3A_28 = arith.constant 16 : i32
    %shift_right_logical3A_29 = vector.broadcast %shift_right_logical3A_28 : i32 to vector<10000x32xi32>
    %shift_right_logical3A_30 = arith.shrui %add3A_27, %shift_right_logical3A_29 : vector<10000x32xi32>
    %shift_left3A = arith.constant 16 : i32
    %shift_left3A_31 = vector.broadcast %shift_left3A : i32 to vector<10000x32xi32>
    %shift_left3A_32 = arith.shli %shift_right_logical3A_30, %shift_left3A_31 : vector<10000x32xi32>
    %or3A = arith.ori %shift_right_logical3A_17, %shift_left3A_32 : vector<10000x32xi32>
    %bitcast_convert_type3A_33 = tpu.bitcast %or3A : vector<10000x32xi32> -> vector<10000x32xi32>
    %swap3A = arith.constant 0 : index
    %swap3A_34 = arith.constant 0 : index
    %swap3A_35 = vector.load %arg2[%swap3A, %swap3A_34] : memref<10000x32xi32, #tpu.memory_space<vmem>>, vector<10000x32xi32>
    tpu.vector_store %arg2[%swap3A, %swap3A_34], %bitcast_convert_type3A_33 {strides = array<i32>} : memref<10000x32xi32, #tpu.memory_space<vmem>>, vector<10000x32xi32>,
    return
  }
}

module attributes {stable_mosaic.version = 14 : i64} {
  func.func @_k3(%arg0: memref<2x10240x80xf32, #tpu.memory_space<vmem>>, %arg1: memref<10000x128xf32, #tpu.memory_space<vmem>>, %arg2: memref<128x64xf32, #tpu.memory_space<vmem>>, %arg3: memref<64xf32, #tpu.memory_space<vmem>>, %arg4: memref<64x32xf32, #tpu.memory_space<vmem>>, %arg5: memref<10000x64xf32, #tpu.memory_space<vmem>>, %arg6: memref<10000x16xi32, #tpu.memory_space<vmem>>) attributes {dimension_semantics = [], scalar_prefetch = 0 : i64, scratch_operands = 0 : i64, tpu.core_type = #tpu.core_type<tc>} {
    %get3A = arith.constant 0 : index
    %get3A_0 = arith.constant 0 : index
    %get3A_1 = arith.constant 0 : index
    %get3A_2 = vector.load %arg0[%get3A, %get3A_0, %get3A_1] : memref<2x10240x80xf32, #tpu.memory_space<vmem>>, vector<1x10000x64xf32>
    %get3A_3 = vector.shape_cast %get3A_2 : vector<1x10000x64xf32> to vector<10000x64xf32>
    %get3A_4 = arith.constant 1 : index
    %get3A_5 = arith.constant 0 : index
    %get3A_6 = arith.constant 0 : index
    %get3A_7 = vector.load %arg0[%get3A_4, %get3A_5, %get3A_6] : memref<2x10240x80xf32, #tpu.memory_space<vmem>>, vector<1x10000x64xf32>
    %get3A_8 = vector.shape_cast %get3A_7 : vector<1x10000x64xf32> to vector<10000x64xf32>
    %add3A = arith.addf %get3A_3, %get3A_8 : vector<10000x64xf32>
    %get3A_9 = arith.constant 0 : index
    %get3A_10 = arith.constant 0 : index
    %get3A_11 = arith.constant 64 : index
    %get3A_12 = vector.load %arg0[%get3A_9, %get3A_10, %get3A_11] : memref<2x10240x80xf32, #tpu.memory_space<vmem>>, vector<1x10000x1xf32>
    %get3A_13 = vector.shape_cast %get3A_12 : vector<1x10000x1xf32> to vector<10000x1xf32>
    %get3A_14 = arith.constant 1 : index
    %get3A_15 = arith.constant 0 : index
    %get3A_16 = arith.constant 64 : index
    %get3A_17 = vector.load %arg0[%get3A_14, %get3A_15, %get3A_16] : memref<2x10240x80xf32, #tpu.memory_space<vmem>>, vector<1x10000x1xf32>
    %get3A_18 = vector.shape_cast %get3A_17 : vector<1x10000x1xf32> to vector<10000x1xf32>
    %add3A_19 = arith.addf %get3A_13, %get3A_18 : vector<10000x1xf32>
    %max3A = arith.constant 1.000000e+00 : f32
    %max3A_20 = vector.broadcast %max3A : f32 to vector<10000x1xf32>
    %max3A_21 = arith.maximumf %add3A_19, %max3A_20 : vector<10000x1xf32>
    %div3A = arith.constant 1.000000e+00 : f32
    %div3A_22 = vector.broadcast %div3A : f32 to vector<10000x1xf32>
    %div3A_23 = arith.divf %div3A_22, %max3A_21 : vector<10000x1xf32>
    %get3A_24 = arith.constant 0 : index
    %get3A_25 = arith.constant 0 : index
    %get3A_26 = vector.load %arg1[%get3A_24, %get3A_25] : memref<10000x128xf32, #tpu.memory_space<vmem>>, vector<10000x128xf32>
    %get3A_27 = arith.constant 0 : index
    %get3A_28 = arith.constant 0 : index
    %get3A_29 = vector.load %arg2[%get3A_27, %get3A_28] : memref<128x64xf32, #tpu.memory_space<vmem>>, vector<128x64xf32>
    %dot_general3A = arith.constant dense<0.000000e+00> : vector<10000x64xf32>
    %dot_general3A_30 = tpu.matmul %get3A_26, %get3A_29, %dot_general3A {dimension_numbers = #tpu.dot_dimension_numbers<[1], [0], [0], [1], [0, 0, 1, 1], [], []>, transpose_lhs_hint = false} : vector<10000x128xf32>, vector<128x64xf32>, vector<10000x64xf32> -> vector<10000x64xf32>
    %mul3A = vector.broadcast %div3A_23 : vector<10000x1xf32> to vector<10000x64xf32>
    %mul3A_31 = arith.mulf %add3A, %mul3A : vector<10000x64xf32>
    %get3A_32 = arith.constant 0 : index
    %get3A_33 = vector.load %arg3[%get3A_32] : memref<64xf32, #tpu.memory_space<vmem>>, vector<64xf32>
    %broadcast_in_dim3A = vector.shape_cast %get3A_33 : vector<64xf32> to vector<1x64xf32>
    %add3A_34 = vector.broadcast %broadcast_in_dim3A : vector<1x64xf32> to vector<10000x64xf32>
    %add3A_35 = arith.addf %mul3A_31, %add3A_34 : vector<10000x64xf32>
    %add3A_36 = arith.addf %add3A_35, %dot_general3A_30 : vector<10000x64xf32>
    %max3A_37 = arith.constant 0.000000e+00 : f32
    %max3A_38 = vector.broadcast %max3A_37 : f32 to vector<10000x64xf32>
    %max3A_39 = arith.maximumf %add3A_36, %max3A_38 : vector<10000x64xf32>
    %swap3A = arith.constant 0 : index
    %swap3A_40 = arith.constant 0 : index
    %swap3A_41 = vector.load %arg5[%swap3A, %swap3A_40] : memref<10000x64xf32, #tpu.memory_space<vmem>>, vector<10000x64xf32>
    tpu.vector_store %arg5[%swap3A, %swap3A_40], %max3A_39 {strides = array<i32>} : memref<10000x64xf32, #tpu.memory_space<vmem>>, vector<10000x64xf32>,
    %get3A_42 = arith.constant 0 : index
    %get3A_43 = arith.constant 0 : index
    %get3A_44 = vector.load %arg4[%get3A_42, %get3A_43] : memref<64x32xf32, #tpu.memory_space<vmem>>, vector<64x32xf32>
    %dot_general3A_45 = arith.constant dense<0.000000e+00> : vector<10000x32xf32>
    %dot_general3A_46 = tpu.matmul %max3A_39, %get3A_44, %dot_general3A_45 {dimension_numbers = #tpu.dot_dimension_numbers<[1], [0], [0], [1], [0, 0, 1, 1], [], []>, transpose_lhs_hint = false} : vector<10000x64xf32>, vector<64x32xf32>, vector<10000x32xf32> -> vector<10000x32xf32>
    %slice3A = vector.extract_strided_slice %dot_general3A_46 {offsets = [0, 0], sizes = [10000, 16], strides = [1, 1]} : vector<10000x32xf32> to vector<10000x16xf32>
    %bitcast_convert_type3A = tpu.bitcast %slice3A : vector<10000x16xf32> -> vector<10000x16xi32>
    %slice3A_47 = vector.extract_strided_slice %dot_general3A_46 {offsets = [0, 16], sizes = [10000, 16], strides = [1, 1]} : vector<10000x32xf32> to vector<10000x16xf32>
    %bitcast_convert_type3A_48 = tpu.bitcast %slice3A_47 : vector<10000x16xf32> -> vector<10000x16xi32>
    %add3A_49 = arith.constant 32767 : i32
    %add3A_50 = vector.broadcast %add3A_49 : i32 to vector<10000x16xi32>
    %add3A_51 = arith.addi %bitcast_convert_type3A, %add3A_50 : vector<10000x16xi32>
    %shift_right_logical3A = arith.constant 16 : i32
    %shift_right_logical3A_52 = vector.broadcast %shift_right_logical3A : i32 to vector<10000x16xi32>
    %shift_right_logical3A_53 = arith.shrui %bitcast_convert_type3A, %shift_right_logical3A_52 : vector<10000x16xi32>
    %and3A = arith.constant 1 : i32
    %and3A_54 = vector.broadcast %and3A : i32 to vector<10000x16xi32>
    %and3A_55 = arith.andi %shift_right_logical3A_53, %and3A_54 : vector<10000x16xi32>
    %add3A_56 = arith.addi %add3A_51, %and3A_55 : vector<10000x16xi32>
    %shift_right_logical3A_57 = arith.constant 16 : i32
    %shift_right_logical3A_58 = vector.broadcast %shift_right_logical3A_57 : i32 to vector<10000x16xi32>
    %shift_right_logical3A_59 = arith.shrui %add3A_56, %shift_right_logical3A_58 : vector<10000x16xi32>
    %add3A_60 = arith.constant 32767 : i32
    %add3A_61 = vector.broadcast %add3A_60 : i32 to vector<10000x16xi32>
    %add3A_62 = arith.addi %bitcast_convert_type3A_48, %add3A_61 : vector<10000x16xi32>
    %shift_right_logical3A_63 = arith.constant 16 : i32
    %shift_right_logical3A_64 = vector.broadcast %shift_right_logical3A_63 : i32 to vector<10000x16xi32>
    %shift_right_logical3A_65 = arith.shrui %bitcast_convert_type3A_48, %shift_right_logical3A_64 : vector<10000x16xi32>
    %and3A_66 = arith.constant 1 : i32
    %and3A_67 = vector.broadcast %and3A_66 : i32 to vector<10000x16xi32>
    %and3A_68 = arith.andi %shift_right_logical3A_65, %and3A_67 : vector<10000x16xi32>
    %add3A_69 = arith.addi %add3A_62, %and3A_68 : vector<10000x16xi32>
    %shift_right_logical3A_70 = arith.constant 16 : i32
    %shift_right_logical3A_71 = vector.broadcast %shift_right_logical3A_70 : i32 to vector<10000x16xi32>
    %shift_right_logical3A_72 = arith.shrui %add3A_69, %shift_right_logical3A_71 : vector<10000x16xi32>
    %shift_left3A = arith.constant 16 : i32
    %shift_left3A_73 = vector.broadcast %shift_left3A : i32 to vector<10000x16xi32>
    %shift_left3A_74 = arith.shli %shift_right_logical3A_72, %shift_left3A_73 : vector<10000x16xi32>
    %or3A = arith.ori %shift_right_logical3A_59, %shift_left3A_74 : vector<10000x16xi32>
    %bitcast_convert_type3A_75 = tpu.bitcast %or3A : vector<10000x16xi32> -> vector<10000x16xi32>
    %swap3A_76 = arith.constant 0 : index
    %swap3A_77 = arith.constant 0 : index
    %swap3A_78 = vector.load %arg6[%swap3A_76, %swap3A_77] : memref<10000x16xi32, #tpu.memory_space<vmem>>, vector<10000x16xi32>
    tpu.vector_store %arg6[%swap3A_76, %swap3A_77], %bitcast_convert_type3A_75 {strides = array<i32>} : memref<10000x16xi32, #tpu.memory_space<vmem>>, vector<10000x16xi32>,
    return
  }
}

module attributes {stable_mosaic.version = 14 : i64} {
  func.func @_k5(%arg0: memref<2x10240x32xf32, #tpu.memory_space<vmem>>, %arg1: memref<2x10240x80xf32, #tpu.memory_space<vmem>>, %arg2: memref<10000x64xf32, #tpu.memory_space<vmem>>, %arg3: memref<64x32xf32, #tpu.memory_space<vmem>>, %arg4: memref<32xf32, #tpu.memory_space<vmem>>, %arg5: memref<32x1xf32, #tpu.memory_space<vmem>>, %arg6: memref<1xf32, #tpu.memory_space<vmem>>, %arg7: memref<10000x1xf32, #tpu.memory_space<vmem>>) attributes {dimension_semantics = [], scalar_prefetch = 0 : i64, scratch_operands = 0 : i64, tpu.core_type = #tpu.core_type<tc>} {
    %get3A = arith.constant 0 : index
    %get3A_0 = arith.constant 0 : index
    %get3A_1 = arith.constant 0 : index
    %get3A_2 = vector.load %arg0[%get3A, %get3A_0, %get3A_1] : memref<2x10240x32xf32, #tpu.memory_space<vmem>>, vector<1x10000x32xf32>
    %get3A_3 = vector.shape_cast %get3A_2 : vector<1x10000x32xf32> to vector<10000x32xf32>
    %get3A_4 = arith.constant 1 : index
    %get3A_5 = arith.constant 0 : index
    %get3A_6 = arith.constant 0 : index
    %get3A_7 = vector.load %arg0[%get3A_4, %get3A_5, %get3A_6] : memref<2x10240x32xf32, #tpu.memory_space<vmem>>, vector<1x10000x32xf32>
    %get3A_8 = vector.shape_cast %get3A_7 : vector<1x10000x32xf32> to vector<10000x32xf32>
    %add3A = arith.addf %get3A_3, %get3A_8 : vector<10000x32xf32>
    %get3A_9 = arith.constant 0 : index
    %get3A_10 = arith.constant 0 : index
    %get3A_11 = arith.constant 64 : index
    %get3A_12 = vector.load %arg1[%get3A_9, %get3A_10, %get3A_11] : memref<2x10240x80xf32, #tpu.memory_space<vmem>>, vector<1x10000x1xf32>
    %get3A_13 = vector.shape_cast %get3A_12 : vector<1x10000x1xf32> to vector<10000x1xf32>
    %get3A_14 = arith.constant 1 : index
    %get3A_15 = arith.constant 0 : index
    %get3A_16 = arith.constant 64 : index
    %get3A_17 = vector.load %arg1[%get3A_14, %get3A_15, %get3A_16] : memref<2x10240x80xf32, #tpu.memory_space<vmem>>, vector<1x10000x1xf32>
    %get3A_18 = vector.shape_cast %get3A_17 : vector<1x10000x1xf32> to vector<10000x1xf32>
    %add3A_19 = arith.addf %get3A_13, %get3A_18 : vector<10000x1xf32>
    %max3A = arith.constant 1.000000e+00 : f32
    %max3A_20 = vector.broadcast %max3A : f32 to vector<10000x1xf32>
    %max3A_21 = arith.maximumf %add3A_19, %max3A_20 : vector<10000x1xf32>
    %div3A = arith.constant 1.000000e+00 : f32
    %div3A_22 = vector.broadcast %div3A : f32 to vector<10000x1xf32>
    %div3A_23 = arith.divf %div3A_22, %max3A_21 : vector<10000x1xf32>
    %get3A_24 = arith.constant 0 : index
    %get3A_25 = arith.constant 0 : index
    %get3A_26 = vector.load %arg2[%get3A_24, %get3A_25] : memref<10000x64xf32, #tpu.memory_space<vmem>>, vector<10000x64xf32>
    %get3A_27 = arith.constant 0 : index
    %get3A_28 = arith.constant 0 : index
    %get3A_29 = vector.load %arg3[%get3A_27, %get3A_28] : memref<64x32xf32, #tpu.memory_space<vmem>>, vector<64x32xf32>
    %dot_general3A = arith.constant dense<0.000000e+00> : vector<10000x32xf32>
    %dot_general3A_30 = tpu.matmul %get3A_26, %get3A_29, %dot_general3A {dimension_numbers = #tpu.dot_dimension_numbers<[1], [0], [0], [1], [0, 0, 1, 1], [], []>, transpose_lhs_hint = false} : vector<10000x64xf32>, vector<64x32xf32>, vector<10000x32xf32> -> vector<10000x32xf32>
    %mul3A = vector.broadcast %div3A_23 : vector<10000x1xf32> to vector<10000x32xf32>
    %mul3A_31 = arith.mulf %add3A, %mul3A : vector<10000x32xf32>
    %get3A_32 = arith.constant 0 : index
    %get3A_33 = vector.load %arg4[%get3A_32] : memref<32xf32, #tpu.memory_space<vmem>>, vector<32xf32>
    %broadcast_in_dim3A = vector.shape_cast %get3A_33 : vector<32xf32> to vector<1x32xf32>
    %add3A_34 = vector.broadcast %broadcast_in_dim3A : vector<1x32xf32> to vector<10000x32xf32>
    %add3A_35 = arith.addf %mul3A_31, %add3A_34 : vector<10000x32xf32>
    %add3A_36 = arith.addf %add3A_35, %dot_general3A_30 : vector<10000x32xf32>
    %max3A_37 = arith.constant 0.000000e+00 : f32
    %max3A_38 = vector.broadcast %max3A_37 : f32 to vector<10000x32xf32>
    %max3A_39 = arith.maximumf %add3A_36, %max3A_38 : vector<10000x32xf32>
    %get3A_40 = arith.constant 0 : index
    %get3A_41 = arith.constant 0 : index
    %get3A_42 = vector.load %arg5[%get3A_40, %get3A_41] : memref<32x1xf32, #tpu.memory_space<vmem>>, vector<32x1xf32>
    %dot_general3A_43 = arith.constant dense<0.000000e+00> : vector<10000x1xf32>
    %dot_general3A_44 = tpu.matmul %max3A_39, %get3A_42, %dot_general3A_43 {dimension_numbers = #tpu.dot_dimension_numbers<[1], [0], [0], [1], [0, 0, 1, 1], [], []>, transpose_lhs_hint = false} : vector<10000x32xf32>, vector<32x1xf32>, vector<10000x1xf32> -> vector<10000x1xf32>
    %get3A_45 = arith.constant 0 : index
    %get3A_46 = vector.load %arg6[%get3A_45] : memref<1xf32, #tpu.memory_space<vmem>>, vector<1xf32>
    %get3A_47 = vector.extract %get3A_46[0] : f32 from vector<1xf32>
    %add3A_48 = vector.broadcast %get3A_47 : f32 to vector<10000x1xf32>
    %add3A_49 = arith.addf %dot_general3A_44, %add3A_48 : vector<10000x1xf32>
    %swap3A = arith.constant 0 : index
    %swap3A_50 = arith.constant 0 : index
    %swap3A_51 = vector.load %arg7[%swap3A, %swap3A_50] : memref<10000x1xf32, #tpu.memory_space<vmem>>, vector<10000x1xf32>
    tpu.vector_store %arg7[%swap3A, %swap3A_50], %add3A_49 {strides = array<i32>} : memref<10000x1xf32, #tpu.memory_space<vmem>>, vector<10000x1xf32>,
    return
  }
}

</mosaic_0001>

<sc_bundles>
// kernel: kernel.10.cloned.1.call-start
scs
__scs_entry_jumppad:
0x0: {  	(pc) =	sbr.rel $0x88, $3  }
0x1: {  	(tag) =	ssettag $0x0;
	lr =	simm.s32 $0x1  }
0x2: {  	[smem:$0x3F97] =	sst lr;
	_ =	strace $0xD0000000  }
0x3: {  	_ = 	snop  }
0x4: {  	_ = 	snop  }
0x5: {  	_ = 	snop  }
0x6: {  	_ = 	snop  }
0x7: {  	_ = 	snop  }
__scs_overlays_trampoline_lowered:
0x8: {  	[smem:$0x3FA6] =	sst s0  }
0x9: {  	[smem:$0x3FA7] =	sst s1  }
0xa: {  	[smem:$0x3FA8] =	sst s2  }
0xb: {  	[smem:$0x3FA9] =	sst s3  }
0xc: {  	[smem:$0x3FAA] =	sst s4  }
0xd: {  	[smem:$0x3FAB] =	sst s5  }
0xe: {  	[smem:$0x3FAC] =	sst s6  }
0xf: {  	[smem:$0x3FAD] =	sst s7  }
0x10: {  	[smem:$0x3FAE] =	sst s8  }
0x11: {  	[smem:$0x3FAF] =	sst s9;
	s0 =	simm.s32 @!p0 $0x0  }
0x12: {  	s1 =	sld [smem:$0x3F95];
	s0 =	simm.s32 @p0 $0x1  }
0x13: {  	[smem:$0x3FB0] =	sst s0;
	s0 =	simm.s32 @!p1 $0x0  }
0x14: {  	s2 =	sld [smem:$0x3F94];
	s0 =	simm.s32 @p1 $0x1  }
0x15: {  	[smem:$0x3FB1] =	sst s0;
	s0 =	simm.s32 @!p2 $0x0  }
0x16: {  	s3 =	sld [smem:$0x3FDB];
	s0 =	simm.s32 @p2 $0x1  }
0x17: {  	s4 =	simm.s32 $0x1BF5;
	[smem:$0x3FB3] =	sst s0  }
0x18: {  	s0 =	sld [smem:$0x3F96];
	_ =	swait.ge [sflag:s4], $0x0  }
0x19: {  	s7 =	sld [smem:$0x3F97]  }
0x1a: {  	s8 =	sadd.s32 $0xFFFFE003, lr  }
0x1b: {  	s9 =	sadd.s32 $0xFFFFFEF7, lr;
	s5 =	simm.s32 $0xFFFFFFFF;
	p2 =	slt.u32 s8, $0xFFFFF086  }
0x1c: {  	p1 =	slt.u32 s9, $0xF7A;
	s5 =	simm.s32 @!p2 $0x0  }
0x1d: {  	s5 =	simm.s32 @p1 $0x1;
	p0 =	seq.s32 s7, s2  }
0x1e: {  	s7 =	smul.u32 @!p0 $0xF7A, s2;
	p2 =	seq.s32 @!p0 s5, $0x0  }
0x1f: {  	s9 =	smul.u32 $0xF7A, s1;
	s8 =	simm.s32 @!p0 $0x1BF5;
	p2 =	por !p2, p0  }
0x20: {  	[sflag:s8] =	ssyncset.s32 @!p0 $0xFFFFF086;
	s6 =	sadd.s32 @!p0 s3, s7;
	s7 =	simm.s32 @!p0 $0x108  }
0x21: {  	s3 =	sadd.s32 s3, s9;
	s6 =	sadd.s32 @!p0 $0x88, s6;
	s7 =	simm.s32 @p2 $0x1082  }
0x22: {  	[simem:s7], [sflag:s8] =	dma.local @!p0 [hbm:s6], $0xF7A  }
0x23: {  	s9 =	sor.u32 $0xD0000000, s2;
	s6 =	simm.s32 $0x108;
	_ =	swait.ge @!p0 [sflag:s8], $0x0  }
0x24: {  	s3 =	sadd.s32 $0x88, s3;
	s6 =	simm.s32 @!p1 $0x1082;
	[sflag:s4] =	ssyncset.s32 $0xFFFFF086  }
0x25: {  	[simem:s6], [sflag:s4] =	dma.local [hbm:s3], $0xF7A  }
0x26: {  	[smem:$0x3F97] =	sst s1;
	(tag) =	ssettag s2;
	_ =	strace s9  }
0x27: {  	s1 =	sld [smem:$0x3FA7]  }
0x28: {  	s2 =	sld [smem:$0x3FA8]  }
0x29: {  	s4 =	sld [smem:$0x3FAA]  }
0x2a: {  	p0 =	seq.s32 s5, $0x0;
	s5 =	sld [smem:$0x3FAB]  }
0x2b: {  	s6 =	sld [smem:$0x3FAC]  }
0x2c: {  	s7 =	sld [smem:$0x3FAD]  }
0x2d: {  	s3 =	simm.s32 $0x108;
	s8 =	sld [smem:$0x3FAE]  }
0x2e: {  	s3 =	simm.s32 @!p0 $0x1082;
	s9 =	sld [smem:$0x3FAF]  }
0x2f: {  	lr =	sadd.s32 s0, s3;
	s0 =	sld [smem:$0x3FA6]  }
0x30: {  	s3 =	sld [smem:$0x3FA9]  }
0x31: {  	[smem:$0x3FB2] =	sst s10  }
0x32: {  	s10 =	sld [smem:$0x3FB0];
	_ =	sdelay $0x3  }
0x33: {  	p0 =	seq.s32 s10, $0x1;
	s10 =	sld [smem:$0x3FB2];
	_ =	sdelay $0x3  }
0x34: {  	[smem:$0x3FB2] =	sst s10  }
0x35: {  	s10 =	sld [smem:$0x3FB1];
	_ =	sdelay $0x3  }
0x36: {  	p1 =	seq.s32 s10, $0x1;
	s10 =	sld [smem:$0x3FB2];
	_ =	sdelay $0x3  }
0x37: {  	[smem:$0x3FB2] =	sst s10  }
0x38: {  	s10 =	sld [smem:$0x3FB3]  }
0x39: {  	_ = 	snop;
	(pc) =	sbr.ind lr, $3  }
0x3a: {  	_ = 	snop  }
0x3b: {  	_ = 	snop  }
0x3c: {  	p2 =	seq.s32 s10, $0x1;
	s10 =	sld [smem:$0x3FB2]  }
0x3d: {  	_ =	shalt  }
0x3e: {  	_ =	shalt  }
0x3f: {  	_ =	shalt  }
0x40: {  	_ =	shalt  }
0x41: {  	_ =	shalt  }
0x42: {  	_ =	shalt  }
0x43: {  	_ =	shalt  }
0x44: {  	_ =	shalt  }
0x45: {  	_ =	shalt  }
0x46: {  	_ =	shalt  }
0x47: {  	_ =	shalt  }
0x48: {  	_ =	shalt  }
0x49: {  	_ =	shalt  }
0x4a: {  	_ =	shalt  }
0x4b: {  	_ =	shalt  }
0x4c: {  	_ =	shalt  }
0x4d: {  	_ =	shalt  }
0x4e: {  	_ =	shalt  }
0x4f: {  	_ =	shalt  }
0x50: {  	_ =	shalt  }
0x51: {  	_ =	shalt  }
0x52: {  	_ =	shalt  }
0x53: {  	_ =	shalt  }
0x54: {  	_ =	shalt  }
0x55: {  	_ =	shalt  }
0x56: {  	_ =	shalt  }
0x57: {  	_ =	shalt  }
0x58: {  	_ =	shalt  }
0x59: {  	_ =	shalt  }
0x5a: {  	_ =	shalt  }
0x5b: {  	_ =	shalt  }
0x5c: {  	_ =	shalt  }
0x5d: {  	_ =	shalt  }
0x5e: {  	_ =	shalt  }
0x5f: {  	_ =	shalt  }
0x60: {  	_ =	shalt  }
0x61: {  	_ =	shalt  }
0x62: {  	_ =	shalt  }
0x63: {  	_ =	shalt  }
0x64: {  	_ =	shalt  }
0x65: {  	_ =	shalt  }
0x66: {  	_ =	shalt  }
0x67: {  	_ =	shalt  }
0x68: {  	_ =	shalt  }
0x69: {  	_ =	shalt  }
0x6a: {  	_ =	shalt  }
0x6b: {  	_ =	shalt  }
0x6c: {  	_ =	shalt  }
0x6d: {  	_ =	shalt  }
0x6e: {  	_ =	shalt  }
0x6f: {  	_ =	shalt  }
0x70: {  	_ =	shalt  }
0x71: {  	_ =	shalt  }
0x72: {  	_ =	shalt  }
0x73: {  	_ =	shalt  }
0x74: {  	_ =	shalt  }
0x75: {  	_ =	shalt  }
0x76: {  	_ =	shalt  }
0x77: {  	_ =	shalt  }
0x78: {  	_ =	shalt  }
0x79: {  	_ =	shalt  }
0x7a: {  	_ =	shalt  }
0x7b: {  	_ =	shalt  }
0x7c: {  	_ =	shalt  }
0x7d: {  	_ =	shalt  }
0x7e: {  	_ =	shalt  }
0x7f: {  	_ =	shalt  }
0x80: {  	_ =	shalt  }
0x81: {  	_ =	shalt  }
0x82: {  	_ =	shalt  }
0x83: {  	_ =	shalt  }
0x84: {  	_ =	shalt  }
0x85: {  	_ =	shalt  }
0x86: {  	_ =	shalt  }
0x87: {  	_ =	shalt  }
.Lfunc_end0:
.L_simem_size_0:
called_computation.1_lowered:
.L_overlay_start_0:
0x88: {  	s2 =	sld [smem:$0x3FD9]  }
0x89: {  	s3 =	sld [smem:$0x3FFE];
	_ =	sdelay $0x1  }
0x8a: {  	s1 =	srdreg.scid  }
0x8b: {  	s0 =	sand.u32 $0x1, s1  }
0x8c: {  	s16 =	sshll.u32 s0, $0xA;
	s2 =	sadd.s32 s3, s2  }
0x8d: {  	s2 =	sadd.s32 s2, s16  }
0x8e: {  	[smem:$0x3FBE] =	sst s2  }
0x8f: {  	_ = 	snop  }
0x90: {  	(tm) =	ssettm $0x1  }
0x91: {  	s17 =	sld [smem:$0x3FFB];
	_ =	sdelay $0x3  }
0x92: {  	_ =	strace s17  }
0x93: {  	s2 =	sld [smem:$0x3FFC];
	_ =	sdelay $0x3  }
0x94: {  	_ =	strace s2  }
0x95: {  	s2 =	sld [smem:$0x3FFD];
	_ =	sdelay $0x3  }
0x96: {  	_ =	strace s2  }
0x97: {  	_ =	strace $0x8FFFFFFF  }
0x98: {  	s18 =	sld [smem:$0x3FDB];
	_ =	sdelay $0x1  }
0x99: {  	s19 =	simm.s32 $_scs_section_size  }
0x9a: {  	s4 =	simm.s32 $_size__tile_overlayer_lowered;
	s5 =	simm.s32 $_tile_overlayer_lowered  }
0x9b: {  	s22 =	simm.s32 $0x1BFF;
	s21 =	sshll.u32 s5, $0x1;
	s2 =	sadd.s32 s19, s18  }
0x9c: {  	s6 =	simm.s32 $0x0;
	s20 =	sshll.u32 s4, $0x1;
	s4 =	sadd.s32 s21, s2  }
0x9d: {  	[timem:s6], [sflag:s22] =	dma.local [hbm:s4], s20  }
0x9e: {  	_ =	swait.ge [sflag:s22], s20  }
0x9f: {  	s3 =	ssub.s32 $0x0, s20;
	[sflag:s22] =	ssyncset.done $0x0  }
0xa0: {  	[sflag:s22] =	ssyncadd.s32 s3;
	_ =	sdelay $0x1  }
0xa1: {  	s23 =	simm.s32 $0x1B8B  }
0xa2: {  	_ =	swait.ge [sflag:s23], $0x1  }
0xa3: {  	[sflag:s23] =	ssyncset.done $0x0  }
0xa4: {  	s25 =	simm.s32 $0x1B8E;
	s24 =	sld [smem:$0x3FFE];
	[sflag:s23] =	ssyncadd.s32 $0xFFFFFFFF  }
0xa5: {  	s26 =	simm.s32 $execute0_lowered;
	[smem:$0x3FD2] =	sst s25  }
0xa6: {  	s4 =	sshll.u32 s26, $0x1;
	_ =	strace $0x80000049;
	[dreg:$0x1] =	wrdreg $0xFFFFFFFF  }
0xa7: {  	s28 =	simm.s32 $_size_execute0_lowered;
	s2 =	sadd.s32 s2, s4;
	[dreg:$0x0] =	wrdreg $0x0  }
0xa8: {  	s4 =	sshll.u32 s28, $0x1;
	[dreg:$0x2] =	wrdreg s2  }
0xa9: {  	[dreg:$0x3] =	wrdreg s4  }
0xaa: {  	[dreg:$0x4] =	wrdreg $0xC0  }
0xab: {  	_ =	task [dreg:s6], $0x5FFFF  }
0xac: {  	[dreg:$0x1] =	wrdreg $0xFFFFFFFF  }
0xad: {  	[dreg:$0x0] =	wrdreg $0x60  }
0xae: {  	[dreg:$0x2] =	wrdreg s24  }
0xaf: {  	[dreg:$0x3] =	wrdreg $0x82000  }
0xb0: {  	[dreg:$0x4] =	wrdreg $0x9  }
0xb1: {  	_ =	task.clear_ibuf [dreg:s6], $0x5FFFF;
	_ =	strace $0x90000049  }
0xb2: {  	s29 =	simm.s32 $0x9;
	_ =	strace $0x8000004B  }
0xb3: {  	_ =	swait.ge [sflag:s29], $0x1  }
0xb4: {  	[sflag:s29] =	ssyncadd.s32 $0xFFFFFFFF  }
0xb5: {  	_ =	strace $0x9000004B  }
0xb6: {  	_ =	sfence  }
0xb7: {  	s30 =	sld [smem:$0x0];
	_ =	sdelay $0x2  }
0xb8: {  	s31 =	sshll.u32 s1, $0xD;
	s1 =	sshrl.u32 s1, $0x2  }
0xb9: {  	s3 =	sand.u32 $0x4000, s31;
	s1 =	sadd.s32 s1, s30  }
0xba: {  	s0 =	sor.u32 s3, s0;
	s1 =	sshll.u32 s1, $0x11  }
0xbb: {  	s0 =	sor.u32 s1, s0  }
0xbc: {  	s0 =	sadd.s32 $0x8F2B, s0  }
0xbd: {  	[sflag:s0] =	ssyncadd.remote.s32 $0x1  }
0xbe: {  	_ =	sfence.sel $0xFFFF  }
0xbf: {  	[dreg:$0x0] =	wrdreg $0xFFFFFFFF;
	(pc) =	sbr.abs _section_cstart, $3  }
0xc0: {  	[dreg:$0x1] =	wrdreg $0xFFFFFFFF  }
0xc1: {  	_ =	task.clear_ibuf [dreg:s6], $0x2FFFF;
	_ =	strace $0x9FFFFFFF  }
0xc2: {  	(tm) =	ssettm $0x7FFFFFFF  }
0xc3: {  	_ =	shalt  }
tec
execute0_lowered:
.L_overlay_start_1:
0x0: {  	(tag) =	ssettag $0x1  }
0x1: {  	s0 =	rddreg [dreg:$0x0]  }
0x2: {  	s1 =	rddreg [dreg:$0x1];
	s2 =	simm.s32 $0x0  }
0x3: {  	s3 =	srdreg.scid;
	s11 =	stileid.u32;
	s5 =	simm.s32 $0x4B  }
0x4: {  	s28 =	simm.s32 $0x80;
	s31 =	simm.s32 $0x1;
	s29 =	simm.s32 $0x7200  }
0x5: {  	s30 =	simm.s32 $0x4;
	[smem:$0x7FF] =	sst s2;
	s4 =	sadd.s32 $0x15200, s0  }
0x6: {  	s6 =	sadd.s32 $0x1800, s0;
	s3 =	sand.u32 $0x1, s3;
	s9 =	smul.u32 $0x2900, s11  }
0x7: {  	s7 =	sadd.s32 $0x1A200, s0;
	p0 =	sne.s32 s11, $0xF;
	s26 =	smul.u32 $0x2580, s11  }
0x8: {  	p2 =	seq.s32 s11, $0xF;
	s11 =	smul.u32 $0x5000, s11;
	s15 =	sadd.s32 $0xB050, s0  }
0x9: {  	s0 =	sadd.s32 $0x14C90, s0;
	_ =	strace $0x8000004A;
	s8 =	ssub.s32 $0x2, s3  }
0xa: {  	p1 =	seq.s32 s3, $0x0;
	s5 =	simm.s32 @!p0 $0x3F;
	[dreg:$0x5] =	wrdreg s15  }
0xb: {  	p6 =	seq.s32 s3, $0x1;
	[dreg:$0x6] =	wrdreg s0;
	s21 =	smul.u32 $0x50000, s3  }
0xc: {  	s10 =	sshrl.u32 s8, $0x1;
	s5 =	simm.s32 @p1 $0x52;
	s9 =	sshrl.u32 s9, $0x3  }
0xd: {  	p0 =	por !p0, !p6;
	p1 =	por !p2, !p6;
	s12 =	sadd.s32 s11, s1  }
0xe: {  	s18 =	sadd.s32 $0x1000, s11;
	s19 =	sadd.s32 $0x2000, s11;
	s20 =	sadd.s32 $0x3000, s11  }
0xf: {  	s8 =	ssub.s32 s8, s10;
	s25 =	sadd.s32 s6, s9;
	p0 =	por !p0, !p0  }
0x10: {  	s9 =	sshrl.u32 s26, $0x3;
	p2 =	por !p1, !p1;
	s13 =	sadd.s32 s18, s1  }
0x11: {  	s14 =	sadd.s32 s19, s1;
	s15 =	sadd.s32 s20, s1;
	s0 =	sadd.s32 s21, s18  }
0x12: {  	p1 =	sne.s32 s3, $0x0;
	s26 =	sshll.u32 s5, $0x7;
	[dreg:$0x3] =	wrdreg s25  }
0x13: {  	s10 =	sadd.s32 $0x9C40, s25;
	s6 =	sadd.s32 s6, s9;
	s9 =	sadd.s32 s11, s21  }
0x14: {  	s0 =	sshrl.u32 s0, $0x3;
	s25 =	sand.u32 $0x1, s5;
	s3 =	sadd.s32 $0x2880, s26  }
0x15: {  	p2 =	por !p2, p0;
	s26 =	simm.s32 $0x5;
	[dreg:$0x4] =	wrdreg s10  }
0x16: {  	s16 =	sadd.s32 $0x5200, s6;
	s17 =	sadd.s32 $0xEE40, s6;
	s9 =	sshrl.u32 s9, $0x3  }
0x17: {  	s6 =	sadd.s32 s21, s19;
	s10 =	sadd.s32 s21, s20;
	s19 =	sadd.s32 s7, s0  }
0x18: {  	[dreg:$0x9] =	wrdreg s3;
	p3 =	seq.s32 s25, $0x0;
	s25 =	simm.s32 $0x6200  }
0x19: {  	s0 =	simm.s32 $0x3;
	s3 =	simm.s32 $0x2;
	[dreg:$0x7] =	wrdreg s16  }
.Ltmp0:
0x1a: {  	[dreg:$0x8] =	wrdreg s17;
	s17 =	sadd.s32 $0x4000, s11;
	(pc) =	sbr.rel .LBB2_1-.Ltmp0, $4  }
0x1b: {  	s18 =	sadd.s32 s7, s9;
	s22 =	sshrl.u32 s6, $0x3;
	s23 =	sshrl.u32 s10, $0x3  }
0x1c: {  	s16 =	sadd.s32 s17, s1;
	s11 =	sadd.s32 s21, s17;
	s17 =	sshrl.u32 s5, $0x1  }
0x1d: {  	s20 =	sadd.s32 s7, s22;
	s21 =	sadd.s32 s7, s23;
	s24 =	sshrl.u32 s11, $0x3  }
0x1e: {  	v0 =	vimm.f32 $0.0e+00;
	s23 =	simm.s32 $0x0;
	s22 =	sadd.s32 s7, s24;
	s24 =	smax.u32 s8, $0x1  }
.LBB2_13:
0x1f: {  	[bflag:$0x0] =	sbarrier.arrive $0xFFFF  }
0x20: {  	[tilespmem:s25], [sflag:$0x5] =	stream.linear.gather [spmem:s12], $0x1000, $0x38;
	[tilespmem:$0xD200] =	vst v63  }
0x21: {  	_ =	swait.ge [sflag:s26], $0x1000  }
0x22: {  	[sflag:s26] =	ssyncset.done $0x0  }
0x23: {  	[sflag:s26] =	ssyncadd.s32 $0xFFFFF000  }
0x24: {  	[hbm4b:s18+s2] =	stream.linear.scatter [tilespmem:s25], [sflag:$0x5], $0x1000, $0x38;
	[tilespmem:$0xD200] =	vst v63  }
0x25: {  	_ =	swait.ge [sflag:s26], $0x1000  }
0x26: {  	[sflag:s26] =	ssyncset.done $0x0  }
0x27: {  	[sflag:s26] =	ssyncadd.s32 $0xFFFFF000  }
0x28: {  	[tilespmem:s25], [sflag:$0x5] =	stream.linear.gather [spmem:s13], $0x1000, $0x38;
	[tilespmem:$0xD200] =	vst v63  }
0x29: {  	_ =	swait.ge [sflag:s26], $0x1000  }
0x2a: {  	[sflag:s26] =	ssyncset.done $0x0  }
0x2b: {  	[sflag:s26] =	ssyncadd.s32 $0xFFFFF000  }
0x2c: {  	[hbm4b:s19+s2] =	stream.linear.scatter [tilespmem:s25], [sflag:$0x5], $0x1000, $0x38;
	[tilespmem:$0xD200] =	vst v63  }
0x2d: {  	_ =	swait.ge [sflag:s26], $0x1000  }
0x2e: {  	[sflag:s26] =	ssyncset.done $0x0  }
0x2f: {  	[sflag:s26] =	ssyncadd.s32 $0xFFFFF000  }
0x30: {  	[tilespmem:s25], [sflag:$0x5] =	stream.linear.gather [spmem:s14], $0x1000, $0x38;
	[tilespmem:$0xD200] =	vst v63  }
0x31: {  	_ =	swait.ge [sflag:s26], $0x1000  }
0x32: {  	[sflag:s26] =	ssyncset.done $0x0  }
0x33: {  	[sflag:s26] =	ssyncadd.s32 $0xFFFFF000  }
0x34: {  	[hbm4b:s20+s2] =	stream.linear.scatter [tilespmem:s25], [sflag:$0x5], $0x1000, $0x38;
	[tilespmem:$0xD200] =	vst v63  }
0x35: {  	_ =	swait.ge [sflag:s26], $0x1000  }
0x36: {  	[sflag:s26] =	ssyncset.done $0x0  }
0x37: {  	[sflag:s26] =	ssyncadd.s32 $0xFFFFF000  }
0x38: {  	[tilespmem:s25], [sflag:$0x5] =	stream.linear.gather [spmem:s15], $0x1000, $0x38;
	[tilespmem:$0xD200] =	vst v63  }
0x39: {  	_ =	swait.ge [sflag:s26], $0x1000  }
0x3a: {  	[sflag:s26] =	ssyncset.done $0x0  }
0x3b: {  	[sflag:s26] =	ssyncadd.s32 $0xFFFFF000  }
0x3c: {  	[hbm4b:s21+s2] =	stream.linear.scatter [tilespmem:s25], [sflag:$0x5], $0x1000, $0x38;
	[tilespmem:$0xD200] =	vst v63  }
0x3d: {  	_ =	swait.ge [sflag:s26], $0x1000  }
0x3e: {  	[sflag:s26] =	ssyncset.done $0x0  }
0x3f: {  	[sflag:s26] =	ssyncadd.s32 $0xFFFFF000  }
0x40: {  	[tilespmem:s25], [sflag:$0x5] =	stream.linear.gather [spmem:s16], $0x1000, $0x38;
	[tilespmem:$0xD200] =	vst v63  }
0x41: {  	s23 =	sadd.s32 $0x1, s23;
	_ =	swait.ge [sflag:s26], $0x1000  }
0x42: {  	p4 =	sne.s32 s23, s24;
	[sflag:s26] =	ssyncset.done $0x0  }
.Ltmp1:
0x43: {  	[sflag:s26] =	ssyncadd.s32 $0xFFFFF000;
	(pc) =	sbr.rel @!p4 .LBB2_14-.Ltmp1, $4  }
0x44: {  	[hbm4b:s22+s2] =	stream.linear.scatter [tilespmem:s25], [sflag:$0x5], $0x1000, $0x38;
	[tilespmem:$0xD200] =	vst v63  }
0x45: {  	_ =	swait.ge [sflag:s26], $0x1000  }
0x46: {  	[sflag:s26] =	ssyncset.done $0x0  }
0x47: {  	[sflag:s26] =	ssyncadd.s32 $0xFFFFF000  }
.LBB2_1:
0x48: {  	s6 =	simm.s32 @!p1 $0x0;
	s7 =	rddreg [dreg:$0x3]  }
0x49: {  	[tilespmem:s6], [sflag:$0x5] =	stream.linear.gather @!p1 [hbm4b:s7+s6], $0x2900, $0x38;
	[tilespmem:$0xD200] =	vst v63  }
0x4a: {  	s7 =	simm.s32 @!p1 $0x5  }
0x4b: {  	_ =	swait.ge @!p1 [sflag:s7], $0x2900  }
0x4c: {  	[sflag:s7] =	ssyncset.done @!p1 $0x0  }
0x4d: {  	s8 =	simm.s32 @!p1 $0x2900;
	s9 =	rddreg [dreg:$0x4];
	[sflag:s7] =	ssyncadd.s32 @!p1 $0xFFFFD700  }
0x4e: {  	[tilespmem:s8], [sflag:$0x5] =	stream.linear.gather @!p1 [hbm4b:s9+s6], $0x2900, $0x38;
	[tilespmem:$0xD200] =	vst v63  }
0x4f: {  	_ =	swait.ge @!p1 [sflag:s7], $0x2900  }
0x50: {  	[sflag:s7] =	ssyncset.done @!p1 $0x0  }
0x51: {  	s6 =	simm.s32 @!p2 $0x0;
	[sflag:s7] =	ssyncadd.s32 @!p1 $0xFFFFD700;
	s7 =	rddreg [dreg:$0x5]  }
0x52: {  	[tilespmem:s6], [sflag:$0x5] =	stream.linear.gather @!p2 [hbm4b:s7+s6], $0x1F80, $0x38;
	[tilespmem:$0xD200] =	vst v63  }
0x53: {  	s7 =	simm.s32 @!p2 $0x5  }
0x54: {  	_ =	swait.ge @!p2 [sflag:s7], $0x1F80  }
0x55: {  	[sflag:s7] =	ssyncset.done @!p2 $0x0  }
0x56: {  	s8 =	simm.s32 @!p2 $0x2900;
	s9 =	rddreg [dreg:$0x6];
	[sflag:s7] =	ssyncadd.s32 @!p2 $0xFFFFE080  }
0x57: {  	[tilespmem:s8], [sflag:$0x5] =	stream.linear.gather @!p2 [hbm4b:s9+s6], $0x1F80, $0x38;
	[tilespmem:$0xD200] =	vst v63  }
0x58: {  	_ =	swait.ge @!p2 [sflag:s7], $0x1F80  }
0x59: {  	[sflag:s7] =	ssyncset.done @!p2 $0x0  }
0x5a: {  	s6 =	simm.s32 @p0 $0x0;
	[sflag:s7] =	ssyncadd.s32 @!p2 $0xFFFFE080;
	s7 =	rddreg [dreg:$0x7]  }
0x5b: {  	[tilespmem:s6], [sflag:$0x5] =	stream.linear.gather @p0 [hbm4b:s7+s6], $0x2580, $0x38;
	[tilespmem:$0xD200] =	vst v63  }
0x5c: {  	s7 =	simm.s32 @p0 $0x5  }
0x5d: {  	_ =	swait.ge @p0 [sflag:s7], $0x2580  }
0x5e: {  	[sflag:s7] =	ssyncset.done @p0 $0x0  }
0x5f: {  	s8 =	simm.s32 @p0 $0x2900;
	s9 =	rddreg [dreg:$0x8];
	[sflag:s7] =	ssyncadd.s32 @p0 $0xFFFFDA80  }
0x60: {  	[tilespmem:s8], [sflag:$0x5] =	stream.linear.gather @p0 [hbm4b:s9+s6], $0x2580, $0x38;
	[tilespmem:$0xD200] =	vst v63  }
0x61: {  	_ =	swait.ge @p0 [sflag:s7], $0x2580  }
0x62: {  	[sflag:s7] =	ssyncset.done @p0 $0x0  }
0x63: {  	s6 =	simm.s32 $0x80;
	[sflag:s7] =	ssyncadd.s32 @p0 $0xFFFFDA80;
	s7 =	simm.s32 $0x0  }
.LBB2_2:
0x64: {  	p4 =	sne.s32 s6, $0x3F80;
	[tilespmem:s7+$0x6200] =	vst v0;
	s8 =	smov.u32 s6;
	s6 =	sadd.s32 $0x80, s6  }
.Ltmp2:
0x65: {  	[tilespmem:s7+$0x6210] =	vst v0;
	(pc) =	sbr.rel @p4 .LBB2_2-.Ltmp2, $2  }
0x66: {  	_ =	sdelay $0x2  }
0x67: {  	s7 =	sshra.s32 s8, $0x2  }
0x68: {  	[tilespmem:s7+$0x6200] =	vst v0  }
0x69: {  	[tilespmem:s7+$0x6210] =	vst v0  }
0x6a: {  	[spmem:s12] =	stream.linear.scatter [tilespmem:s25], [sflag:$0x5], $0x1000, $0x38;
	[tilespmem:$0xD200] =	vst v63  }
0x6b: {  	_ =	swait.ge [sflag:s26], $0x1000  }
0x6c: {  	[sflag:s26] =	ssyncset.done $0x0  }
0x6d: {  	[sflag:s26] =	ssyncadd.s32 $0xFFFFF000  }
0x6e: {  	[spmem:s13] =	stream.linear.scatter [tilespmem:s25], [sflag:$0x5], $0x1000, $0x38;
	[tilespmem:$0xD200] =	vst v63  }
0x6f: {  	_ =	swait.ge [sflag:s26], $0x1000  }
0x70: {  	[sflag:s26] =	ssyncset.done $0x0  }
0x71: {  	[sflag:s26] =	ssyncadd.s32 $0xFFFFF000  }
0x72: {  	[spmem:s14] =	stream.linear.scatter [tilespmem:s25], [sflag:$0x5], $0x1000, $0x38;
	[tilespmem:$0xD200] =	vst v63  }
0x73: {  	_ =	swait.ge [sflag:s26], $0x1000  }
0x74: {  	[sflag:s26] =	ssyncset.done $0x0  }
0x75: {  	[sflag:s26] =	ssyncadd.s32 $0xFFFFF000  }
0x76: {  	[spmem:s15] =	stream.linear.scatter [tilespmem:s25], [sflag:$0x5], $0x1000, $0x38;
	[tilespmem:$0xD200] =	vst v63  }
0x77: {  	_ =	swait.ge [sflag:s26], $0x1000  }
0x78: {  	[sflag:s26] =	ssyncset.done $0x0  }
0x79: {  	[sflag:s26] =	ssyncadd.s32 $0xFFFFF000  }
0x7a: {  	[spmem:s16] =	stream.linear.scatter [tilespmem:s25], [sflag:$0x5], $0x1000, $0x38;
	[tilespmem:$0xD200] =	vst v63  }
0x7b: {  	_ =	swait.ge [sflag:s26], $0x1000  }
0x7c: {  	[sflag:s26] =	ssyncset.done $0x0  }
0x7d: {  	[sflag:s26] =	ssyncadd.s32 $0xFFFFF000  }
0x7e: {  	s7 =	simm.s32 $0x0;
	s6 =	simm.s32 $0x5200;
	[bflag:$0x0] =	sbarrier.arrive $0xFFFF  }
0x7f: {  	[tilespmem:s6], [sflag:$0x1] =	stream.indirect.gather [hbm4b:s4+s28], $0x10, s7, s28, $0xb8;
	[tilespmem:$0xD200] =	vst v63  }
0x80: {  	s11 =	simm.s32 $0x5A00  }
0x81: {  	[tilespmem:s11], [sflag:$0x2] =	stream.indirect.gather [hbm4b:s4+s28], $0x10, s28, s28, $0xb8;
	[tilespmem:$0xD200] =	vst v63  }
.LBB2_4:
0x82: {  	_ =	swait.ge [sflag:s31], $0x800  }
0x83: {  	[sflag:s31] =	ssyncset.done $0x0  }
0x84: {  	s9 =	simm.s32 $0x5220;
	[sflag:s31] =	ssyncadd.s32 $0xFFFFF800  }
0x85: {  	v1 =	vld [tilespmem:s9+$0x10];
	_ =	sdelay $0x3  }
0x86: {  	v3 =	vld [tilespmem:s9+$0xFFFFFFF0]  }
0x87: {  	s6 =	simm.s32 $0x6240;
	v6 =	vld [tilespmem:s9+$0x0];
	v2 =	vand.u32 $0xFFFF0000, v1  }
0x88: {  	[tilespmem:s6+$0x30] =	vst v2;
	v2 =	vld [tilespmem:s9+$0xFFFFFFE0];
	_ =	sdelay $0x2  }
0x89: {  	v1 =	vshll.u32 v1, $0x10;
	v4 =	vshll.u32 v3, $0x10  }
0x8a: {  	s8 =	simm.s32 $0x0;
	v5 =	vand.u32 $0xFFFF0000, v3;
	v3 =	vand.u32 $0xFFFF0000, v6;
	[tilespmem:s6+$0xFFFFFFE0] =	vst v4;
	v4 =	vshll.u32 v6, $0x10;
	s9 =	simm.s32 $0x5260  }
.LBB2_5:
0x8b: {  	v6 =	vld [tilespmem:s9+$0x10];
	s8 =	sadd.s32 $0x4, s8;
	v7 =	vshll.u32 v2, $0x10;
	v2 =	vand.u32 $0xFFFF0000, v2;
	[tilespmem:s6+$0xFFFFFFF0] =	vst v5  }
0x8c: {  	v5 =	vld [tilespmem:s9+$0xFFFFFFF0];
	p4 =	slt.u32 s8, $0x7C;
	[tilespmem:s6+$0xFFFFFFC0] =	vst v7  }
0x8d: {  	v7 =	vld [tilespmem:s9+$0x0];
	[tilespmem:s6+$0xFFFFFFD0] =	vst v2  }
.Ltmp3:
0x8e: {  	v2 =	vld [tilespmem:s9+$0xFFFFFFE0];
	[tilespmem:s6+$0x0] =	vst v4;
	(pc) =	sbr.rel @p4 .LBB2_5-.Ltmp3, $4  }
0x8f: {  	[tilespmem:s6+$0x10] =	vst v3  }
0x90: {  	v3 =	vand.u32 $0xFFFF0000, v6;
	[tilespmem:s6+$0x20] =	vst v1;
	v1 =	vshll.u32 v6, $0x10;
	s6 =	sadd.s32 $0x80, s6  }
0x91: {  	v4 =	vshll.u32 v5, $0x10;
	v5 =	vand.u32 $0xFFFF0000, v5;
	[tilespmem:s6+$0x30] =	vst v3  }
0x92: {  	s9 =	sadd.s32 $0x40, s9;
	[tilespmem:s6+$0xFFFFFFE0] =	vst v4;
	v4 =	vshll.u32 v7, $0x10;
	v3 =	vand.u32 $0xFFFF0000, v7  }
0x93: {  	[tilespmem:s6+$0xFFFFFFF0] =	vst v5  }
0x94: {  	s8 =	sshll.u32 s7, $0x1;
	[tilespmem:s6+$0x0] =	vst v4  }
0x95: {  	[tilespmem:s6+$0x10] =	vst v3;
	s9 =	sadd.s32 $0x2, s8  }
0x96: {  	v6 =	vshll.u32 v2, $0x10;
	[tilespmem:s6+$0x20] =	vst v1;
	p4 =	sge.u32 s9, s5  }
0x97: {  	v2 =	vand.u32 $0xFFFF0000, v2;
	[tilespmem:s6+$0xFFFFFFC0] =	vst v6;
	s9 =	sshll.u32 @!p4 s9, $0x7  }
0x98: {  	[tilespmem:s6+$0xFFFFFFD0] =	vst v2;
	s10 =	simm.s32 @!p4 $0x5200;
	s6 =	sand.u32 @!p4 $0x3FFFFF80, s9;
	s9 =	simm.s32 @!p4 $0x80  }
0x99: {  	[tilespmem:s10], [sflag:$0x1] =	stream.indirect.gather @!p4 [hbm4b:s4+s9], $0x10, s6, s9, $0xb8;
	[tilespmem:$0xD200] =	vst v63  }
0x9a: {  	s10 =	sshll.u32 s7, $0xA  }
0x9b: {  	s6 =	sshra.s32 s10, $0x2  }
0x9c: {  	s11 =	sadd.s32 $0x2900, s6  }
0x9d: {  	[spmem:s1] =	stream.indirect.scatter.add.f32 [tilespmem:s25], [sflag:$0x3], $0x20, s11, s28, $0xb8;
	[tilespmem:$0xD200] =	vst v63  }
0x9e: {  	_ =	swait.ge [sflag:s0], $0x1000  }
0x9f: {  	[sflag:s0] =	ssyncset.done $0x0  }
0xa0: {  	[sflag:s0] =	ssyncadd.s32 $0xFFFFF000  }
0xa1: {  	_ =	swait.ge [sflag:s3], $0x800  }
0xa2: {  	[sflag:s3] =	ssyncset.done $0x0  }
0xa3: {  	s11 =	simm.s32 $0x5A20;
	[sflag:s3] =	ssyncadd.s32 $0xFFFFF800  }
0xa4: {  	v1 =	vld [tilespmem:s11+$0x10];
	_ =	sdelay $0x3  }
0xa5: {  	v3 =	vld [tilespmem:s11+$0xFFFFFFF0]  }
0xa6: {  	s9 =	simm.s32 $0x7240;
	v6 =	vld [tilespmem:s11+$0x0];
	v2 =	vand.u32 $0xFFFF0000, v1  }
0xa7: {  	[tilespmem:s9+$0x30] =	vst v2;
	v2 =	vld [tilespmem:s11+$0xFFFFFFE0];
	_ =	sdelay $0x2  }
0xa8: {  	v1 =	vshll.u32 v1, $0x10;
	v4 =	vshll.u32 v3, $0x10  }
0xa9: {  	s10 =	simm.s32 $0x0;
	v5 =	vand.u32 $0xFFFF0000, v3;
	v3 =	vand.u32 $0xFFFF0000, v6;
	[tilespmem:s9+$0xFFFFFFE0] =	vst v4;
	v4 =	vshll.u32 v6, $0x10;
	s11 =	simm.s32 $0x5A60  }
.LBB2_7:
0xaa: {  	v6 =	vld [tilespmem:s11+$0x10];
	s10 =	sadd.s32 $0x4, s10;
	v7 =	vshll.u32 v2, $0x10;
	v2 =	vand.u32 $0xFFFF0000, v2;
	[tilespmem:s9+$0xFFFFFFF0] =	vst v5  }
0xab: {  	v5 =	vld [tilespmem:s11+$0xFFFFFFF0];
	p4 =	slt.u32 s10, $0x7C;
	[tilespmem:s9+$0xFFFFFFC0] =	vst v7  }
0xac: {  	v7 =	vld [tilespmem:s11+$0x0];
	[tilespmem:s9+$0xFFFFFFD0] =	vst v2  }
.Ltmp4:
0xad: {  	v2 =	vld [tilespmem:s11+$0xFFFFFFE0];
	[tilespmem:s9+$0x0] =	vst v4;
	(pc) =	sbr.rel @p4 .LBB2_7-.Ltmp4, $4  }
0xae: {  	[tilespmem:s9+$0x10] =	vst v3  }
0xaf: {  	v3 =	vand.u32 $0xFFFF0000, v6;
	[tilespmem:s9+$0x20] =	vst v1;
	v1 =	vshll.u32 v6, $0x10;
	s9 =	sadd.s32 $0x80, s9  }
0xb0: {  	v4 =	vshll.u32 v5, $0x10;
	v5 =	vand.u32 $0xFFFF0000, v5;
	[tilespmem:s9+$0x30] =	vst v3  }
0xb1: {  	s11 =	sadd.s32 $0x40, s11;
	[tilespmem:s9+$0xFFFFFFE0] =	vst v4;
	v4 =	vshll.u32 v7, $0x10;
	v3 =	vand.u32 $0xFFFF0000, v7  }
0xb2: {  	[tilespmem:s9+$0xFFFFFFF0] =	vst v5  }
0xb3: {  	[tilespmem:s9+$0x0] =	vst v4  }
0xb4: {  	s8 =	sadd.s32 $0x3, s8;
	[tilespmem:s9+$0x10] =	vst v3  }
0xb5: {  	v6 =	vshll.u32 v2, $0x10;
	[tilespmem:s9+$0x20] =	vst v1;
	p4 =	sge.u32 s8, s5  }
0xb6: {  	v2 =	vand.u32 $0xFFFF0000, v2;
	s7 =	sadd.s32 $0x1, s7;
	[tilespmem:s9+$0xFFFFFFC0] =	vst v6;
	s8 =	sshll.u32 @!p4 s8, $0x7  }
0xb7: {  	[tilespmem:s9+$0xFFFFFFD0] =	vst v2;
	s9 =	simm.s32 @!p4 $0x80;
	s10 =	simm.s32 @!p4 $0x5A00;
	s8 =	sand.u32 @!p4 $0x3FFFFF80, s8  }
0xb8: {  	[tilespmem:s10], [sflag:$0x2] =	stream.indirect.gather @!p4 [hbm4b:s4+s9], $0x10, s8, s9, $0xb8;
	[tilespmem:$0xD200] =	vst v63  }
0xb9: {  	p4 =	sne.s32 s7, s17  }
.Ltmp5:
0xba: {  	s6 =	sadd.s32 $0x2980, s6;
	(pc) =	sbr.rel @p4 .LBB2_4-.Ltmp5, $4  }
0xbb: {  	[spmem:s1] =	stream.indirect.scatter.add.f32 [tilespmem:s29], [sflag:$0x4], $0x20, s6, s28, $0xb8;
	[tilespmem:$0xD200] =	vst v63  }
0xbc: {  	_ =	swait.ge [sflag:s30], $0x1000  }
0xbd: {  	[sflag:s30] =	ssyncset.done $0x0  }
0xbe: {  	[sflag:s30] =	ssyncadd.s32 $0xFFFFF000  }
.Ltmp6:
0xbf: {  	(pc) =	sbr.rel @p3 .LBB2_13-.Ltmp6, $1  }
0xc0: {  	_ =	sdelay $0x3  }
0xc1: {  	_ =	swait.ge [sflag:s31], $0x800  }
0xc2: {  	[sflag:s31] =	ssyncset.done $0x0  }
0xc3: {  	s8 =	simm.s32 $0x5220;
	[sflag:s31] =	ssyncadd.s32 $0xFFFFF800  }
0xc4: {  	v1 =	vld [tilespmem:s8+$0x10];
	_ =	sdelay $0x3  }
0xc5: {  	v3 =	vld [tilespmem:s8+$0xFFFFFFF0]  }
0xc6: {  	s6 =	simm.s32 $0x6240;
	v6 =	vld [tilespmem:s8+$0x0];
	v2 =	vand.u32 $0xFFFF0000, v1  }
0xc7: {  	[tilespmem:s6+$0x30] =	vst v2;
	v2 =	vld [tilespmem:s8+$0xFFFFFFE0];
	_ =	sdelay $0x2  }
0xc8: {  	v1 =	vshll.u32 v1, $0x10;
	v4 =	vshll.u32 v3, $0x10  }
0xc9: {  	s7 =	simm.s32 $0x0;
	v5 =	vand.u32 $0xFFFF0000, v3;
	v3 =	vand.u32 $0xFFFF0000, v6;
	[tilespmem:s6+$0xFFFFFFE0] =	vst v4;
	v4 =	vshll.u32 v6, $0x10;
	s8 =	simm.s32 $0x5260  }
.LBB2_11:
0xca: {  	v6 =	vld [tilespmem:s8+$0x10];
	s7 =	sadd.s32 $0x4, s7;
	v7 =	vshll.u32 v2, $0x10;
	v2 =	vand.u32 $0xFFFF0000, v2;
	[tilespmem:s6+$0xFFFFFFF0] =	vst v5  }
0xcb: {  	v5 =	vld [tilespmem:s8+$0xFFFFFFF0];
	p4 =	slt.u32 s7, $0x7C;
	[tilespmem:s6+$0xFFFFFFC0] =	vst v7  }
0xcc: {  	v7 =	vld [tilespmem:s8+$0x0];
	[tilespmem:s6+$0xFFFFFFD0] =	vst v2  }
.Ltmp7:
0xcd: {  	v2 =	vld [tilespmem:s8+$0xFFFFFFE0];
	[tilespmem:s6+$0x0] =	vst v4;
	(pc) =	sbr.rel @p4 .LBB2_11-.Ltmp7, $4  }
0xce: {  	[tilespmem:s6+$0x10] =	vst v3  }
0xcf: {  	v3 =	vand.u32 $0xFFFF0000, v6;
	[tilespmem:s6+$0x20] =	vst v1;
	v1 =	vshll.u32 v6, $0x10;
	s6 =	sadd.s32 $0x80, s6  }
0xd0: {  	v4 =	vshll.u32 v5, $0x10;
	v5 =	vand.u32 $0xFFFF0000, v5;
	[tilespmem:s6+$0x30] =	vst v3  }
0xd1: {  	s8 =	sadd.s32 $0x40, s8;
	[tilespmem:s6+$0xFFFFFFE0] =	vst v4;
	v4 =	vshll.u32 v7, $0x10;
	v3 =	vand.u32 $0xFFFF0000, v7  }
0xd2: {  	[tilespmem:s6+$0xFFFFFFF0] =	vst v5  }
0xd3: {  	[tilespmem:s6+$0x0] =	vst v4  }
0xd4: {  	[tilespmem:s6+$0x10] =	vst v3  }
0xd5: {  	v6 =	vshll.u32 v2, $0x10;
	[tilespmem:s6+$0x20] =	vst v1  }
0xd6: {  	v2 =	vand.u32 $0xFFFF0000, v2;
	[tilespmem:s6+$0xFFFFFFC0] =	vst v6  }
0xd7: {  	[tilespmem:s6+$0xFFFFFFD0] =	vst v2  }
.Ltmp8:
0xd8: {  	s6 =	rddreg [dreg:$0x9];
	(pc) =	sbr.rel .LBB2_13-.Ltmp8, $4  }
0xd9: {  	[spmem:s1] =	stream.indirect.scatter.add.f32 [tilespmem:s25], [sflag:$0x3], $0x20, s6, s28, $0xb8;
	[tilespmem:$0xD200] =	vst v63  }
0xda: {  	_ =	swait.ge [sflag:s0], $0x1000  }
0xdb: {  	[sflag:s0] =	ssyncset.done $0x0  }
0xdc: {  	[sflag:s0] =	ssyncadd.s32 $0xFFFFF000  }
.LBB2_14:
0xdd: {  	_ =	sfence.sel $0x180000  }
0xde: {  	[bflag:$0x0] =	sbarrier.arrive $0xFFFF  }
0xdf: {  	_ =	strace $0x9000004A  }
0xe0: {  	s0 =	stileid.u32;
	[bflag:$0x2] =	sbarrier.arrive $0xFFFF  }
0xe1: {  	p0 =	sne.s32 s0, $0x0;
	s0 =	rddreg [dreg:$0x2]  }
0xe2: {  	s0 =	sadd.s32 @!p0 $0x100000, s0  }
0xe3: {  	[sflag:s0] =	ssyncadd.tile.s32 @!p0 $0x1;
	_ =	shalt  }
.Lfunc_end2:
_tile_overlayer_lowered:
.L_overlay_start_2:
0xe4: {  	(tag) =	ssettag $0x2  }
0xe5: {  	s0 =	rddreg [dreg:$0x0];
	s2 =	stileid.u32  }
0xe6: {  	s1 =	rddreg [dreg:$0x1];
	p0 =	sne.s32 s2, $0x0  }
0xe7: {  	s3 =	rddreg [dreg:$0x2];
	[bflag:$0x3] =	sbarrier.arrive $0xFFFF;
	s2 =	simm.s32 @!p0 $0x1C05  }
0xe8: {  	[timem:s3], [sflag:s2] =	dma.local @!p0 [hbm:s0], s1  }
0xe9: {  	s0 =	simm.s32 @!p0 $0x5  }
0xea: {  	_ =	swait.ge @!p0 [sflag:s0], s1  }
0xeb: {  	s1 =	ssub.s32 @!p0 $0x0, s1;
	[sflag:s0] =	ssyncset.done @!p0 $0x0  }
0xec: {  	[sflag:s0] =	ssyncadd.s32 @!p0 s1  }
0xed: {  	[bflag:$0x3] =	sbarrier.arrive $0xFFFF  }
0xee: {  	_ =	shalt  }

// kernel: kernel.7.cloned.1.call-start
scs
__scs_entry_jumppad:
0x0: {  	(pc) =	sbr.rel $0x88, $3  }
0x1: {  	(tag) =	ssettag $0x0;
	lr =	simm.s32 $0x1  }
0x2: {  	[smem:$0x3F97] =	sst lr;
	_ =	strace $0xD0000000  }
0x3: {  	_ = 	snop  }
0x4: {  	_ = 	snop  }
0x5: {  	_ = 	snop  }
0x6: {  	_ = 	snop  }
0x7: {  	_ = 	snop  }
__scs_overlays_trampoline_lowered:
0x8: {  	[smem:$0x3FA6] =	sst s0  }
0x9: {  	[smem:$0x3FA7] =	sst s1  }
0xa: {  	[smem:$0x3FA8] =	sst s2  }
0xb: {  	[smem:$0x3FA9] =	sst s3  }
0xc: {  	[smem:$0x3FAA] =	sst s4  }
0xd: {  	[smem:$0x3FAB] =	sst s5  }
0xe: {  	[smem:$0x3FAC] =	sst s6  }
0xf: {  	[smem:$0x3FAD] =	sst s7  }
0x10: {  	[smem:$0x3FAE] =	sst s8  }
0x11: {  	[smem:$0x3FAF] =	sst s9;
	s0 =	simm.s32 @!p0 $0x0  }
0x12: {  	s1 =	sld [smem:$0x3F95];
	s0 =	simm.s32 @p0 $0x1  }
0x13: {  	[smem:$0x3FB0] =	sst s0;
	s0 =	simm.s32 @!p1 $0x0  }
0x14: {  	s2 =	sld [smem:$0x3F94];
	s0 =	simm.s32 @p1 $0x1  }
0x15: {  	[smem:$0x3FB1] =	sst s0;
	s0 =	simm.s32 @!p2 $0x0  }
0x16: {  	s3 =	sld [smem:$0x3FDB];
	s0 =	simm.s32 @p2 $0x1  }
0x17: {  	s4 =	simm.s32 $0x1BF5;
	[smem:$0x3FB3] =	sst s0  }
0x18: {  	s0 =	sld [smem:$0x3F96];
	_ =	swait.ge [sflag:s4], $0x0  }
0x19: {  	s7 =	sld [smem:$0x3F97]  }
0x1a: {  	s8 =	sadd.s32 $0xFFFFE003, lr  }
0x1b: {  	s9 =	sadd.s32 $0xFFFFFEF7, lr;
	s5 =	simm.s32 $0xFFFFFFFF;
	p2 =	slt.u32 s8, $0xFFFFF086  }
0x1c: {  	p1 =	slt.u32 s9, $0xF7A;
	s5 =	simm.s32 @!p2 $0x0  }
0x1d: {  	s5 =	simm.s32 @p1 $0x1;
	p0 =	seq.s32 s7, s2  }
0x1e: {  	s7 =	smul.u32 @!p0 $0xF7A, s2;
	p2 =	seq.s32 @!p0 s5, $0x0  }
0x1f: {  	s9 =	smul.u32 $0xF7A, s1;
	s8 =	simm.s32 @!p0 $0x1BF5;
	p2 =	por !p2, p0  }
0x20: {  	[sflag:s8] =	ssyncset.s32 @!p0 $0xFFFFF086;
	s6 =	sadd.s32 @!p0 s3, s7;
	s7 =	simm.s32 @!p0 $0x108  }
0x21: {  	s3 =	sadd.s32 s3, s9;
	s6 =	sadd.s32 @!p0 $0x88, s6;
	s7 =	simm.s32 @p2 $0x1082  }
0x22: {  	[simem:s7], [sflag:s8] =	dma.local @!p0 [hbm:s6], $0xF7A  }
0x23: {  	s9 =	sor.u32 $0xD0000000, s2;
	s6 =	simm.s32 $0x108;
	_ =	swait.ge @!p0 [sflag:s8], $0x0  }
0x24: {  	s3 =	sadd.s32 $0x88, s3;
	s6 =	simm.s32 @!p1 $0x1082;
	[sflag:s4] =	ssyncset.s32 $0xFFFFF086  }
0x25: {  	[simem:s6], [sflag:s4] =	dma.local [hbm:s3], $0xF7A  }
0x26: {  	[smem:$0x3F97] =	sst s1;
	(tag) =	ssettag s2;
	_ =	strace s9  }
0x27: {  	s1 =	sld [smem:$0x3FA7]  }
0x28: {  	s2 =	sld [smem:$0x3FA8]  }
0x29: {  	s4 =	sld [smem:$0x3FAA]  }
0x2a: {  	p0 =	seq.s32 s5, $0x0;
	s5 =	sld [smem:$0x3FAB]  }
0x2b: {  	s6 =	sld [smem:$0x3FAC]  }
0x2c: {  	s7 =	sld [smem:$0x3FAD]  }
0x2d: {  	s3 =	simm.s32 $0x108;
	s8 =	sld [smem:$0x3FAE]  }
0x2e: {  	s3 =	simm.s32 @!p0 $0x1082;
	s9 =	sld [smem:$0x3FAF]  }
0x2f: {  	lr =	sadd.s32 s0, s3;
	s0 =	sld [smem:$0x3FA6]  }
0x30: {  	s3 =	sld [smem:$0x3FA9]  }
0x31: {  	[smem:$0x3FB2] =	sst s10  }
0x32: {  	s10 =	sld [smem:$0x3FB0];
	_ =	sdelay $0x3  }
0x33: {  	p0 =	seq.s32 s10, $0x1;
	s10 =	sld [smem:$0x3FB2];
	_ =	sdelay $0x3  }
0x34: {  	[smem:$0x3FB2] =	sst s10  }
0x35: {  	s10 =	sld [smem:$0x3FB1];
	_ =	sdelay $0x3  }
0x36: {  	p1 =	seq.s32 s10, $0x1;
	s10 =	sld [smem:$0x3FB2];
	_ =	sdelay $0x3  }
0x37: {  	[smem:$0x3FB2] =	sst s10  }
0x38: {  	s10 =	sld [smem:$0x3FB3]  }
0x39: {  	_ = 	snop;
	(pc) =	sbr.ind lr, $3  }
0x3a: {  	_ = 	snop  }
0x3b: {  	_ = 	snop  }
0x3c: {  	p2 =	seq.s32 s10, $0x1;
	s10 =	sld [smem:$0x3FB2]  }
0x3d: {  	_ =	shalt  }
0x3e: {  	_ =	shalt  }
0x3f: {  	_ =	shalt  }
0x40: {  	_ =	shalt  }
0x41: {  	_ =	shalt  }
0x42: {  	_ =	shalt  }
0x43: {  	_ =	shalt  }
0x44: {  	_ =	shalt  }
0x45: {  	_ =	shalt  }
0x46: {  	_ =	shalt  }
0x47: {  	_ =	shalt  }
0x48: {  	_ =	shalt  }
0x49: {  	_ =	shalt  }
0x4a: {  	_ =	shalt  }
0x4b: {  	_ =	shalt  }
0x4c: {  	_ =	shalt  }
0x4d: {  	_ =	shalt  }
0x4e: {  	_ =	shalt  }
0x4f: {  	_ =	shalt  }
0x50: {  	_ =	shalt  }
0x51: {  	_ =	shalt  }
0x52: {  	_ =	shalt  }
0x53: {  	_ =	shalt  }
0x54: {  	_ =	shalt  }
0x55: {  	_ =	shalt  }
0x56: {  	_ =	shalt  }
0x57: {  	_ =	shalt  }
0x58: {  	_ =	shalt  }
0x59: {  	_ =	shalt  }
0x5a: {  	_ =	shalt  }
0x5b: {  	_ =	shalt  }
0x5c: {  	_ =	shalt  }
0x5d: {  	_ =	shalt  }
0x5e: {  	_ =	shalt  }
0x5f: {  	_ =	shalt  }
0x60: {  	_ =	shalt  }
0x61: {  	_ =	shalt  }
0x62: {  	_ =	shalt  }
0x63: {  	_ =	shalt  }
0x64: {  	_ =	shalt  }
0x65: {  	_ =	shalt  }
0x66: {  	_ =	shalt  }
0x67: {  	_ =	shalt  }
0x68: {  	_ =	shalt  }
0x69: {  	_ =	shalt  }
0x6a: {  	_ =	shalt  }
0x6b: {  	_ =	shalt  }
0x6c: {  	_ =	shalt  }
0x6d: {  	_ =	shalt  }
0x6e: {  	_ =	shalt  }
0x6f: {  	_ =	shalt  }
0x70: {  	_ =	shalt  }
0x71: {  	_ =	shalt  }
0x72: {  	_ =	shalt  }
0x73: {  	_ =	shalt  }
0x74: {  	_ =	shalt  }
0x75: {  	_ =	shalt  }
0x76: {  	_ =	shalt  }
0x77: {  	_ =	shalt  }
0x78: {  	_ =	shalt  }
0x79: {  	_ =	shalt  }
0x7a: {  	_ =	shalt  }
0x7b: {  	_ =	shalt  }
0x7c: {  	_ =	shalt  }
0x7d: {  	_ =	shalt  }
0x7e: {  	_ =	shalt  }
0x7f: {  	_ =	shalt  }
0x80: {  	_ =	shalt  }
0x81: {  	_ =	shalt  }
0x82: {  	_ =	shalt  }
0x83: {  	_ =	shalt  }
0x84: {  	_ =	shalt  }
0x85: {  	_ =	shalt  }
0x86: {  	_ =	shalt  }
0x87: {  	_ =	shalt  }
.Lfunc_end0:
.L_simem_size_0:
called_computation_lowered:
.L_overlay_start_0:
0x88: {  	s2 =	sld [smem:$0x3FD9]  }
0x89: {  	s3 =	sld [smem:$0x3FFE];
	_ =	sdelay $0x1  }
0x8a: {  	s1 =	srdreg.scid  }
0x8b: {  	s0 =	sand.u32 $0x1, s1  }
0x8c: {  	s16 =	sshll.u32 s0, $0xA;
	s2 =	sadd.s32 s3, s2  }
0x8d: {  	s2 =	sadd.s32 s2, s16  }
0x8e: {  	[smem:$0x3FBE] =	sst s2  }
0x8f: {  	_ = 	snop  }
0x90: {  	(tm) =	ssettm $0x1  }
0x91: {  	s17 =	sld [smem:$0x3FFB];
	_ =	sdelay $0x3  }
0x92: {  	_ =	strace s17  }
0x93: {  	s2 =	sld [smem:$0x3FFC];
	_ =	sdelay $0x3  }
0x94: {  	_ =	strace s2  }
0x95: {  	s2 =	sld [smem:$0x3FFD];
	_ =	sdelay $0x3  }
0x96: {  	_ =	strace s2  }
0x97: {  	_ =	strace $0x8FFFFFFF  }
0x98: {  	s18 =	sld [smem:$0x3FDB];
	_ =	sdelay $0x1  }
0x99: {  	s19 =	simm.s32 $_scs_section_size  }
0x9a: {  	s4 =	simm.s32 $_size__tile_overlayer_lowered;
	s5 =	simm.s32 $_tile_overlayer_lowered  }
0x9b: {  	s22 =	simm.s32 $0x1BFF;
	s21 =	sshll.u32 s5, $0x1;
	s2 =	sadd.s32 s19, s18  }
0x9c: {  	s6 =	simm.s32 $0x0;
	s20 =	sshll.u32 s4, $0x1;
	s4 =	sadd.s32 s21, s2  }
0x9d: {  	[timem:s6], [sflag:s22] =	dma.local [hbm:s4], s20  }
0x9e: {  	_ =	swait.ge [sflag:s22], s20  }
0x9f: {  	s3 =	ssub.s32 $0x0, s20;
	[sflag:s22] =	ssyncset.done $0x0  }
0xa0: {  	[sflag:s22] =	ssyncadd.s32 s3;
	_ =	sdelay $0x1  }
0xa1: {  	s23 =	simm.s32 $0x1B8B  }
0xa2: {  	_ =	swait.ge [sflag:s23], $0x1  }
0xa3: {  	[sflag:s23] =	ssyncset.done $0x0  }
0xa4: {  	s25 =	simm.s32 $0x1B8E;
	s24 =	sld [smem:$0x3FFE];
	[sflag:s23] =	ssyncadd.s32 $0xFFFFFFFF  }
0xa5: {  	s26 =	simm.s32 $execute0_lowered;
	[smem:$0x3FD2] =	sst s25  }
0xa6: {  	s4 =	sshll.u32 s26, $0x1;
	_ =	strace $0x80000046;
	[dreg:$0x1] =	wrdreg $0xFFFFFFFF  }
0xa7: {  	s28 =	simm.s32 $_size_execute0_lowered;
	s2 =	sadd.s32 s2, s4;
	[dreg:$0x0] =	wrdreg $0x0  }
0xa8: {  	s4 =	sshll.u32 s28, $0x1;
	[dreg:$0x2] =	wrdreg s2  }
0xa9: {  	[dreg:$0x3] =	wrdreg s4  }
0xaa: {  	[dreg:$0x4] =	wrdreg $0xC0  }
0xab: {  	_ =	task [dreg:s6], $0x5FFFF  }
0xac: {  	[dreg:$0x1] =	wrdreg $0xFFFFFFFF  }
0xad: {  	[dreg:$0x0] =	wrdreg $0x60  }
0xae: {  	[dreg:$0x2] =	wrdreg s24  }
0xaf: {  	[dreg:$0x3] =	wrdreg $0xC2000  }
0xb0: {  	[dreg:$0x4] =	wrdreg $0x9  }
0xb1: {  	_ =	task.clear_ibuf [dreg:s6], $0x5FFFF;
	_ =	strace $0x90000046  }
0xb2: {  	s29 =	simm.s32 $0x9;
	_ =	strace $0x80000048  }
0xb3: {  	_ =	swait.ge [sflag:s29], $0x1  }
0xb4: {  	[sflag:s29] =	ssyncadd.s32 $0xFFFFFFFF  }
0xb5: {  	_ =	strace $0x90000048  }
0xb6: {  	_ =	sfence  }
0xb7: {  	s30 =	sld [smem:$0x0];
	_ =	sdelay $0x2  }
0xb8: {  	s31 =	sshll.u32 s1, $0xD;
	s1 =	sshrl.u32 s1, $0x2  }
0xb9: {  	s3 =	sand.u32 $0x4000, s31;
	s1 =	sadd.s32 s1, s30  }
0xba: {  	s0 =	sor.u32 s3, s0;
	s1 =	sshll.u32 s1, $0x11  }
0xbb: {  	s0 =	sor.u32 s1, s0  }
0xbc: {  	s0 =	sadd.s32 $0x8F2B, s0  }
0xbd: {  	[sflag:s0] =	ssyncadd.remote.s32 $0x1  }
0xbe: {  	_ =	sfence.sel $0xFFFF  }
0xbf: {  	[dreg:$0x0] =	wrdreg $0xFFFFFFFF;
	(pc) =	sbr.abs _section_cstart, $3  }
0xc0: {  	[dreg:$0x1] =	wrdreg $0xFFFFFFFF  }
0xc1: {  	_ =	task.clear_ibuf [dreg:s6], $0x2FFFF;
	_ =	strace $0x9FFFFFFF  }
0xc2: {  	(tm) =	ssettm $0x7FFFFFFF  }
0xc3: {  	_ =	shalt  }
tec
execute0_lowered:
.L_overlay_start_1:
0x0: {  	(tag) =	ssettag $0x1  }
0x1: {  	s0 =	rddreg [dreg:$0x0]  }
0x2: {  	s1 =	rddreg [dreg:$0x1];
	s2 =	simm.s32 $0x0;
	s3 =	srdreg.scid  }
0x3: {  	s11 =	stileid.u32;
	s5 =	simm.s32 $0x4B;
	s28 =	simm.s32 $0x80  }
0x4: {  	s31 =	simm.s32 $0x1;
	s29 =	simm.s32 $0x9A00;
	s30 =	simm.s32 $0x4  }
0x5: {  	[smem:$0x7FF] =	sst s2;
	s4 =	sadd.s32 $0x15200, s0;
	s6 =	sadd.s32 $0x1800, s0  }
0x6: {  	s3 =	sand.u32 $0x1, s3;
	s7 =	sadd.s32 $0x1F000, s0;
	s9 =	smul.u32 $0x2900, s11  }
0x7: {  	p0 =	sne.s32 s11, $0xF;
	s26 =	smul.u32 $0x2580, s11;
	p2 =	seq.s32 s11, $0xF  }
0x8: {  	s11 =	smul.u32 $0xC800, s11;
	s15 =	sadd.s32 $0xB050, s0;
	s0 =	sadd.s32 $0x14C90, s0  }
0x9: {  	_ =	strace $0x80000047;
	s8 =	ssub.s32 $0x2, s3;
	p1 =	seq.s32 s3, $0x0  }
0xa: {  	s5 =	simm.s32 @!p0 $0x3F;
	p6 =	seq.s32 s3, $0x1;
	[dreg:$0x5] =	wrdreg s15  }
0xb: {  	[dreg:$0x6] =	wrdreg s0;
	s21 =	smul.u32 $0xC8000, s3;
	s10 =	sshrl.u32 s8, $0x1  }
0xc: {  	s5 =	simm.s32 @p1 $0x52;
	s9 =	sshrl.u32 s9, $0x3;
	p0 =	por !p0, !p6  }
0xd: {  	p1 =	por !p2, !p6;
	s12 =	sadd.s32 s11, s1;
	s18 =	sadd.s32 $0x2800, s11  }
0xe: {  	s19 =	sadd.s32 $0x5000, s11;
	s20 =	sadd.s32 $0x7800, s11;
	s8 =	ssub.s32 s8, s10  }
0xf: {  	s25 =	sadd.s32 s6, s9;
	p0 =	por !p0, !p0;
	s9 =	sshrl.u32 s26, $0x3  }
0x10: {  	p2 =	por !p1, !p1;
	s13 =	sadd.s32 s18, s1;
	s14 =	sadd.s32 s19, s1  }
0x11: {  	s15 =	sadd.s32 s20, s1;
	s0 =	sadd.s32 s21, s18;
	p1 =	sne.s32 s3, $0x0  }
0x12: {  	s26 =	sshll.u32 s5, $0x7;
	[dreg:$0x3] =	wrdreg s25;
	s10 =	sadd.s32 $0x9C40, s25  }
0x13: {  	s6 =	sadd.s32 s6, s9;
	s9 =	sadd.s32 s11, s21;
	s0 =	sshrl.u32 s0, $0x3  }
0x14: {  	s25 =	sand.u32 $0x1, s5;
	s3 =	sadd.s32 $0x2880, s26;
	p2 =	por !p2, p0  }
0x15: {  	s26 =	simm.s32 $0x5;
	[dreg:$0x4] =	wrdreg s10;
	s16 =	sadd.s32 $0x5200, s6  }
0x16: {  	s17 =	sadd.s32 $0xEE40, s6;
	s9 =	sshrl.u32 s9, $0x3;
	s6 =	sadd.s32 s21, s19  }
0x17: {  	s10 =	sadd.s32 s21, s20;
	s19 =	sadd.s32 s7, s0;
	[dreg:$0xa] =	wrdreg s3  }
0x18: {  	p3 =	seq.s32 s25, $0x0;
	s25 =	simm.s32 $0x7200;
	[dreg:$0x7] =	wrdreg s16  }
0x19: {  	s0 =	simm.s32 $0x3;
	s3 =	simm.s32 $0x2;
	[dreg:$0x8] =	wrdreg s17  }
.Ltmp0:
0x1a: {  	s17 =	sadd.s32 $0xA000, s11;
	s9 =	sadd.s32 s7, s9;
	(pc) =	sbr.rel .LBB2_1-.Ltmp0, $4  }
0x1b: {  	s22 =	sshrl.u32 s6, $0x3;
	s23 =	sshrl.u32 s10, $0x3;
	s16 =	sadd.s32 s17, s1  }
0x1c: {  	s11 =	sadd.s32 s21, s17;
	s17 =	sshrl.u32 s5, $0x1;
	[dreg:$0x9] =	wrdreg s9  }
0x1d: {  	s20 =	sadd.s32 s7, s22;
	s21 =	sadd.s32 s7, s23;
	s24 =	sshrl.u32 s11, $0x3  }
0x1e: {  	v0 =	vimm.f32 $0.0e+00;
	v1 =	vimm.f32 $1.000000000e+00;
	s23 =	simm.s32 $0x0;
	s22 =	sadd.s32 s7, s24;
	s24 =	smax.u32 s8, $0x1  }
.LBB2_15:
0x1f: {  	[bflag:$0x0] =	sbarrier.arrive $0xFFFF  }
0x20: {  	[tilespmem:s25], [sflag:$0x5] =	stream.linear.gather [spmem:s12], $0x2800, $0x38;
	[tilespmem:$0x18A00] =	vst v63  }
0x21: {  	_ =	swait.ge [sflag:s26], $0x2800  }
0x22: {  	[sflag:s26] =	ssyncset.done $0x0  }
0x23: {  	s6 =	rddreg [dreg:$0x9];
	[sflag:s26] =	ssyncadd.s32 $0xFFFFD800  }
0x24: {  	[hbm4b:s6+s2] =	stream.linear.scatter [tilespmem:s25], [sflag:$0x5], $0x2800, $0x38;
	[tilespmem:$0x18A00] =	vst v63  }
0x25: {  	_ =	swait.ge [sflag:s26], $0x2800  }
0x26: {  	[sflag:s26] =	ssyncset.done $0x0  }
0x27: {  	[sflag:s26] =	ssyncadd.s32 $0xFFFFD800  }
0x28: {  	[tilespmem:s25], [sflag:$0x5] =	stream.linear.gather [spmem:s13], $0x2800, $0x38;
	[tilespmem:$0x18A00] =	vst v63  }
0x29: {  	_ =	swait.ge [sflag:s26], $0x2800  }
0x2a: {  	[sflag:s26] =	ssyncset.done $0x0  }
0x2b: {  	[sflag:s26] =	ssyncadd.s32 $0xFFFFD800  }
0x2c: {  	[hbm4b:s19+s2] =	stream.linear.scatter [tilespmem:s25], [sflag:$0x5], $0x2800, $0x38;
	[tilespmem:$0x18A00] =	vst v63  }
0x2d: {  	_ =	swait.ge [sflag:s26], $0x2800  }
0x2e: {  	[sflag:s26] =	ssyncset.done $0x0  }
0x2f: {  	[sflag:s26] =	ssyncadd.s32 $0xFFFFD800  }
0x30: {  	[tilespmem:s25], [sflag:$0x5] =	stream.linear.gather [spmem:s14], $0x2800, $0x38;
	[tilespmem:$0x18A00] =	vst v63  }
0x31: {  	_ =	swait.ge [sflag:s26], $0x2800  }
0x32: {  	[sflag:s26] =	ssyncset.done $0x0  }
0x33: {  	[sflag:s26] =	ssyncadd.s32 $0xFFFFD800  }
0x34: {  	[hbm4b:s20+s2] =	stream.linear.scatter [tilespmem:s25], [sflag:$0x5], $0x2800, $0x38;
	[tilespmem:$0x18A00] =	vst v63  }
0x35: {  	_ =	swait.ge [sflag:s26], $0x2800  }
0x36: {  	[sflag:s26] =	ssyncset.done $0x0  }
0x37: {  	[sflag:s26] =	ssyncadd.s32 $0xFFFFD800  }
0x38: {  	[tilespmem:s25], [sflag:$0x5] =	stream.linear.gather [spmem:s15], $0x2800, $0x38;
	[tilespmem:$0x18A00] =	vst v63  }
0x39: {  	_ =	swait.ge [sflag:s26], $0x2800  }
0x3a: {  	[sflag:s26] =	ssyncset.done $0x0  }
0x3b: {  	[sflag:s26] =	ssyncadd.s32 $0xFFFFD800  }
0x3c: {  	[hbm4b:s21+s2] =	stream.linear.scatter [tilespmem:s25], [sflag:$0x5], $0x2800, $0x38;
	[tilespmem:$0x18A00] =	vst v63  }
0x3d: {  	_ =	swait.ge [sflag:s26], $0x2800  }
0x3e: {  	[sflag:s26] =	ssyncset.done $0x0  }
0x3f: {  	[sflag:s26] =	ssyncadd.s32 $0xFFFFD800  }
0x40: {  	[tilespmem:s25], [sflag:$0x5] =	stream.linear.gather [spmem:s16], $0x2800, $0x38;
	[tilespmem:$0x18A00] =	vst v63  }
0x41: {  	s23 =	sadd.s32 $0x1, s23;
	_ =	swait.ge [sflag:s26], $0x2800  }
0x42: {  	p4 =	sne.s32 s23, s24;
	[sflag:s26] =	ssyncset.done $0x0  }
.Ltmp1:
0x43: {  	[sflag:s26] =	ssyncadd.s32 $0xFFFFD800;
	(pc) =	sbr.rel @!p4 .LBB2_16-.Ltmp1, $4  }
0x44: {  	[hbm4b:s22+s2] =	stream.linear.scatter [tilespmem:s25], [sflag:$0x5], $0x2800, $0x38;
	[tilespmem:$0x18A00] =	vst v63  }
0x45: {  	_ =	swait.ge [sflag:s26], $0x2800  }
0x46: {  	[sflag:s26] =	ssyncset.done $0x0  }
0x47: {  	[sflag:s26] =	ssyncadd.s32 $0xFFFFD800  }
.LBB2_1:
0x48: {  	s6 =	simm.s32 @!p1 $0x0;
	s7 =	rddreg [dreg:$0x3]  }
0x49: {  	[tilespmem:s6], [sflag:$0x5] =	stream.linear.gather @!p1 [hbm4b:s7+s6], $0x2900, $0x38;
	[tilespmem:$0x18A00] =	vst v63  }
0x4a: {  	s7 =	simm.s32 @!p1 $0x5  }
0x4b: {  	_ =	swait.ge @!p1 [sflag:s7], $0x2900  }
0x4c: {  	[sflag:s7] =	ssyncset.done @!p1 $0x0  }
0x4d: {  	s8 =	simm.s32 @!p1 $0x2900;
	s9 =	rddreg [dreg:$0x4];
	[sflag:s7] =	ssyncadd.s32 @!p1 $0xFFFFD700  }
0x4e: {  	[tilespmem:s8], [sflag:$0x5] =	stream.linear.gather @!p1 [hbm4b:s9+s6], $0x2900, $0x38;
	[tilespmem:$0x18A00] =	vst v63  }
0x4f: {  	_ =	swait.ge @!p1 [sflag:s7], $0x2900  }
0x50: {  	[sflag:s7] =	ssyncset.done @!p1 $0x0  }
0x51: {  	s6 =	simm.s32 @!p2 $0x0;
	[sflag:s7] =	ssyncadd.s32 @!p1 $0xFFFFD700;
	s7 =	rddreg [dreg:$0x5]  }
0x52: {  	[tilespmem:s6], [sflag:$0x5] =	stream.linear.gather @!p2 [hbm4b:s7+s6], $0x1F80, $0x38;
	[tilespmem:$0x18A00] =	vst v63  }
0x53: {  	s7 =	simm.s32 @!p2 $0x5  }
0x54: {  	_ =	swait.ge @!p2 [sflag:s7], $0x1F80  }
0x55: {  	[sflag:s7] =	ssyncset.done @!p2 $0x0  }
0x56: {  	s8 =	simm.s32 @!p2 $0x2900;
	s9 =	rddreg [dreg:$0x6];
	[sflag:s7] =	ssyncadd.s32 @!p2 $0xFFFFE080  }
0x57: {  	[tilespmem:s8], [sflag:$0x5] =	stream.linear.gather @!p2 [hbm4b:s9+s6], $0x1F80, $0x38;
	[tilespmem:$0x18A00] =	vst v63  }
0x58: {  	_ =	swait.ge @!p2 [sflag:s7], $0x1F80  }
0x59: {  	[sflag:s7] =	ssyncset.done @!p2 $0x0  }
0x5a: {  	s6 =	simm.s32 @p0 $0x0;
	[sflag:s7] =	ssyncadd.s32 @!p2 $0xFFFFE080;
	s7 =	rddreg [dreg:$0x7]  }
0x5b: {  	[tilespmem:s6], [sflag:$0x5] =	stream.linear.gather @p0 [hbm4b:s7+s6], $0x2580, $0x38;
	[tilespmem:$0x18A00] =	vst v63  }
0x5c: {  	s7 =	simm.s32 @p0 $0x5  }
0x5d: {  	_ =	swait.ge @p0 [sflag:s7], $0x2580  }
0x5e: {  	[sflag:s7] =	ssyncset.done @p0 $0x0  }
0x5f: {  	s8 =	simm.s32 @p0 $0x2900;
	s9 =	rddreg [dreg:$0x8];
	[sflag:s7] =	ssyncadd.s32 @p0 $0xFFFFDA80  }
0x60: {  	[tilespmem:s8], [sflag:$0x5] =	stream.linear.gather @p0 [hbm4b:s9+s6], $0x2580, $0x38;
	[tilespmem:$0x18A00] =	vst v63  }
0x61: {  	_ =	swait.ge @p0 [sflag:s7], $0x2580  }
0x62: {  	[sflag:s7] =	ssyncset.done @p0 $0x0  }
0x63: {  	s6 =	simm.s32 $0x0;
	[sflag:s7] =	ssyncadd.s32 @p0 $0xFFFFDA80;
	s7 =	simm.s32 $0x140  }
.LBB2_2:
0x64: {  	p4 =	sne.s32 s7, $0x9EC0;
	[tilespmem:s6+$0x7240] =	vst v0;
	s8 =	smov.u32 s7;
	s7 =	sadd.s32 $0x140, s7  }
.Ltmp2:
0x65: {  	[tilespmem:s6+$0x7230] =	vst v0;
	(pc) =	sbr.rel @p4 .LBB2_2-.Ltmp2, $4  }
0x66: {  	[tilespmem:s6+$0x7220] =	vst v0  }
0x67: {  	[tilespmem:s6+$0x7200] =	vst v0  }
0x68: {  	[tilespmem:s6+$0x7210] =	vst v0  }
0x69: {  	s6 =	sshra.s32 s8, $0x2  }
0x6a: {  	[tilespmem:s6+$0x7240] =	vst v0  }
0x6b: {  	[tilespmem:s6+$0x7230] =	vst v0  }
0x6c: {  	[tilespmem:s6+$0x7220] =	vst v0  }
0x6d: {  	[tilespmem:s6+$0x7200] =	vst v0  }
0x6e: {  	[tilespmem:s6+$0x7210] =	vst v0  }
0x6f: {  	[spmem:s12] =	stream.linear.scatter [tilespmem:s25], [sflag:$0x5], $0x2800, $0x38;
	[tilespmem:$0x18A00] =	vst v63  }
0x70: {  	_ =	swait.ge [sflag:s26], $0x2800  }
0x71: {  	[sflag:s26] =	ssyncset.done $0x0  }
0x72: {  	[sflag:s26] =	ssyncadd.s32 $0xFFFFD800  }
0x73: {  	[spmem:s13] =	stream.linear.scatter [tilespmem:s25], [sflag:$0x5], $0x2800, $0x38;
	[tilespmem:$0x18A00] =	vst v63  }
0x74: {  	_ =	swait.ge [sflag:s26], $0x2800  }
0x75: {  	[sflag:s26] =	ssyncset.done $0x0  }
0x76: {  	[sflag:s26] =	ssyncadd.s32 $0xFFFFD800  }
0x77: {  	[spmem:s14] =	stream.linear.scatter [tilespmem:s25], [sflag:$0x5], $0x2800, $0x38;
	[tilespmem:$0x18A00] =	vst v63  }
0x78: {  	_ =	swait.ge [sflag:s26], $0x2800  }
0x79: {  	[sflag:s26] =	ssyncset.done $0x0  }
0x7a: {  	[sflag:s26] =	ssyncadd.s32 $0xFFFFD800  }
0x7b: {  	[spmem:s15] =	stream.linear.scatter [tilespmem:s25], [sflag:$0x5], $0x2800, $0x38;
	[tilespmem:$0x18A00] =	vst v63  }
0x7c: {  	_ =	swait.ge [sflag:s26], $0x2800  }
0x7d: {  	[sflag:s26] =	ssyncset.done $0x0  }
0x7e: {  	[sflag:s26] =	ssyncadd.s32 $0xFFFFD800  }
0x7f: {  	[spmem:s16] =	stream.linear.scatter [tilespmem:s25], [sflag:$0x5], $0x2800, $0x38;
	[tilespmem:$0x18A00] =	vst v63  }
0x80: {  	_ =	swait.ge [sflag:s26], $0x2800  }
0x81: {  	[sflag:s26] =	ssyncset.done $0x0  }
0x82: {  	s6 =	simm.s32 $0x240;
	s7 =	simm.s32 $0x40;
	[sflag:s26] =	ssyncadd.s32 $0xFFFFD800  }
.LBB2_4:
0x83: {  	p4 =	sne.s32 s6, $0x9FC0;
	[tilespmem:s7+$0x7200] =	vst v1;
	s8 =	smov.u32 s6;
	s6 =	sadd.s32 $0x140, s6  }
.Ltmp3:
0x84: {  	[tilespmem:s7+$0x9A00] =	vst v1;
	(pc) =	sbr.rel @p4 .LBB2_4-.Ltmp3, $2  }
0x85: {  	_ =	sdelay $0x2  }
0x86: {  	s7 =	sshra.s32 s8, $0x2  }
0x87: {  	[tilespmem:s7+$0x7200] =	vst v1  }
0x88: {  	[tilespmem:s7+$0x9A00] =	vst v1  }
0x89: {  	s7 =	simm.s32 $0x0;
	s6 =	simm.s32 $0x5200;
	[bflag:$0x0] =	sbarrier.arrive $0xFFFF  }
0x8a: {  	[tilespmem:s6], [sflag:$0x1] =	stream.indirect.gather [hbm4b:s4+s28], $0x20, s7, s28, $0xb8;
	[tilespmem:$0x18A00] =	vst v63  }
0x8b: {  	s18 =	simm.s32 $0x6200  }
0x8c: {  	[tilespmem:s18], [sflag:$0x2] =	stream.indirect.gather [hbm4b:s4+s28], $0x20, s28, s28, $0xb8;
	[tilespmem:$0x18A00] =	vst v63  }
.LBB2_6:
0x8d: {  	_ =	swait.ge [sflag:s31], $0x1000  }
0x8e: {  	[sflag:s31] =	ssyncset.done $0x0  }
0x8f: {  	s6 =	simm.s32 $0x5240;
	[sflag:s31] =	ssyncadd.s32 $0xFFFFF000  }
0x90: {  	v2 =	vld [tilespmem:s6+$0x20];
	_ =	sdelay $0x1  }
0x91: {  	v3 =	vld [tilespmem:s6+$0xFFFFFFE0]  }
0x92: {  	v4 =	vld [tilespmem:s6+$0xFFFFFFC0];
	_ =	sdelay $0x1  }
0x93: {  	s9 =	simm.s32 $0x72A0;
	v5 =	vshll.u32 v2, $0x10  }
0x94: {  	v6 =	vld [tilespmem:s6+$0x0];
	v2 =	vand.u32 $0xFFFF0000, v2;
	[tilespmem:s9+$0x50] =	vst v5  }
0x95: {  	v5 =	vshll.u32 v3, $0x10;
	[tilespmem:s9+$0x70] =	vst v2  }
0x96: {  	v2 =	vshll.u32 v4, $0x10;
	[tilespmem:s9+$0xFFFFFFB0] =	vst v5  }
0x97: {  	v4 =	vand.u32 $0xFFFF0000, v4;
	v5 =	vld [tilespmem:s6+$0x30];
	[tilespmem:s9+$0xFFFFFF60] =	vst v2  }
0x98: {  	v2 =	vand.u32 $0xFFFF0000, v3;
	[tilespmem:s9+$0xFFFFFF80] =	vst v4  }
0x99: {  	v3 =	vshll.u32 v6, $0x10;
	[tilespmem:s9+$0xFFFFFFD0] =	vst v2;
	v4 =	vld [tilespmem:s6+$0xFFFFFFD0]  }
0x9a: {  	v2 =	vand.u32 $0xFFFF0000, v6;
	[tilespmem:s9+$0x0] =	vst v3;
	v3 =	vld [tilespmem:s6+$0xFFFFFFF0]  }
0x9b: {  	[tilespmem:s9+$0x20] =	vst v2  }
0x9c: {  	v2 =	vld [tilespmem:s6+$0x10];
	v6 =	vand.u32 $0xFFFF0000, v5  }
0x9d: {  	s8 =	simm.s32 $0x0;
	s10 =	simm.s32 $0x72A0;
	s6 =	simm.s32 $0x52C0;
	v5 =	vshll.u32 v5, $0x10;
	[tilespmem:s9+$0x80] =	vst v6  }
.LBB2_7:
0x9e: {  	v6 =	vld [tilespmem:s6+$0x20];
	v7 =	vshll.u32 v4, $0x10;
	v4 =	vand.u32 $0xFFFF0000, v4;
	[tilespmem:s9+$0x60] =	vst v5  }
0x9f: {  	s8 =	sadd.s32 $0x4, s8;
	v5 =	vld [tilespmem:s6+$0xFFFFFFE0];
	[tilespmem:s9+$0xFFFFFF70] =	vst v7;
	v7 =	vshll.u32 v3, $0x10;
	v3 =	vand.u32 $0xFFFF0000, v3  }
0xa0: {  	p4 =	slt.u32 s8, $0x7C;
	v8 =	vld [tilespmem:s6+$0x0];
	[tilespmem:s9+$0xFFFFFF90] =	vst v4  }
0xa1: {  	v4 =	vld [tilespmem:s6+$0xFFFFFFC0];
	[tilespmem:s9+$0xFFFFFFC0] =	vst v7;
	v7 =	vshll.u32 v2, $0x10;
	v9 =	vand.u32 $0xFFFF0000, v2  }
0xa2: {  	[tilespmem:s9+$0xFFFFFFE0] =	vst v3  }
0xa3: {  	s9 =	sadd.s32 $0x140, s9;
	v2 =	vshll.u32 v6, $0x10;
	[tilespmem:s10+$0x10] =	vst v7  }
0xa4: {  	v6 =	vand.u32 $0xFFFF0000, v6;
	v3 =	vshll.u32 v5, $0x10;
	v5 =	vand.u32 $0xFFFF0000, v5;
	[tilespmem:s9+$0x50] =	vst v2  }
0xa5: {  	v2 =	vshll.u32 v8, $0x10;
	v7 =	vand.u32 $0xFFFF0000, v8;
	[tilespmem:s9+$0x70] =	vst v6  }
0xa6: {  	v6 =	vshll.u32 v4, $0x10;
	v4 =	vand.u32 $0xFFFF0000, v4;
	[tilespmem:s9+$0xFFFFFFB0] =	vst v3;
	v8 =	vld [tilespmem:s6+$0x30]  }
0xa7: {  	[tilespmem:s9+$0xFFFFFF60] =	vst v6  }
0xa8: {  	[tilespmem:s9+$0xFFFFFF80] =	vst v4  }
.Ltmp4:
0xa9: {  	v4 =	vld [tilespmem:s6+$0xFFFFFFD0];
	[tilespmem:s9+$0xFFFFFFD0] =	vst v5;
	(pc) =	sbr.rel @p4 .LBB2_7-.Ltmp4, $4  }
0xaa: {  	v3 =	vld [tilespmem:s6+$0xFFFFFFF0];
	[tilespmem:s9+$0x0] =	vst v2  }
0xab: {  	[tilespmem:s9+$0x20] =	vst v7;
	v5 =	vshll.u32 v8, $0x10;
	v6 =	vand.u32 $0xFFFF0000, v8  }
0xac: {  	v2 =	vld [tilespmem:s6+$0x10];
	[tilespmem:s9+$0x80] =	vst v6  }
0xad: {  	s6 =	sadd.s32 $0x80, s6;
	[tilespmem:s10+$0x30] =	vst v9;
	s10 =	smov.u32 s9  }
0xae: {  	v6 =	vshll.u32 v4, $0x10;
	[tilespmem:s9+$0x60] =	vst v5  }
0xaf: {  	v4 =	vand.u32 $0xFFFF0000, v4;
	[tilespmem:s9+$0xFFFFFF70] =	vst v6  }
0xb0: {  	s8 =	sshll.u32 s7, $0x1;
	v5 =	vshll.u32 v3, $0x10;
	[tilespmem:s9+$0xFFFFFF90] =	vst v4  }
0xb1: {  	v3 =	vand.u32 $0xFFFF0000, v3;
	s6 =	sadd.s32 $0x2, s8;
	[tilespmem:s9+$0xFFFFFFC0] =	vst v5  }
0xb2: {  	[tilespmem:s9+$0xFFFFFFE0] =	vst v3;
	p4 =	sge.u32 s6, s5;
	v4 =	vshll.u32 v2, $0x10  }
0xb3: {  	s18 =	sshll.u32 s7, $0xA;
	v2 =	vand.u32 $0xFFFF0000, v2;
	s6 =	sshll.u32 @!p4 s6, $0x7;
	[tilespmem:s10+$0x10] =	vst v4  }
0xb4: {  	s9 =	simm.s32 @!p4 $0x80;
	[tilespmem:s10+$0x30] =	vst v2;
	s6 =	sand.u32 @!p4 $0x3FFFFF80, s6;
	s10 =	simm.s32 @!p4 $0x5200  }
0xb5: {  	[tilespmem:s10], [sflag:$0x1] =	stream.indirect.gather @!p4 [hbm4b:s4+s9], $0x20, s6, s9, $0xb8;
	[tilespmem:$0x18A00] =	vst v63  }
0xb6: {  	s9 =	sshra.s32 s18, $0x2  }
0xb7: {  	s6 =	sadd.s32 $0x2900, s9  }
0xb8: {  	[spmem:s1] =	stream.indirect.scatter.add.f32 [tilespmem:s25], [sflag:$0x3], $0x50, s6, s28, $0xb8;
	[tilespmem:$0x18A00] =	vst v63  }
0xb9: {  	_ =	swait.ge [sflag:s0], $0x2800  }
0xba: {  	[sflag:s0] =	ssyncset.done $0x0  }
0xbb: {  	[sflag:s0] =	ssyncadd.s32 $0xFFFFD800  }
0xbc: {  	_ =	swait.ge [sflag:s3], $0x1000  }
0xbd: {  	[sflag:s3] =	ssyncset.done $0x0  }
0xbe: {  	s11 =	simm.s32 $0x6240;
	[sflag:s3] =	ssyncadd.s32 $0xFFFFF000  }
0xbf: {  	v2 =	vld [tilespmem:s11+$0x20];
	_ =	sdelay $0x1  }
0xc0: {  	v3 =	vld [tilespmem:s11+$0xFFFFFFE0]  }
0xc1: {  	v4 =	vld [tilespmem:s11+$0xFFFFFFC0];
	_ =	sdelay $0x1  }
0xc2: {  	s10 =	simm.s32 $0x9AA0;
	v5 =	vshll.u32 v2, $0x10  }
0xc3: {  	v6 =	vld [tilespmem:s11+$0x0];
	v2 =	vand.u32 $0xFFFF0000, v2;
	[tilespmem:s10+$0x50] =	vst v5  }
0xc4: {  	v5 =	vshll.u32 v3, $0x10;
	[tilespmem:s10+$0x70] =	vst v2  }
0xc5: {  	v2 =	vshll.u32 v4, $0x10;
	[tilespmem:s10+$0xFFFFFFB0] =	vst v5  }
0xc6: {  	v4 =	vand.u32 $0xFFFF0000, v4;
	v5 =	vld [tilespmem:s11+$0x30];
	[tilespmem:s10+$0xFFFFFF60] =	vst v2  }
0xc7: {  	v2 =	vand.u32 $0xFFFF0000, v3;
	[tilespmem:s10+$0xFFFFFF80] =	vst v4  }
0xc8: {  	v3 =	vshll.u32 v6, $0x10;
	[tilespmem:s10+$0xFFFFFFD0] =	vst v2;
	v4 =	vld [tilespmem:s11+$0xFFFFFFD0]  }
0xc9: {  	v2 =	vand.u32 $0xFFFF0000, v6;
	[tilespmem:s10+$0x0] =	vst v3;
	v3 =	vld [tilespmem:s11+$0xFFFFFFF0]  }
0xca: {  	[tilespmem:s10+$0x20] =	vst v2  }
0xcb: {  	v2 =	vld [tilespmem:s11+$0x10];
	v6 =	vand.u32 $0xFFFF0000, v5  }
0xcc: {  	s18 =	simm.s32 $0x62C0;
	s6 =	simm.s32 $0x0;
	s11 =	simm.s32 $0x9AA0;
	v5 =	vshll.u32 v5, $0x10;
	[tilespmem:s10+$0x80] =	vst v6  }
.LBB2_9:
0xcd: {  	v6 =	vld [tilespmem:s18+$0x20];
	v7 =	vshll.u32 v4, $0x10;
	v4 =	vand.u32 $0xFFFF0000, v4;
	[tilespmem:s10+$0x60] =	vst v5  }
0xce: {  	s6 =	sadd.s32 $0x4, s6;
	v5 =	vld [tilespmem:s18+$0xFFFFFFE0];
	[tilespmem:s10+$0xFFFFFF70] =	vst v7;
	v7 =	vshll.u32 v3, $0x10;
	v3 =	vand.u32 $0xFFFF0000, v3  }
0xcf: {  	p4 =	slt.u32 s6, $0x7C;
	v8 =	vld [tilespmem:s18+$0x0];
	[tilespmem:s10+$0xFFFFFF90] =	vst v4  }
0xd0: {  	v4 =	vld [tilespmem:s18+$0xFFFFFFC0];
	[tilespmem:s10+$0xFFFFFFC0] =	vst v7;
	v7 =	vshll.u32 v2, $0x10;
	v9 =	vand.u32 $0xFFFF0000, v2  }
0xd1: {  	[tilespmem:s10+$0xFFFFFFE0] =	vst v3  }
0xd2: {  	s10 =	sadd.s32 $0x140, s10;
	v2 =	vshll.u32 v6, $0x10;
	[tilespmem:s11+$0x10] =	vst v7  }
0xd3: {  	v6 =	vand.u32 $0xFFFF0000, v6;
	v3 =	vshll.u32 v5, $0x10;
	v5 =	vand.u32 $0xFFFF0000, v5;
	[tilespmem:s10+$0x50] =	vst v2  }
0xd4: {  	v2 =	vshll.u32 v8, $0x10;
	v7 =	vand.u32 $0xFFFF0000, v8;
	[tilespmem:s10+$0x70] =	vst v6  }
0xd5: {  	v6 =	vshll.u32 v4, $0x10;
	v4 =	vand.u32 $0xFFFF0000, v4;
	[tilespmem:s10+$0xFFFFFFB0] =	vst v3;
	v8 =	vld [tilespmem:s18+$0x30]  }
0xd6: {  	[tilespmem:s10+$0xFFFFFF60] =	vst v6  }
0xd7: {  	[tilespmem:s10+$0xFFFFFF80] =	vst v4  }
.Ltmp5:
0xd8: {  	v4 =	vld [tilespmem:s18+$0xFFFFFFD0];
	[tilespmem:s10+$0xFFFFFFD0] =	vst v5;
	(pc) =	sbr.rel @p4 .LBB2_9-.Ltmp5, $4  }
0xd9: {  	v3 =	vld [tilespmem:s18+$0xFFFFFFF0];
	[tilespmem:s10+$0x0] =	vst v2  }
0xda: {  	[tilespmem:s10+$0x20] =	vst v7;
	v5 =	vshll.u32 v8, $0x10;
	v6 =	vand.u32 $0xFFFF0000, v8  }
0xdb: {  	v2 =	vld [tilespmem:s18+$0x10];
	[tilespmem:s10+$0x80] =	vst v6  }
0xdc: {  	s18 =	sadd.s32 $0x80, s18;
	[tilespmem:s11+$0x30] =	vst v9;
	s11 =	smov.u32 s10  }
0xdd: {  	v6 =	vshll.u32 v4, $0x10;
	[tilespmem:s10+$0x60] =	vst v5  }
0xde: {  	v61 =	vand.u32 $0xFFFF0000, v4;
	[tilespmem:s10+$0xFFFFFF70] =	vst v6  }
0xdf: {  	v62 =	vshll.u32 v3, $0x10;
	[tilespmem:s10+$0xFFFFFF90] =	vst v61  }
0xe0: {  	s6 =	sadd.s32 $0x3, s8;
	v3 =	vand.u32 $0xFFFF0000, v3;
	[tilespmem:s10+$0xFFFFFFC0] =	vst v62  }
0xe1: {  	p4 =	sge.u32 s6, s5;
	[tilespmem:s10+$0xFFFFFFE0] =	vst v3;
	v63 =	vshll.u32 v2, $0x10  }
0xe2: {  	s7 =	sadd.s32 $0x1, s7;
	s6 =	sshll.u32 @!p4 s6, $0x7;
	v2 =	vand.u32 $0xFFFF0000, v2;
	[tilespmem:s11+$0x10] =	vst v63  }
0xe3: {  	s8 =	simm.s32 @!p4 $0x80;
	s10 =	simm.s32 @!p4 $0x6200;
	s6 =	sand.u32 @!p4 $0x3FFFFF80, s6;
	[tilespmem:s11+$0x30] =	vst v2  }
0xe4: {  	[tilespmem:s10], [sflag:$0x2] =	stream.indirect.gather @!p4 [hbm4b:s4+s8], $0x20, s6, s8, $0xb8;
	[tilespmem:$0x18A00] =	vst v63  }
0xe5: {  	p4 =	sne.s32 s7, s17  }
.Ltmp6:
0xe6: {  	s18 =	sadd.s32 $0x2980, s9;
	(pc) =	sbr.rel @p4 .LBB2_6-.Ltmp6, $4  }
0xe7: {  	[spmem:s1] =	stream.indirect.scatter.add.f32 [tilespmem:s29], [sflag:$0x4], $0x50, s18, s28, $0xb8;
	[tilespmem:$0x18A00] =	vst v63  }
0xe8: {  	_ =	swait.ge [sflag:s30], $0x2800  }
0xe9: {  	[sflag:s30] =	ssyncset.done $0x0  }
0xea: {  	[sflag:s30] =	ssyncadd.s32 $0xFFFFD800  }
.Ltmp7:
0xeb: {  	(pc) =	sbr.rel @p3 .LBB2_15-.Ltmp7, $1  }
0xec: {  	_ =	sdelay $0x3  }
0xed: {  	_ =	swait.ge [sflag:s31], $0x1000  }
0xee: {  	[sflag:s31] =	ssyncset.done $0x0  }
0xef: {  	s8 =	simm.s32 $0x5240;
	[sflag:s31] =	ssyncadd.s32 $0xFFFFF000  }
0xf0: {  	v2 =	vld [tilespmem:s8+$0x20];
	_ =	sdelay $0x1  }
0xf1: {  	v3 =	vld [tilespmem:s8+$0xFFFFFFE0]  }
0xf2: {  	v4 =	vld [tilespmem:s8+$0xFFFFFFC0];
	_ =	sdelay $0x1  }
0xf3: {  	s7 =	simm.s32 $0x72A0;
	v5 =	vshll.u32 v2, $0x10  }
0xf4: {  	v6 =	vld [tilespmem:s8+$0x0];
	v2 =	vand.u32 $0xFFFF0000, v2;
	[tilespmem:s7+$0x50] =	vst v5  }
0xf5: {  	v5 =	vshll.u32 v3, $0x10;
	[tilespmem:s7+$0x70] =	vst v2  }
0xf6: {  	v2 =	vshll.u32 v4, $0x10;
	[tilespmem:s7+$0xFFFFFFB0] =	vst v5  }
0xf7: {  	v4 =	vand.u32 $0xFFFF0000, v4;
	v5 =	vld [tilespmem:s8+$0x30];
	[tilespmem:s7+$0xFFFFFF60] =	vst v2  }
0xf8: {  	v2 =	vand.u32 $0xFFFF0000, v3;
	[tilespmem:s7+$0xFFFFFF80] =	vst v4  }
0xf9: {  	v3 =	vshll.u32 v6, $0x10;
	[tilespmem:s7+$0xFFFFFFD0] =	vst v2;
	v4 =	vld [tilespmem:s8+$0xFFFFFFD0]  }
0xfa: {  	v2 =	vand.u32 $0xFFFF0000, v6;
	[tilespmem:s7+$0x0] =	vst v3;
	v3 =	vld [tilespmem:s8+$0xFFFFFFF0]  }
0xfb: {  	[tilespmem:s7+$0x20] =	vst v2  }
0xfc: {  	v2 =	vld [tilespmem:s8+$0x10];
	v6 =	vand.u32 $0xFFFF0000, v5  }
0xfd: {  	s6 =	simm.s32 $0x0;
	s9 =	simm.s32 $0x52C0;
	s8 =	simm.s32 $0x72A0;
	v5 =	vshll.u32 v5, $0x10;
	[tilespmem:s7+$0x80] =	vst v6  }
.LBB2_13:
0xfe: {  	v6 =	vld [tilespmem:s9+$0x20];
	v7 =	vshll.u32 v4, $0x10;
	v4 =	vand.u32 $0xFFFF0000, v4;
	[tilespmem:s7+$0x60] =	vst v5  }
0xff: {  	s6 =	sadd.s32 $0x4, s6;
	v5 =	vld [tilespmem:s9+$0xFFFFFFE0];
	[tilespmem:s7+$0xFFFFFF70] =	vst v7;
	v7 =	vshll.u32 v3, $0x10;
	v3 =	vand.u32 $0xFFFF0000, v3  }
0x100: {  	p4 =	slt.u32 s6, $0x7C;
	v8 =	vld [tilespmem:s9+$0x0];
	[tilespmem:s7+$0xFFFFFF90] =	vst v4  }
0x101: {  	v4 =	vld [tilespmem:s9+$0xFFFFFFC0];
	[tilespmem:s7+$0xFFFFFFC0] =	vst v7;
	v7 =	vshll.u32 v2, $0x10;
	v9 =	vand.u32 $0xFFFF0000, v2  }
0x102: {  	[tilespmem:s7+$0xFFFFFFE0] =	vst v3  }
0x103: {  	s7 =	sadd.s32 $0x140, s7;
	v2 =	vshll.u32 v6, $0x10;
	[tilespmem:s8+$0x10] =	vst v7  }
0x104: {  	v6 =	vand.u32 $0xFFFF0000, v6;
	v3 =	vshll.u32 v5, $0x10;
	v5 =	vand.u32 $0xFFFF0000, v5;
	[tilespmem:s7+$0x50] =	vst v2  }
0x105: {  	v2 =	vshll.u32 v8, $0x10;
	v7 =	vand.u32 $0xFFFF0000, v8;
	[tilespmem:s7+$0x70] =	vst v6  }
0x106: {  	v6 =	vshll.u32 v4, $0x10;
	v4 =	vand.u32 $0xFFFF0000, v4;
	[tilespmem:s7+$0xFFFFFFB0] =	vst v3;
	v8 =	vld [tilespmem:s9+$0x30]  }
0x107: {  	[tilespmem:s7+$0xFFFFFF60] =	vst v6  }
0x108: {  	[tilespmem:s7+$0xFFFFFF80] =	vst v4  }
.Ltmp8:
0x109: {  	v4 =	vld [tilespmem:s9+$0xFFFFFFD0];
	[tilespmem:s7+$0xFFFFFFD0] =	vst v5;
	(pc) =	sbr.rel @p4 .LBB2_13-.Ltmp8, $4  }
0x10a: {  	v3 =	vld [tilespmem:s9+$0xFFFFFFF0];
	[tilespmem:s7+$0x0] =	vst v2  }
0x10b: {  	[tilespmem:s7+$0x20] =	vst v7;
	v5 =	vshll.u32 v8, $0x10;
	v6 =	vand.u32 $0xFFFF0000, v8  }
0x10c: {  	v2 =	vld [tilespmem:s9+$0x10];
	[tilespmem:s7+$0x80] =	vst v6  }
0x10d: {  	s9 =	sadd.s32 $0x80, s9;
	[tilespmem:s8+$0x30] =	vst v9;
	s8 =	smov.u32 s7  }
0x10e: {  	v6 =	vshll.u32 v4, $0x10;
	[tilespmem:s7+$0x60] =	vst v5  }
0x10f: {  	v61 =	vand.u32 $0xFFFF0000, v4;
	[tilespmem:s7+$0xFFFFFF70] =	vst v6  }
0x110: {  	v62 =	vshll.u32 v3, $0x10;
	[tilespmem:s7+$0xFFFFFF90] =	vst v61  }
0x111: {  	v3 =	vand.u32 $0xFFFF0000, v3;
	[tilespmem:s7+$0xFFFFFFC0] =	vst v62  }
0x112: {  	[tilespmem:s7+$0xFFFFFFE0] =	vst v3;
	v63 =	vshll.u32 v2, $0x10  }
0x113: {  	v2 =	vand.u32 $0xFFFF0000, v2;
	[tilespmem:s8+$0x10] =	vst v63  }
0x114: {  	[tilespmem:s8+$0x30] =	vst v2  }
.Ltmp9:
0x115: {  	s6 =	rddreg [dreg:$0xa];
	(pc) =	sbr.rel .LBB2_15-.Ltmp9, $4  }
0x116: {  	[spmem:s1] =	stream.indirect.scatter.add.f32 [tilespmem:s25], [sflag:$0x3], $0x50, s6, s28, $0xb8;
	[tilespmem:$0x18A00] =	vst v63  }
0x117: {  	_ =	swait.ge [sflag:s0], $0x2800  }
0x118: {  	[sflag:s0] =	ssyncset.done $0x0  }
0x119: {  	[sflag:s0] =	ssyncadd.s32 $0xFFFFD800  }
.LBB2_16:
0x11a: {  	_ =	sfence.sel $0x180000  }
0x11b: {  	[bflag:$0x0] =	sbarrier.arrive $0xFFFF  }
0x11c: {  	_ =	strace $0x90000047  }
0x11d: {  	s0 =	stileid.u32;
	[bflag:$0x2] =	sbarrier.arrive $0xFFFF  }
0x11e: {  	p0 =	sne.s32 s0, $0x0;
	s0 =	rddreg [dreg:$0x2]  }
0x11f: {  	s0 =	sadd.s32 @!p0 $0x100000, s0  }
0x120: {  	[sflag:s0] =	ssyncadd.tile.s32 @!p0 $0x1;
	_ =	shalt  }
.Lfunc_end2:
_tile_overlayer_lowered:
.L_overlay_start_2:
0x121: {  	(tag) =	ssettag $0x2  }
0x122: {  	s0 =	rddreg [dreg:$0x0];
	s2 =	stileid.u32  }
0x123: {  	s1 =	rddreg [dreg:$0x1];
	p0 =	sne.s32 s2, $0x0  }
0x124: {  	s3 =	rddreg [dreg:$0x2];
	[bflag:$0x3] =	sbarrier.arrive $0xFFFF;
	s2 =	simm.s32 @!p0 $0x1C05  }
0x125: {  	[timem:s3], [sflag:s2] =	dma.local @!p0 [hbm:s0], s1  }
0x126: {  	s0 =	simm.s32 @!p0 $0x5  }
0x127: {  	_ =	swait.ge @!p0 [sflag:s0], s1  }
0x128: {  	s1 =	ssub.s32 @!p0 $0x0, s1;
	[sflag:s0] =	ssyncset.done @!p0 $0x0  }
0x129: {  	[sflag:s0] =	ssyncadd.s32 @!p0 s1  }
0x12a: {  	[bflag:$0x3] =	sbarrier.arrive $0xFFFF  }
0x12b: {  	_ =	shalt  }

</sc_bundles>
